<compile_context>
chip_gen: v7x
topology: tpu7x:2x2x1
jax: 0.10.2.dev20260603
libtpu: 0.0.44.dev20260713+nightly
codegen_flags: <defaults>
</compile_context>

<pallas_src>
import functools

import jax
import jax.numpy as jnp
from jax import lax
from jax.experimental import pallas as pl
from jax.experimental.pallas import tpu as pltpu
from jax.experimental.pallas import tpu_sc as plsc

N = 10000
N_PAD = 10240
F = 128
E = 320000
E_PAD = 327680
SUPER = 16
SCH = 20
CE = 64
NODES_PER_TILE = N_PAD // 16
RED = 128
N_ACC = 10048


def _sc_deg_body(src_hbm, dst_hbm, w_hbm, norm_hbm,
                 src_sc, dst_sc, w_sc, norm_sc, degp, tmp, dslice,
                 partials, sdinv):
    cid = lax.axis_index("c")
    sid = lax.axis_index("s")
    zeros16f = jnp.zeros((16,), jnp.float32)

    @pl.loop(0, N_PAD // 16)
    def _zero_deg(i):
        degp[pl.ds(i * 16, 16)] = zeros16f

    @pl.loop(0, SUPER)
    def _deg_super(sj):
        pltpu.sync_copy(dst_hbm.at[sid, sj], dst_sc)
        pltpu.sync_copy(w_hbm.at[sid, sj], w_sc)

        @pl.loop(0, SCH)
        def _deg(j):
            for k in range(CE // 16):
                dv = dst_sc[j, pl.ds(k * 16, 16)]
                wv = w_sc[j, pl.ds(k * 16, 16)]
                plsc.addupdate_scatter(degp, [dv], wv)

    pltpu.sync_copy(degp, partials.at[sid])
    plsc.subcore_barrier()

    @pl.loop(0, NODES_PER_TILE // RED)
    def _red(b):
        pltpu.sync_copy(
            partials.at[:, pl.ds(sid * NODES_PER_TILE + b * RED, RED)], tmp)

        @pl.loop(0, RED // 16)
        def _rsqrt(i):
            s = tmp[0, pl.ds(i * 16, 16)]
            for k in range(1, 16):
                s = s + tmp[k, pl.ds(i * 16, 16)]
            bits = plsc.bitcast(s, jnp.int32)
            y = plsc.bitcast(jnp.int32(0x5F3759DF) - (bits >> 1), jnp.float32)
            for _ in range(4):
                y = y * (1.5 - 0.5 * s * y * y)
            dslice[pl.ds(b * RED + i * 16, 16)] = jnp.where(s > 0.0, y, 0.0)

    pltpu.sync_copy(dslice, sdinv.at[pl.ds(sid * NODES_PER_TILE, NODES_PER_TILE)])
    plsc.subcore_barrier()
    pltpu.sync_copy(sdinv, degp)

    @pl.loop(0, SUPER // 2)
    def _norm_super(sj2):
        sj = sj2 * 2 + cid
        pltpu.sync_copy(src_hbm.at[sid, sj], src_sc)
        pltpu.sync_copy(dst_hbm.at[sid, sj], dst_sc)
        pltpu.sync_copy(w_hbm.at[sid, sj], w_sc)

        @pl.loop(0, SCH)
        def _nc(j):
            for k in range(CE // 16):
                sv = src_sc[j, pl.ds(k * 16, 16)]
                dv = dst_sc[j, pl.ds(k * 16, 16)]
                wv = w_sc[j, pl.ds(k * 16, 16)]
                nv = (-wv * plsc.load_gather(degp, [sv])
                      * plsc.load_gather(degp, [dv]))
                norm_sc[j, pl.ds(k * 16, 16)] = nv

        pltpu.sync_copy(norm_sc, norm_hbm.at[sid, sj])


def _sc_deg(src4d, dst4d, w4d):
    mesh = plsc.VectorSubcoreMesh(core_axis_name="c", subcore_axis_name="s")
    return pl.kernel(
        _sc_deg_body,
        out_type=jax.ShapeDtypeStruct((16, SUPER, SCH, CE), jnp.float32),
        mesh=mesh,
        scratch_types=[
            pltpu.VMEM((SCH, CE), jnp.int32),
            pltpu.VMEM((SCH, CE), jnp.int32),
            pltpu.VMEM((SCH, CE), jnp.float32),
            pltpu.VMEM((SCH, CE), jnp.float32),
            pltpu.VMEM((N_PAD,), jnp.float32),
            pltpu.VMEM((16, RED), jnp.float32),
            pltpu.VMEM((NODES_PER_TILE,), jnp.float32),
            pltpu.VMEM_SHARED((16, N_PAD), jnp.float32),
            pltpu.VMEM_SHARED((N_PAD,), jnp.float32),
        ],
        compiler_params=pltpu.CompilerParams(needs_layout_passes=False),
    )(src4d, dst4d, w4d)


def _sc_propagate_body(idx_hbm, dst_hbm, norm_hbm, xh_hbm, out_hbm,
                       src_sc, dst_sc, norm_sc, rows, acc,
                       gsem0, gsem1, gsem2, ssem0, ssem1):
    cid = lax.axis_index("c")
    sid = lax.axis_index("s")
    zeros16f = jnp.zeros((16,), jnp.float32)
    G = [rows.at[pl.ds(t * CE, CE), :] for t in range(3)]
    S = [rows.at[pl.ds((3 + t) * CE, CE), :] for t in range(2)]
    GS = [gsem0, gsem1, gsem2]
    SS = [ssem0, ssem1]

    @pl.loop(0, CE)
    def _zero_rows(r):
        for k in range(8):
            rows[r, pl.ds(k * 16, 16)] = zeros16f

    @pl.when(sid < 15)
    def _zero_acc():
        for b in range(NODES_PER_TILE // CE):
            pltpu.sync_copy(
                G[0], acc.at[pl.ds(sid * NODES_PER_TILE + b * CE, CE), :])

    @pl.when(sid == 15)
    def _zero_acc_last():
        for b in range((N_ACC - 15 * NODES_PER_TILE) // CE):
            pltpu.sync_copy(
                G[0], acc.at[pl.ds(15 * NODES_PER_TILE + b * CE, CE), :])

    plsc.subcore_barrier()

    def issue_gather(jj, tg):
        pltpu.async_copy(xh_hbm.at[src_sc.at[jj]], G[tg], GS[tg])

    def wait_gather(jj, tg):
        pltpu.make_async_copy(xh_hbm.at[src_sc.at[jj]], G[tg], GS[tg]).wait()

    def issue_scatter(jj, ts):
        pltpu.async_copy(S[ts], acc.at[dst_sc.at[jj]], SS[ts], add=True)

    def wait_scatter(jj, ts):
        pltpu.make_async_copy(S[ts], acc.at[dst_sc.at[jj]], SS[ts]).wait()

    def scale_into(jj, tg, ts):
        pass

    @pl.loop(0, SUPER)
    def _super(sj):
        pltpu.sync_copy(idx_hbm.at[cid, sid, sj], src_sc)
        pltpu.sync_copy(dst_hbm.at[sid, sj], dst_sc)
        pltpu.sync_copy(norm_hbm.at[sid, sj], norm_sc)

        for t in range(3):
            issue_gather(t, t)
        for j in range(2):
            wait_gather(j, j)
            scale_into(j, j, j)
            issue_scatter(j, j)
            issue_gather(j + 3, j)

        @pl.loop(0, (SCH - 2) // 6)
        def _grp(q):
            base = 2 + q * 6
            for i in range(6):
                jj = base + i
                tg = (2 + i) % 3
                ts = i % 2
                wait_gather(jj, tg)
                wait_scatter(jj, ts)
                scale_into(jj, tg, ts)
                issue_scatter(jj, ts)

                @pl.when(jj + 3 < SCH)
                def _ig():
                    issue_gather(jj + 3, tg)

        wait_scatter(0, 0)
        wait_scatter(1, 1)

    plsc.subcore_barrier()

    @pl.when(sid < 15)
    def _wr():
        pltpu.sync_copy(
            acc.at[pl.ds(sid * NODES_PER_TILE, NODES_PER_TILE), :],
            out_hbm.at[cid, pl.ds(sid * NODES_PER_TILE, NODES_PER_TILE), :])

    @pl.when(sid == 15)
    def _wr_last():
        pltpu.sync_copy(
            acc.at[pl.ds(15 * NODES_PER_TILE, N_ACC - 15 * NODES_PER_TILE), :],
            out_hbm.at[cid, pl.ds(15 * NODES_PER_TILE, N_ACC - 15 * NODES_PER_TILE), :])


def _sc_propagate(idx5d, dst4d, norm4d, xh):
    mesh = plsc.VectorSubcoreMesh(core_axis_name="c", subcore_axis_name="s")
    return pl.kernel(
        _sc_propagate_body,
        out_type=jax.ShapeDtypeStruct((2, N_ACC, F), jnp.float32),
        mesh=mesh,
        scratch_types=[
            pltpu.VMEM((SCH, CE), jnp.int32),
            pltpu.VMEM((SCH, CE), jnp.int32),
            pltpu.VMEM((SCH, CE), jnp.float32),
            pltpu.VMEM((5 * CE, F), jnp.float32),
            pltpu.VMEM_SHARED((N_ACC, F), jnp.float32),
            pltpu.SemaphoreType.DMA,
            pltpu.SemaphoreType.DMA,
            pltpu.SemaphoreType.DMA,
            pltpu.SemaphoreType.DMA,
            pltpu.SemaphoreType.DMA,
        ],
        compiler_params=pltpu.CompilerParams(needs_layout_passes=False),
    )(idx5d, dst4d, norm4d, xh)


def _tc_body(x_r, px_r, h_r, ph_r, c_r, w0x_r, w1x_r, w0h_r, w1h_r,
             ball_r, wc_r, lnp_r, fc2w_r, fc2b_r, pred_r, hid_r, cell_r):
    x = x_r[...]
    px = px_r[...]
    h = h_r[...]
    ph = ph_r[...]
    c = c_r[...]
    pre = jnp.dot(x, w0x_r[...], preferred_element_type=jnp.float32)
    pre = pre + jnp.dot(px, w1x_r[...], preferred_element_type=jnp.float32)
    pre = pre + jnp.dot(h, w0h_r[...], preferred_element_type=jnp.float32)
    pre = pre + jnp.dot(ph, w1h_r[...], preferred_element_type=jnp.float32)
    pre = pre + ball_r[...]
    wc = wc_r[...]
    ii = pre[:, 0:128]
    ff = pre[:, 128:256]
    gg = pre[:, 256:384]
    oo = pre[:, 384:512]
    i = jax.nn.sigmoid(ii + wc[0:1] * c)
    f = jax.nn.sigmoid(ff + wc[1:2] * c)
    g = jnp.tanh(gg)
    cn = f * c + i * g
    o = jax.nn.sigmoid(oo + wc[2:3] * cn)
    hn = o * jnp.tanh(cn)

    def ln(v, gamma, beta):
        m = jnp.mean(v, axis=-1, keepdims=True)
        d = v - m
        var = jnp.mean(d * d, axis=-1, keepdims=True)
        return d * lax.rsqrt(var + 1e-5) * gamma + beta

    lnp = lnp_r[...]
    hid_r[...] = ln(hn, lnp[0:1], lnp[1:2])
    cell_r[...] = ln(cn, lnp[2:3], lnp[3:4])
    ov = ln(jnp.maximum(hn, 0.0), lnp[4:5], lnp[5:6])
    o2 = jnp.maximum(ov, 0.0)
    pred_r[...] = jax.nn.sigmoid(
        jnp.dot(o2, fc2w_r[...], preferred_element_type=jnp.float32) + fc2b_r[...])


def _tc_call(x, px, h, ph, c, w0x, w1x, w0h, w1h, ball, wc, lnp, fc2w, fc2b):
    R = 1000
    grid = (N // R,)
    row_spec = pl.BlockSpec((R, F), lambda i: (i, 0))
    full = lambda shape: pl.BlockSpec(shape, lambda i: tuple(0 for _ in shape))
    return pl.pallas_call(
        _tc_body,
        grid=grid,
        in_specs=[row_spec, row_spec, row_spec, row_spec, row_spec,
                  full((F, 512)), full((F, 512)), full((F, 512)), full((F, 512)),
                  full((1, 512)), full((3, F)), full((6, F)),
                  full((F, F)), full((1, F))],
        out_specs=[row_spec, row_spec, row_spec],
        out_shape=[jax.ShapeDtypeStruct((N, F), jnp.float32),
                   jax.ShapeDtypeStruct((N, F), jnp.float32),
                   jax.ShapeDtypeStruct((N, F), jnp.float32)],
    )(x, px, h, ph, c, w0x, w1x, w0h, w1h, ball, wc, lnp, fc2w, fc2b)


def kernel(X, edge_index, edge_weight, skip, H, C, Wx, bx, Wh, bh, wc, bg,
           ln_h_g, ln_h_b, ln_c_g, ln_c_b, ln_o_g, ln_o_b,
           fc1_w, fc1_b, fc2_w, fc2_b):
    x = X[0]
    h = H[0]
    c = C[0]
    src = edge_index[0]
    dst = edge_index[1]
    pad = E_PAD - E
    zi = jnp.zeros((pad,), jnp.int32)
    src4d = jnp.concatenate([src, zi]).reshape(16, SUPER, SCH, CE)
    dst4d = jnp.concatenate([dst, zi]).reshape(16, SUPER, SCH, CE)
    w4d = jnp.concatenate([edge_weight, jnp.zeros((pad,), jnp.float32)]
                          ).reshape(16, SUPER, SCH, CE)
    del pad

    idx5d = jnp.stack([src4d, src4d + N])
    norm4d = _sc_deg(src4d, dst4d, w4d)
    out_sc = _sc_propagate(idx5d, dst4d, norm4d, jnp.concatenate([x, h]))
    px = out_sc[0, :N]
    ph = out_sc[1, :N]

    w0x = jnp.transpose(Wx[:, 0], (1, 0, 2)).reshape(F, 512)
    w1x = jnp.transpose(Wx[:, 1], (1, 0, 2)).reshape(F, 512)
    w0h = jnp.transpose(Wh[:, 0], (1, 0, 2)).reshape(F, 512)
    w1h = jnp.transpose(Wh[:, 1], (1, 0, 2)).reshape(F, 512)
    ball = (bx + bh + bg).reshape(1, 512)
    lnp = jnp.stack([ln_h_g, ln_h_b, ln_c_g, ln_c_b, ln_o_g, ln_o_b])
    fc2p = jnp.pad(fc2_w, ((0, 0), (0, F - 1)))
    fc2b = jnp.pad(fc2_b, (0, F - 1)).reshape(1, F)

    pred, hid, cell = _tc_call(x, px, h, ph, c, w0x, w1x, w0h, w1h,
                               ball, wc, lnp, fc2p, fc2b)
    return pred[:, :1], hid[None], cell[None]

# --- scband reference (transcript-rebuilt; emitter-appended) ---
"""Pipeline reference for scband-decoder-36498632082046 (READ-ONLY COPY).

The authoritative reference and input builder live on the scoring server;
editing this copy changes nothing except your own understanding.
"""

import jax, jax.numpy as jnp
import numpy as np

N = 10000
E = 320000
F_IN = 128
HID = 128


def _layer_norm(x, g, b, eps=1e-5):
    m = jnp.mean(x, axis=-1, keepdims=True)
    v = jnp.var(x, axis=-1, keepdims=True)
    return (x - m) / jnp.sqrt(v + eps) * g + b


def _propagate(x, src, dst, w):
    # scaled Chebyshev Laplacian T_1(L_hat) x with lambda_max=2 and sym norm:
    # L_hat = L - I = -D^{-1/2} A D^{-1/2}
    deg = jax.ops.segment_sum(w, dst, num_segments=N)
    dinv = jnp.where(deg > 0, 1.0 / jnp.sqrt(deg), 0.0)
    norm = -w * dinv[src] * dinv[dst]
    return jax.ops.segment_sum(norm[:, None] * x[src], dst, num_segments=N)


def _cheb(x, W, b, src, dst, w):
    # ChebConv with K=2: T_0 x @ W0 + T_1 x @ W1 + b
    return x @ W[0] + _propagate(x, src, dst, w) @ W[1] + b


def setup_inputs(seed: int = 0):
    key = jax.random.key(seed)
    ks = jax.random.split(key, 16)
    s = 0.05
    inp = {}
    inp["X"] = jax.random.normal(ks[0], (1, N, F_IN), dtype=jnp.float32)
    inp["edge_index"] = jax.random.randint(ks[1], (2, E), 0, N, dtype=jnp.int32)
    inp["edge_weight"] = jax.random.uniform(ks[2], (E,), dtype=jnp.float32)
    inp["skip"] = jax.random.normal(ks[3], (1, N, HID), dtype=jnp.float32)
    inp["H"] = jax.random.normal(ks[4], (1, N, HID), dtype=jnp.float32)
    inp["C"] = jax.random.normal(ks[5], (1, N, HID), dtype=jnp.float32)
    # GConvLSTM params: 4 gates (i, f, c, o), each with a K=2 ChebConv on x and on h
    inp["Wx"] = jax.random.normal(ks[6], (4, 2, F_IN, HID), dtype=jnp.float32) * s
    inp["bx"] = jnp.zeros((4, HID), dtype=jnp.float32)
    inp["Wh"] = jax.random.normal(ks[7], (4, 2, HID, HID), dtype=jnp.float32) * s
    inp["bh"] = jnp.zeros((4, HID), dtype=jnp.float32)
    inp["wc"] = jax.random.normal(ks[8], (3, HID), dtype=jnp.float32) * s  # peephole w_ci, w_cf, w_co
    inp["bg"] = jnp.zeros((4, HID), dtype=jnp.float32)  # gate biases
    inp["ln_h_g"] = jnp.ones((HID,), dtype=jnp.float32)
    inp["ln_h_b"] = jnp.zeros((HID,), dtype=jnp.float32)
    inp["ln_c_g"] = jnp.ones((HID,), dtype=jnp.float32)
    inp["ln_c_b"] = jnp.zeros((HID,), dtype=jnp.float32)
    inp["ln_o_g"] = jnp.ones((HID,), dtype=jnp.float32)
    inp["ln_o_b"] = jnp.zeros((HID,), dtype=jnp.float32)
    inp["fc1_w"] = jax.random.normal(ks[9], (HID, HID), dtype=jnp.float32) * s
    inp["fc1_b"] = jnp.zeros((HID,), dtype=jnp.float32)
    inp["fc2_w"] = jax.random.normal(ks[10], (HID, 1), dtype=jnp.float32) * s
    inp["fc2_b"] = jnp.zeros((1,), dtype=jnp.float32)
    return inp


def reference(X, edge_index, edge_weight, skip, H, C, Wx, bx, Wh, bh, wc, bg,
              ln_h_g, ln_h_b, ln_c_g, ln_c_b, ln_o_g, ln_o_b,
              fc1_w, fc1_b, fc2_w, fc2_b):
    src = edge_index[0]
    dst = edge_index[1]
    x = X[0]
    h = H[0]
    c = C[0]
    ew = edge_weight
    i = jax.nn.sigmoid(_cheb(x, Wx[0], bx[0], src, dst, ew) + _cheb(h, Wh[0], bh[0], src, dst, ew) + wc[0] * c + bg[0])
    f = jax.nn.sigmoid(_cheb(x, Wx[1], bx[1], src, dst, ew) + _cheb(h, Wh[1], bh[1], src, dst, ew) + wc[1] * c + bg[1])
    g = jnp.tanh(_cheb(x, Wx[2], bx[2], src, dst, ew) + _cheb(h, Wh[2], bh[2], src, dst, ew) + bg[2])
    c_new = f * c + i * g
    o = jax.nn.sigmoid(_cheb(x, Wx[3], bx[3], src, dst, ew) + _cheb(h, Wh[3], bh[3], src, dst, ew) + wc[2] * c_new + bg[3])
    h_new = o * jnp.tanh(c_new)
    hidden = _layer_norm(h_new, ln_h_g, ln_h_b)[None]
    cell = _layer_norm(c_new, ln_c_g, ln_c_b)[None]
    out = jax.nn.relu(h_new)  # output.squeeze(0); relu
    out = _layer_norm(out, ln_o_g, ln_o_b)
    _dead = out @ fc1_w + fc1_b  # prediction = fc_out1(output), immediately overwritten in torch code
    out2 = jax.nn.relu(out)
    prediction = jax.nn.sigmoid(out2 @ fc2_w + fc2_b)
    return prediction, hidden, cell


if False:  # reference __main__ guard neutralized (emitter)
    outs = reference(**setup_inputs())
    print([o.shape for o in outs])

if __name__ == "__main__":
    import jax
    _d = setup_inputs()
    print(jax.jit(kernel)(*tuple(_d.values())))

</pallas_src>

<mosaic_0001>
#map = affine_map<(d0, d1) -> (0, 0, 0, 0)>
module attributes {stable_mosaic.version = 14 : i64} {
  func.func @_sc_deg_body(%arg0: i32, %arg1: i32, %arg2: memref<16x16x20x64xi32, #tpu.memory_space<hbm>>, %arg3: memref<16x16x20x64xi32, #tpu.memory_space<hbm>>, %arg4: memref<16x16x20x64xf32, #tpu.memory_space<hbm>>, %arg5: memref<16x16x20x64xf32, #tpu.memory_space<hbm>>, %arg6: memref<20x64xi32, #tpu.memory_space<vmem>>, %arg7: memref<20x64xi32, #tpu.memory_space<vmem>>, %arg8: memref<20x64xf32, #tpu.memory_space<vmem>>, %arg9: memref<20x64xf32, #tpu.memory_space<vmem>>, %arg10: memref<10240xf32, #tpu.memory_space<vmem>>, %arg11: memref<16x128xf32, #tpu.memory_space<vmem>>, %arg12: memref<640xf32, #tpu.memory_space<vmem>>, %arg13: memref<16x10240xf32, #tpu.memory_space<vmem_shared>>, %arg14: memref<10240xf32, #tpu.memory_space<vmem_shared>>) attributes {dimension_semantics = [#tpu.dimension_semantics<core_parallel>, #tpu.dimension_semantics<subcore_parallel>], iteration_bounds = array<i64: 2, 16>, scalar_prefetch = 0 : i64, scratch_operands = 9 : i64, tpu.core_type = #tpu.core_type<sc_vector_subcore>, window_params = [{transform_indices = #map}, {transform_indices = #map}, {transform_indices = #map}, {transform_indices = #map}]} {
    %broadcast_in_dim3A = arith.constant 0.000000e+00 : f32
    %broadcast_in_dim3A_0 = vector.broadcast %broadcast_in_dim3A : f32 to vector<16xf32>
    %scan3A = arith.constant 0 : i32
    %scan3A_1 = arith.constant 640 : i32
    %scan3A_2 = arith.addi %scan3A, %scan3A_1 : i32
    %scan3A_3 = arith.constant 1 : i32
    scf.for %scan3A_22 = %scan3A to %scan3A_2 step %scan3A_3  : i32 {
      %mul3A_23 = arith.constant 1 : i32
      %mul3A_24 = arith.muli %scan3A_22, %mul3A_23 : i32
      %add3A = arith.constant 0 : i32
      %add3A_25 = arith.addi %add3A, %mul3A_24 : i32
      %mul3A_26 = arith.constant 16 : i32
      %mul3A_27 = arith.muli %add3A_25, %mul3A_26 : i32
      %swap3A = arith.index_cast %mul3A_27 : i32 to index
      %swap3A_28 = tpu.vector_load %arg10[%swap3A] {strides = array<i32>} : memref<10240xf32, #tpu.memory_space<vmem>>, vector<16xf32>,
      tpu.vector_store %arg10[%swap3A], %broadcast_in_dim3A_0 {strides = array<i32>} : memref<10240xf32, #tpu.memory_space<vmem>>, vector<16xf32>,
    }
    %scan3A_4 = arith.constant 640 : i32
    %scan3A_5 = arith.constant 0 : i32
    %scan3A_6 = arith.constant 16 : i32
    %scan3A_7 = arith.addi %scan3A_5, %scan3A_6 : i32
    %scan3A_8 = arith.constant 1 : i32
    scf.for %scan3A_22 = %scan3A_5 to %scan3A_7 step %scan3A_8  : i32 {
      %mul3A_23 = arith.constant 1 : i32
      %mul3A_24 = arith.muli %scan3A_22, %mul3A_23 : i32
      %add3A = arith.constant 0 : i32
      %add3A_25 = arith.addi %add3A, %mul3A_24 : i32
      "tpu.region"() ({
        %run_scoped3A = tpu.sem_alloc : memref<!tpu.dma_semaphore, #tpu.memory_space<semaphore_mem>>
        %dma_start3A = arith.constant 0 : i32
        %dma_start3A_31 = arith.constant 0 : i32
        %dma_start3A_32 = tpu.memref_slice %arg3[%arg1, %add3A_25, %dma_start3A, %dma_start3A_31] : memref<16x16x20x64xi32, #tpu.memory_space<hbm>> -> memref<1x1x20x64xi32, #tpu.memory_space<hbm>>
        %dma_start3A_33 = tpu.memref_squeeze %dma_start3A_32 : memref<1x1x20x64xi32, #tpu.memory_space<hbm>> -> memref<20x64xi32, #tpu.memory_space<hbm>>
        %dma_start3A_34 = arith.constant 0 : i32
        %dma_start3A_35 = arith.constant 0 : i32
        %dma_start3A_36 = tpu.memref_slice %arg3[%arg1, %add3A_25, %dma_start3A_34, %dma_start3A_35] : memref<16x16x20x64xi32, #tpu.memory_space<hbm>> -> memref<1x1x20x64xi32, #tpu.memory_space<hbm>>
        %dma_start3A_37 = tpu.memref_squeeze %dma_start3A_36 : memref<1x1x20x64xi32, #tpu.memory_space<hbm>> -> memref<20x64xi32, #tpu.memory_space<hbm>>
        tpu.enqueue_dma source(%dma_start3A_37 : memref<20x64xi32, #tpu.memory_space<hbm>>) target(%arg7 : memref<20x64xi32, #tpu.memory_space<vmem>>) target_semaphore(%run_scoped3A : memref<!tpu.dma_semaphore, #tpu.memory_space<semaphore_mem>>)
        %dma_wait3A = arith.constant 0 : i32
        %dma_wait3A_38 = arith.constant 0 : i32
        %dma_wait3A_39 = tpu.memref_slice %arg3[%arg1, %add3A_25, %dma_wait3A, %dma_wait3A_38] : memref<16x16x20x64xi32, #tpu.memory_space<hbm>> -> memref<1x1x20x64xi32, #tpu.memory_space<hbm>>
        %dma_wait3A_40 = tpu.memref_squeeze %dma_wait3A_39 : memref<1x1x20x64xi32, #tpu.memory_space<hbm>> -> memref<20x64xi32, #tpu.memory_space<hbm>>
        %dma_wait3A_41 = arith.constant 0 : i32
        %dma_wait3A_42 = arith.constant 0 : i32
        %dma_wait3A_43 = tpu.memref_slice %arg3[%arg1, %add3A_25, %dma_wait3A_41, %dma_wait3A_42] : memref<16x16x20x64xi32, #tpu.memory_space<hbm>> -> memref<1x1x20x64xi32, #tpu.memory_space<hbm>>
        %dma_wait3A_44 = tpu.memref_squeeze %dma_wait3A_43 : memref<1x1x20x64xi32, #tpu.memory_space<hbm>> -> memref<20x64xi32, #tpu.memory_space<hbm>>
        tpu.wait_dma2 semaphore(%run_scoped3A : memref<!tpu.dma_semaphore, #tpu.memory_space<semaphore_mem>>) src(%dma_wait3A_44 : memref<20x64xi32, #tpu.memory_space<hbm>>) dst(%arg7 : memref<20x64xi32, #tpu.memory_space<vmem>>)
        tpu.yield
      }) : () -> ()
      "tpu.region"() ({
        %run_scoped3A = tpu.sem_alloc : memref<!tpu.dma_semaphore, #tpu.memory_space<semaphore_mem>>
        %dma_start3A = arith.constant 0 : i32
        %dma_start3A_31 = arith.constant 0 : i32
        %dma_start3A_32 = tpu.memref_slice %arg4[%arg1, %add3A_25, %dma_start3A, %dma_start3A_31] : memref<16x16x20x64xf32, #tpu.memory_space<hbm>> -> memref<1x1x20x64xf32, #tpu.memory_space<hbm>>
        %dma_start3A_33 = tpu.memref_squeeze %dma_start3A_32 : memref<1x1x20x64xf32, #tpu.memory_space<hbm>> -> memref<20x64xf32, #tpu.memory_space<hbm>>
        %dma_start3A_34 = arith.constant 0 : i32
        %dma_start3A_35 = arith.constant 0 : i32
        %dma_start3A_36 = tpu.memref_slice %arg4[%arg1, %add3A_25, %dma_start3A_34, %dma_start3A_35] : memref<16x16x20x64xf32, #tpu.memory_space<hbm>> -> memref<1x1x20x64xf32, #tpu.memory_space<hbm>>
        %dma_start3A_37 = tpu.memref_squeeze %dma_start3A_36 : memref<1x1x20x64xf32, #tpu.memory_space<hbm>> -> memref<20x64xf32, #tpu.memory_space<hbm>>
        tpu.enqueue_dma source(%dma_start3A_37 : memref<20x64xf32, #tpu.memory_space<hbm>>) target(%arg8 : memref<20x64xf32, #tpu.memory_space<vmem>>) target_semaphore(%run_scoped3A : memref<!tpu.dma_semaphore, #tpu.memory_space<semaphore_mem>>)
        %dma_wait3A = arith.constant 0 : i32
        %dma_wait3A_38 = arith.constant 0 : i32
        %dma_wait3A_39 = tpu.memref_slice %arg4[%arg1, %add3A_25, %dma_wait3A, %dma_wait3A_38] : memref<16x16x20x64xf32, #tpu.memory_space<hbm>> -> memref<1x1x20x64xf32, #tpu.memory_space<hbm>>
        %dma_wait3A_40 = tpu.memref_squeeze %dma_wait3A_39 : memref<1x1x20x64xf32, #tpu.memory_space<hbm>> -> memref<20x64xf32, #tpu.memory_space<hbm>>
        %dma_wait3A_41 = arith.constant 0 : i32
        %dma_wait3A_42 = arith.constant 0 : i32
        %dma_wait3A_43 = tpu.memref_slice %arg4[%arg1, %add3A_25, %dma_wait3A_41, %dma_wait3A_42] : memref<16x16x20x64xf32, #tpu.memory_space<hbm>> -> memref<1x1x20x64xf32, #tpu.memory_space<hbm>>
        %dma_wait3A_44 = tpu.memref_squeeze %dma_wait3A_43 : memref<1x1x20x64xf32, #tpu.memory_space<hbm>> -> memref<20x64xf32, #tpu.memory_space<hbm>>
        tpu.wait_dma2 semaphore(%run_scoped3A : memref<!tpu.dma_semaphore, #tpu.memory_space<semaphore_mem>>) src(%dma_wait3A_44 : memref<20x64xf32, #tpu.memory_space<hbm>>) dst(%arg8 : memref<20x64xf32, #tpu.memory_space<vmem>>)
        tpu.yield
      }) : () -> ()
      %scan3A_26 = arith.constant 0 : i32
      %scan3A_27 = arith.constant 20 : i32
      %scan3A_28 = arith.addi %scan3A_26, %scan3A_27 : i32
      %scan3A_29 = arith.constant 1 : i32
      scf.for %scan3A_31 = %scan3A_26 to %scan3A_28 step %scan3A_29  : i32 {
        %mul3A_32 = arith.constant 1 : i32
        %mul3A_33 = arith.muli %scan3A_31, %mul3A_32 : i32
        %add3A_34 = arith.constant 0 : i32
        %add3A_35 = arith.addi %add3A_34, %mul3A_33 : i32
        %get3A = arith.index_cast %add3A_35 : i32 to index
        %get3A_36 = arith.constant 0 : index
        %get3A_37 = tpu.vector_load %arg7[%get3A, %get3A_36] {strides = array<i32>} : memref<20x64xi32, #tpu.memory_space<vmem>>, vector<16xi32>,
        %get3A_38 = arith.index_cast %add3A_35 : i32 to index
        %get3A_39 = arith.constant 0 : index
        %get3A_40 = tpu.vector_load %arg8[%get3A_38, %get3A_39] {strides = array<i32>} : memref<20x64xf32, #tpu.memory_space<vmem>>, vector<16xf32>,
        tpu.vector_store_idx %arg10[%get3A_37], %get3A_40 {add = true} : memref<10240xf32, #tpu.memory_space<vmem>>[vector<16xi32>], vector<16xf32>,
        %get3A_41 = arith.index_cast %add3A_35 : i32 to index
        %get3A_42 = arith.constant 16 : index
        %get3A_43 = tpu.vector_load %arg7[%get3A_41, %get3A_42] {strides = array<i32>} : memref<20x64xi32, #tpu.memory_space<vmem>>, vector<16xi32>,
        %get3A_44 = arith.index_cast %add3A_35 : i32 to index
        %get3A_45 = arith.constant 16 : index
        %get3A_46 = tpu.vector_load %arg8[%get3A_44, %get3A_45] {strides = array<i32>} : memref<20x64xf32, #tpu.memory_space<vmem>>, vector<16xf32>,
        tpu.vector_store_idx %arg10[%get3A_43], %get3A_46 {add = true} : memref<10240xf32, #tpu.memory_space<vmem>>[vector<16xi32>], vector<16xf32>,
        %get3A_47 = arith.index_cast %add3A_35 : i32 to index
        %get3A_48 = arith.constant 32 : index
        %get3A_49 = tpu.vector_load %arg7[%get3A_47, %get3A_48] {strides = array<i32>} : memref<20x64xi32, #tpu.memory_space<vmem>>, vector<16xi32>,
        %get3A_50 = arith.index_cast %add3A_35 : i32 to index
        %get3A_51 = arith.constant 32 : index
        %get3A_52 = tpu.vector_load %arg8[%get3A_50, %get3A_51] {strides = array<i32>} : memref<20x64xf32, #tpu.memory_space<vmem>>, vector<16xf32>,
        tpu.vector_store_idx %arg10[%get3A_49], %get3A_52 {add = true} : memref<10240xf32, #tpu.memory_space<vmem>>[vector<16xi32>], vector<16xf32>,
        %get3A_53 = arith.index_cast %add3A_35 : i32 to index
        %get3A_54 = arith.constant 48 : index
        %get3A_55 = tpu.vector_load %arg7[%get3A_53, %get3A_54] {strides = array<i32>} : memref<20x64xi32, #tpu.memory_space<vmem>>, vector<16xi32>,
        %get3A_56 = arith.index_cast %add3A_35 : i32 to index
        %get3A_57 = arith.constant 48 : index
        %get3A_58 = tpu.vector_load %arg8[%get3A_56, %get3A_57] {strides = array<i32>} : memref<20x64xf32, #tpu.memory_space<vmem>>, vector<16xf32>,
        tpu.vector_store_idx %arg10[%get3A_55], %get3A_58 {add = true} : memref<10240xf32, #tpu.memory_space<vmem>>[vector<16xi32>], vector<16xf32>,
      }
      %scan3A_30 = arith.constant 20 : i32
    }
    %scan3A_9 = arith.constant 16 : i32
    "tpu.region"() ({
      %run_scoped3A = tpu.sem_alloc : memref<!tpu.dma_semaphore, #tpu.memory_space<semaphore_mem>>
      %dma_start3A = arith.constant 0 : i32
      %dma_start3A_22 = tpu.memref_slice %arg13[%arg1, %dma_start3A] : memref<16x10240xf32, #tpu.memory_space<vmem_shared>> -> memref<1x10240xf32, #tpu.memory_space<vmem_shared>>
      %dma_start3A_23 = tpu.memref_squeeze %dma_start3A_22 : memref<1x10240xf32, #tpu.memory_space<vmem_shared>> -> memref<10240xf32, #tpu.memory_space<vmem_shared>>
      %dma_start3A_24 = arith.constant 0 : i32
      %dma_start3A_25 = tpu.memref_slice %arg13[%arg1, %dma_start3A_24] : memref<16x10240xf32, #tpu.memory_space<vmem_shared>> -> memref<1x10240xf32, #tpu.memory_space<vmem_shared>>
      %dma_start3A_26 = tpu.memref_squeeze %dma_start3A_25 : memref<1x10240xf32, #tpu.memory_space<vmem_shared>> -> memref<10240xf32, #tpu.memory_space<vmem_shared>>
      tpu.enqueue_dma source(%arg10 : memref<10240xf32, #tpu.memory_space<vmem>>) target(%dma_start3A_26 : memref<10240xf32, #tpu.memory_space<vmem_shared>>) target_semaphore(%run_scoped3A : memref<!tpu.dma_semaphore, #tpu.memory_space<semaphore_mem>>)
      %dma_wait3A = arith.constant 0 : i32
      %dma_wait3A_27 = tpu.memref_slice %arg13[%arg1, %dma_wait3A] : memref<16x10240xf32, #tpu.memory_space<vmem_shared>> -> memref<1x10240xf32, #tpu.memory_space<vmem_shared>>
      %dma_wait3A_28 = tpu.memref_squeeze %dma_wait3A_27 : memref<1x10240xf32, #tpu.memory_space<vmem_shared>> -> memref<10240xf32, #tpu.memory_space<vmem_shared>>
      %dma_wait3A_29 = arith.constant 0 : i32
      %dma_wait3A_30 = tpu.memref_slice %arg13[%arg1, %dma_wait3A_29] : memref<16x10240xf32, #tpu.memory_space<vmem_shared>> -> memref<1x10240xf32, #tpu.memory_space<vmem_shared>>
      %dma_wait3A_31 = tpu.memref_squeeze %dma_wait3A_30 : memref<1x10240xf32, #tpu.memory_space<vmem_shared>> -> memref<10240xf32, #tpu.memory_space<vmem_shared>>
      tpu.wait_dma2 semaphore(%run_scoped3A : memref<!tpu.dma_semaphore, #tpu.memory_space<semaphore_mem>>) src(%arg10 : memref<10240xf32, #tpu.memory_space<vmem>>) dst(%dma_wait3A_31 : memref<10240xf32, #tpu.memory_space<vmem_shared>>)
      tpu.yield
    }) : () -> ()
    %barrier3A = arith.constant 0 : index
    tpu.barrier barrier_id(%barrier3A)
    %scan3A_10 = arith.constant 0 : i32
    %scan3A_11 = arith.constant 5 : i32
    %scan3A_12 = arith.addi %scan3A_10, %scan3A_11 : i32
    %scan3A_13 = arith.constant 1 : i32
    scf.for %scan3A_22 = %scan3A_10 to %scan3A_12 step %scan3A_13  : i32 {
      %mul3A_23 = arith.constant 1 : i32
      %mul3A_24 = arith.muli %scan3A_22, %mul3A_23 : i32
      %add3A = arith.constant 0 : i32
      %add3A_25 = arith.addi %add3A, %mul3A_24 : i32
      %mul3A_26 = arith.constant 640 : i32
      %mul3A_27 = arith.muli %arg1, %mul3A_26 : i32
      %mul3A_28 = arith.constant 128 : i32
      %mul3A_29 = arith.muli %add3A_25, %mul3A_28 : i32
      %add3A_30 = arith.addi %mul3A_27, %mul3A_29 : i32
      "tpu.region"() ({
        %run_scoped3A = tpu.sem_alloc : memref<!tpu.dma_semaphore, #tpu.memory_space<semaphore_mem>>
        %dma_start3A = arith.constant 0 : i32
        %dma_start3A_36 = tpu.memref_slice %arg13[%dma_start3A, %add3A_30] : memref<16x10240xf32, #tpu.memory_space<vmem_shared>> -> memref<16x128xf32, #tpu.memory_space<vmem_shared>>
        %dma_start3A_37 = arith.constant 0 : i32
        %dma_start3A_38 = tpu.memref_slice %arg13[%dma_start3A_37, %add3A_30] : memref<16x10240xf32, #tpu.memory_space<vmem_shared>> -> memref<16x128xf32, #tpu.memory_space<vmem_shared>>
        tpu.enqueue_dma source(%dma_start3A_38 : memref<16x128xf32, #tpu.memory_space<vmem_shared>>) target(%arg11 : memref<16x128xf32, #tpu.memory_space<vmem>>) target_semaphore(%run_scoped3A : memref<!tpu.dma_semaphore, #tpu.memory_space<semaphore_mem>>)
        %dma_wait3A = arith.constant 0 : i32
        %dma_wait3A_39 = tpu.memref_slice %arg13[%dma_wait3A, %add3A_30] : memref<16x10240xf32, #tpu.memory_space<vmem_shared>> -> memref<16x128xf32, #tpu.memory_space<vmem_shared>>
        %dma_wait3A_40 = arith.constant 0 : i32
        %dma_wait3A_41 = tpu.memref_slice %arg13[%dma_wait3A_40, %add3A_30] : memref<16x10240xf32, #tpu.memory_space<vmem_shared>> -> memref<16x128xf32, #tpu.memory_space<vmem_shared>>
        tpu.wait_dma2 semaphore(%run_scoped3A : memref<!tpu.dma_semaphore, #tpu.memory_space<semaphore_mem>>) src(%dma_wait3A_41 : memref<16x128xf32, #tpu.memory_space<vmem_shared>>) dst(%arg11 : memref<16x128xf32, #tpu.memory_space<vmem>>)
        tpu.yield
      }) : () -> ()
      %scan3A_31 = arith.constant 0 : i32
      %scan3A_32 = arith.constant 8 : i32
      %scan3A_33 = arith.addi %scan3A_31, %scan3A_32 : i32
      %scan3A_34 = arith.constant 1 : i32
      scf.for %scan3A_36 = %scan3A_31 to %scan3A_33 step %scan3A_34  : i32 {
        %mul3A_37 = arith.constant 1 : i32
        %mul3A_38 = arith.muli %scan3A_36, %mul3A_37 : i32
        %add3A_39 = arith.constant 0 : i32
        %add3A_40 = arith.addi %add3A_39, %mul3A_38 : i32
        %mul3A_41 = arith.constant 16 : i32
        %mul3A_42 = arith.muli %add3A_40, %mul3A_41 : i32
        %get3A = arith.constant 0 : i32
        %get3A_43 = arith.index_cast %get3A : i32 to index
        %get3A_44 = arith.index_cast %mul3A_42 : i32 to index
        %get3A_45 = tpu.vector_load %arg11[%get3A_43, %get3A_44] {strides = array<i32>} : memref<16x128xf32, #tpu.memory_space<vmem>>, vector<16xf32>,
        %mul3A_46 = arith.constant 16 : i32
        %mul3A_47 = arith.muli %add3A_40, %mul3A_46 : i32
        %get3A_48 = arith.constant 1 : i32
        %get3A_49 = arith.index_cast %get3A_48 : i32 to index
        %get3A_50 = arith.index_cast %mul3A_47 : i32 to index
        %get3A_51 = tpu.vector_load %arg11[%get3A_49, %get3A_50] {strides = array<i32>} : memref<16x128xf32, #tpu.memory_space<vmem>>, vector<16xf32>,
        %add3A_52 = arith.addf %get3A_45, %get3A_51 : vector<16xf32>
        %mul3A_53 = arith.constant 16 : i32
        %mul3A_54 = arith.muli %add3A_40, %mul3A_53 : i32
        %get3A_55 = arith.constant 2 : i32
        %get3A_56 = arith.index_cast %get3A_55 : i32 to index
        %get3A_57 = arith.index_cast %mul3A_54 : i32 to index
        %get3A_58 = tpu.vector_load %arg11[%get3A_56, %get3A_57] {strides = array<i32>} : memref<16x128xf32, #tpu.memory_space<vmem>>, vector<16xf32>,
        %add3A_59 = arith.addf %add3A_52, %get3A_58 : vector<16xf32>
        %mul3A_60 = arith.constant 16 : i32
        %mul3A_61 = arith.muli %add3A_40, %mul3A_60 : i32
        %get3A_62 = arith.constant 3 : i32
        %get3A_63 = arith.index_cast %get3A_62 : i32 to index
        %get3A_64 = arith.index_cast %mul3A_61 : i32 to index
        %get3A_65 = tpu.vector_load %arg11[%get3A_63, %get3A_64] {strides = array<i32>} : memref<16x128xf32, #tpu.memory_space<vmem>>, vector<16xf32>,
        %add3A_66 = arith.addf %add3A_59, %get3A_65 : vector<16xf32>
        %mul3A_67 = arith.constant 16 : i32
        %mul3A_68 = arith.muli %add3A_40, %mul3A_67 : i32
        %get3A_69 = arith.constant 4 : i32
        %get3A_70 = arith.index_cast %get3A_69 : i32 to index
        %get3A_71 = arith.index_cast %mul3A_68 : i32 to index
        %get3A_72 = tpu.vector_load %arg11[%get3A_70, %get3A_71] {strides = array<i32>} : memref<16x128xf32, #tpu.memory_space<vmem>>, vector<16xf32>,
        %add3A_73 = arith.addf %add3A_66, %get3A_72 : vector<16xf32>
        %mul3A_74 = arith.constant 16 : i32
        %mul3A_75 = arith.muli %add3A_40, %mul3A_74 : i32
        %get3A_76 = arith.constant 5 : i32
        %get3A_77 = arith.index_cast %get3A_76 : i32 to index
        %get3A_78 = arith.index_cast %mul3A_75 : i32 to index
        %get3A_79 = tpu.vector_load %arg11[%get3A_77, %get3A_78] {strides = array<i32>} : memref<16x128xf32, #tpu.memory_space<vmem>>, vector<16xf32>,
        %add3A_80 = arith.addf %add3A_73, %get3A_79 : vector<16xf32>
        %mul3A_81 = arith.constant 16 : i32
        %mul3A_82 = arith.muli %add3A_40, %mul3A_81 : i32
        %get3A_83 = arith.constant 6 : i32
        %get3A_84 = arith.index_cast %get3A_83 : i32 to index
        %get3A_85 = arith.index_cast %mul3A_82 : i32 to index
        %get3A_86 = tpu.vector_load %arg11[%get3A_84, %get3A_85] {strides = array<i32>} : memref<16x128xf32, #tpu.memory_space<vmem>>, vector<16xf32>,
        %add3A_87 = arith.addf %add3A_80, %get3A_86 : vector<16xf32>
        %mul3A_88 = arith.constant 16 : i32
        %mul3A_89 = arith.muli %add3A_40, %mul3A_88 : i32
        %get3A_90 = arith.constant 7 : i32
        %get3A_91 = arith.index_cast %get3A_90 : i32 to index
        %get3A_92 = arith.index_cast %mul3A_89 : i32 to index
        %get3A_93 = tpu.vector_load %arg11[%get3A_91, %get3A_92] {strides = array<i32>} : memref<16x128xf32, #tpu.memory_space<vmem>>, vector<16xf32>,
        %add3A_94 = arith.addf %add3A_87, %get3A_93 : vector<16xf32>
        %mul3A_95 = arith.constant 16 : i32
        %mul3A_96 = arith.muli %add3A_40, %mul3A_95 : i32
        %get3A_97 = arith.constant 8 : i32
        %get3A_98 = arith.index_cast %get3A_97 : i32 to index
        %get3A_99 = arith.index_cast %mul3A_96 : i32 to index
        %get3A_100 = tpu.vector_load %arg11[%get3A_98, %get3A_99] {strides = array<i32>} : memref<16x128xf32, #tpu.memory_space<vmem>>, vector<16xf32>,
        %add3A_101 = arith.addf %add3A_94, %get3A_100 : vector<16xf32>
        %mul3A_102 = arith.constant 16 : i32
        %mul3A_103 = arith.muli %add3A_40, %mul3A_102 : i32
        %get3A_104 = arith.constant 9 : i32
        %get3A_105 = arith.index_cast %get3A_104 : i32 to index
        %get3A_106 = arith.index_cast %mul3A_103 : i32 to index
        %get3A_107 = tpu.vector_load %arg11[%get3A_105, %get3A_106] {strides = array<i32>} : memref<16x128xf32, #tpu.memory_space<vmem>>, vector<16xf32>,
        %add3A_108 = arith.addf %add3A_101, %get3A_107 : vector<16xf32>
        %mul3A_109 = arith.constant 16 : i32
        %mul3A_110 = arith.muli %add3A_40, %mul3A_109 : i32
        %get3A_111 = arith.constant 10 : i32
        %get3A_112 = arith.index_cast %get3A_111 : i32 to index
        %get3A_113 = arith.index_cast %mul3A_110 : i32 to index
        %get3A_114 = tpu.vector_load %arg11[%get3A_112, %get3A_113] {strides = array<i32>} : memref<16x128xf32, #tpu.memory_space<vmem>>, vector<16xf32>,
        %add3A_115 = arith.addf %add3A_108, %get3A_114 : vector<16xf32>
        %mul3A_116 = arith.constant 16 : i32
        %mul3A_117 = arith.muli %add3A_40, %mul3A_116 : i32
        %get3A_118 = arith.constant 11 : i32
        %get3A_119 = arith.index_cast %get3A_118 : i32 to index
        %get3A_120 = arith.index_cast %mul3A_117 : i32 to index
        %get3A_121 = tpu.vector_load %arg11[%get3A_119, %get3A_120] {strides = array<i32>} : memref<16x128xf32, #tpu.memory_space<vmem>>, vector<16xf32>,
        %add3A_122 = arith.addf %add3A_115, %get3A_121 : vector<16xf32>
        %mul3A_123 = arith.constant 16 : i32
        %mul3A_124 = arith.muli %add3A_40, %mul3A_123 : i32
        %get3A_125 = arith.constant 12 : i32
        %get3A_126 = arith.index_cast %get3A_125 : i32 to index
        %get3A_127 = arith.index_cast %mul3A_124 : i32 to index
        %get3A_128 = tpu.vector_load %arg11[%get3A_126, %get3A_127] {strides = array<i32>} : memref<16x128xf32, #tpu.memory_space<vmem>>, vector<16xf32>,
        %add3A_129 = arith.addf %add3A_122, %get3A_128 : vector<16xf32>
        %mul3A_130 = arith.constant 16 : i32
        %mul3A_131 = arith.muli %add3A_40, %mul3A_130 : i32
        %get3A_132 = arith.constant 13 : i32
        %get3A_133 = arith.index_cast %get3A_132 : i32 to index
        %get3A_134 = arith.index_cast %mul3A_131 : i32 to index
        %get3A_135 = tpu.vector_load %arg11[%get3A_133, %get3A_134] {strides = array<i32>} : memref<16x128xf32, #tpu.memory_space<vmem>>, vector<16xf32>,
        %add3A_136 = arith.addf %add3A_129, %get3A_135 : vector<16xf32>
        %mul3A_137 = arith.constant 16 : i32
        %mul3A_138 = arith.muli %add3A_40, %mul3A_137 : i32
        %get3A_139 = arith.constant 14 : i32
        %get3A_140 = arith.index_cast %get3A_139 : i32 to index
        %get3A_141 = arith.index_cast %mul3A_138 : i32 to index
        %get3A_142 = tpu.vector_load %arg11[%get3A_140, %get3A_141] {strides = array<i32>} : memref<16x128xf32, #tpu.memory_space<vmem>>, vector<16xf32>,
        %add3A_143 = arith.addf %add3A_136, %get3A_142 : vector<16xf32>
        %mul3A_144 = arith.constant 16 : i32
        %mul3A_145 = arith.muli %add3A_40, %mul3A_144 : i32
        %get3A_146 = arith.constant 15 : i32
        %get3A_147 = arith.index_cast %get3A_146 : i32 to index
        %get3A_148 = arith.index_cast %mul3A_145 : i32 to index
        %get3A_149 = tpu.vector_load %arg11[%get3A_147, %get3A_148] {strides = array<i32>} : memref<16x128xf32, #tpu.memory_space<vmem>>, vector<16xf32>,
        %add3A_150 = arith.addf %add3A_143, %get3A_149 : vector<16xf32>
        %bitcast3A = vector.bitcast %add3A_150 : vector<16xf32> to vector<16xi32>
        %shift_right_arithmetic3A = arith.constant 1 : i32
        %shift_right_arithmetic3A_151 = vector.broadcast %shift_right_arithmetic3A : i32 to vector<16xi32>
        %shift_right_arithmetic3A_152 = arith.shrsi %bitcast3A, %shift_right_arithmetic3A_151 : vector<16xi32>
        %sub3A = arith.constant 1597463007 : i32
        %sub3A_153 = vector.broadcast %sub3A : i32 to vector<16xi32>
        %sub3A_154 = arith.subi %sub3A_153, %shift_right_arithmetic3A_152 : vector<16xi32>
        %bitcast3A_155 = vector.bitcast %sub3A_154 : vector<16xi32> to vector<16xf32>
        %mul3A_156 = arith.constant 5.000000e-01 : f32
        %mul3A_157 = vector.broadcast %mul3A_156 : f32 to vector<16xf32>
        %mul3A_158 = arith.mulf %mul3A_157, %add3A_150 : vector<16xf32>
        %mul3A_159 = arith.mulf %mul3A_158, %bitcast3A_155 : vector<16xf32>
        %mul3A_160 = arith.mulf %mul3A_159, %bitcast3A_155 : vector<16xf32>
        %sub3A_161 = arith.constant 1.500000e+00 : f32
        %sub3A_162 = vector.broadcast %sub3A_161 : f32 to vector<16xf32>
        %sub3A_163 = arith.subf %sub3A_162, %mul3A_160 : vector<16xf32>
        %mul3A_164 = arith.mulf %bitcast3A_155, %sub3A_163 : vector<16xf32>
        %mul3A_165 = arith.constant 5.000000e-01 : f32
        %mul3A_166 = vector.broadcast %mul3A_165 : f32 to vector<16xf32>
        %mul3A_167 = arith.mulf %mul3A_166, %add3A_150 : vector<16xf32>
        %mul3A_168 = arith.mulf %mul3A_167, %mul3A_164 : vector<16xf32>
        %mul3A_169 = arith.mulf %mul3A_168, %mul3A_164 : vector<16xf32>
        %sub3A_170 = arith.constant 1.500000e+00 : f32
        %sub3A_171 = vector.broadcast %sub3A_170 : f32 to vector<16xf32>
        %sub3A_172 = arith.subf %sub3A_171, %mul3A_169 : vector<16xf32>
        %mul3A_173 = arith.mulf %mul3A_164, %sub3A_172 : vector<16xf32>
        %mul3A_174 = arith.constant 5.000000e-01 : f32
        %mul3A_175 = vector.broadcast %mul3A_174 : f32 to vector<16xf32>
        %mul3A_176 = arith.mulf %mul3A_175, %add3A_150 : vector<16xf32>
        %mul3A_177 = arith.mulf %mul3A_176, %mul3A_173 : vector<16xf32>
        %mul3A_178 = arith.mulf %mul3A_177, %mul3A_173 : vector<16xf32>
        %sub3A_179 = arith.constant 1.500000e+00 : f32
        %sub3A_180 = vector.broadcast %sub3A_179 : f32 to vector<16xf32>
        %sub3A_181 = arith.subf %sub3A_180, %mul3A_178 : vector<16xf32>
        %mul3A_182 = arith.mulf %mul3A_173, %sub3A_181 : vector<16xf32>
        %mul3A_183 = arith.constant 5.000000e-01 : f32
        %mul3A_184 = vector.broadcast %mul3A_183 : f32 to vector<16xf32>
        %mul3A_185 = arith.mulf %mul3A_184, %add3A_150 : vector<16xf32>
        %mul3A_186 = arith.mulf %mul3A_185, %mul3A_182 : vector<16xf32>
        %mul3A_187 = arith.mulf %mul3A_186, %mul3A_182 : vector<16xf32>
        %sub3A_188 = arith.constant 1.500000e+00 : f32
        %sub3A_189 = vector.broadcast %sub3A_188 : f32 to vector<16xf32>
        %sub3A_190 = arith.subf %sub3A_189, %mul3A_187 : vector<16xf32>
        %mul3A_191 = arith.mulf %mul3A_182, %sub3A_190 : vector<16xf32>
        %gt3A = arith.constant 0.000000e+00 : f32
        %gt3A_192 = vector.broadcast %gt3A : f32 to vector<16xf32>
        %gt3A_193 = arith.cmpf ogt, %add3A_150, %gt3A_192 : vector<16xf32>
        %jit3A = arith.constant 0.000000e+00 : f32
        %broadcast_in_dim3A_194 = vector.broadcast %jit3A : f32 to vector<16xf32>
        %select_n3A = arith.select %gt3A_193, %mul3A_191, %broadcast_in_dim3A_194 : vector<16xi1>, vector<16xf32>
        %mul3A_195 = arith.constant 128 : i32
        %mul3A_196 = arith.muli %add3A_25, %mul3A_195 : i32
        %mul3A_197 = arith.constant 16 : i32
        %mul3A_198 = arith.muli %add3A_40, %mul3A_197 : i32
        %add3A_199 = arith.addi %mul3A_196, %mul3A_198 : i32
        %swap3A = arith.index_cast %add3A_199 : i32 to index
        %swap3A_200 = tpu.vector_load %arg12[%swap3A] {strides = array<i32>} : memref<640xf32, #tpu.memory_space<vmem>>, vector<16xf32>,
        tpu.vector_store %arg12[%swap3A], %select_n3A {strides = array<i32>} : memref<640xf32, #tpu.memory_space<vmem>>, vector<16xf32>,
      }
      %scan3A_35 = arith.constant 8 : i32
    }
    %scan3A_14 = arith.constant 5 : i32
    %mul3A = arith.constant 640 : i32
    %mul3A_15 = arith.muli %arg1, %mul3A : i32
    "tpu.region"() ({
      %run_scoped3A = tpu.sem_alloc : memref<!tpu.dma_semaphore, #tpu.memory_space<semaphore_mem>>
      %dma_start3A = tpu.memref_slice %arg14[%mul3A_15] : memref<10240xf32, #tpu.memory_space<vmem_shared>> -> memref<640xf32, #tpu.memory_space<vmem_shared>>
      %dma_start3A_22 = tpu.memref_slice %arg14[%mul3A_15] : memref<10240xf32, #tpu.memory_space<vmem_shared>> -> memref<640xf32, #tpu.memory_space<vmem_shared>>
      tpu.enqueue_dma source(%arg12 : memref<640xf32, #tpu.memory_space<vmem>>) target(%dma_start3A_22 : memref<640xf32, #tpu.memory_space<vmem_shared>>) target_semaphore(%run_scoped3A : memref<!tpu.dma_semaphore, #tpu.memory_space<semaphore_mem>>)
      %dma_wait3A = tpu.memref_slice %arg14[%mul3A_15] : memref<10240xf32, #tpu.memory_space<vmem_shared>> -> memref<640xf32, #tpu.memory_space<vmem_shared>>
      %dma_wait3A_23 = tpu.memref_slice %arg14[%mul3A_15] : memref<10240xf32, #tpu.memory_space<vmem_shared>> -> memref<640xf32, #tpu.memory_space<vmem_shared>>
      tpu.wait_dma2 semaphore(%run_scoped3A : memref<!tpu.dma_semaphore, #tpu.memory_space<semaphore_mem>>) src(%arg12 : memref<640xf32, #tpu.memory_space<vmem>>) dst(%dma_wait3A_23 : memref<640xf32, #tpu.memory_space<vmem_shared>>)
      tpu.yield
    }) : () -> ()
    %barrier3A_16 = arith.constant 0 : index
    tpu.barrier barrier_id(%barrier3A_16)
    "tpu.region"() ({
      %run_scoped3A = tpu.sem_alloc : memref<!tpu.dma_semaphore, #tpu.memory_space<semaphore_mem>>
      tpu.enqueue_dma source(%arg14 : memref<10240xf32, #tpu.memory_space<vmem_shared>>) target(%arg10 : memref<10240xf32, #tpu.memory_space<vmem>>) target_semaphore(%run_scoped3A : memref<!tpu.dma_semaphore, #tpu.memory_space<semaphore_mem>>)
      tpu.wait_dma2 semaphore(%run_scoped3A : memref<!tpu.dma_semaphore, #tpu.memory_space<semaphore_mem>>) src(%arg14 : memref<10240xf32, #tpu.memory_space<vmem_shared>>) dst(%arg10 : memref<10240xf32, #tpu.memory_space<vmem>>)
      tpu.yield
    }) : () -> ()
    %scan3A_17 = arith.constant 0 : i32
    %scan3A_18 = arith.constant 8 : i32
    %scan3A_19 = arith.addi %scan3A_17, %scan3A_18 : i32
    %scan3A_20 = arith.constant 1 : i32
    scf.for %scan3A_22 = %scan3A_17 to %scan3A_19 step %scan3A_20  : i32 {
      %mul3A_23 = arith.constant 1 : i32
      %mul3A_24 = arith.muli %scan3A_22, %mul3A_23 : i32
      %add3A = arith.constant 0 : i32
      %add3A_25 = arith.addi %add3A, %mul3A_24 : i32
      %mul3A_26 = arith.constant 2 : i32
      %mul3A_27 = arith.muli %add3A_25, %mul3A_26 : i32
      %add3A_28 = arith.addi %mul3A_27, %arg0 : i32
      "tpu.region"() ({
        %run_scoped3A = tpu.sem_alloc : memref<!tpu.dma_semaphore, #tpu.memory_space<semaphore_mem>>
        %dma_start3A = arith.constant 0 : i32
        %dma_start3A_34 = arith.constant 0 : i32
        %dma_start3A_35 = tpu.memref_slice %arg2[%arg1, %add3A_28, %dma_start3A, %dma_start3A_34] : memref<16x16x20x64xi32, #tpu.memory_space<hbm>> -> memref<1x1x20x64xi32, #tpu.memory_space<hbm>>
        %dma_start3A_36 = tpu.memref_squeeze %dma_start3A_35 : memref<1x1x20x64xi32, #tpu.memory_space<hbm>> -> memref<20x64xi32, #tpu.memory_space<hbm>>
        %dma_start3A_37 = arith.constant 0 : i32
        %dma_start3A_38 = arith.constant 0 : i32
        %dma_start3A_39 = tpu.memref_slice %arg2[%arg1, %add3A_28, %dma_start3A_37, %dma_start3A_38] : memref<16x16x20x64xi32, #tpu.memory_space<hbm>> -> memref<1x1x20x64xi32, #tpu.memory_space<hbm>>
        %dma_start3A_40 = tpu.memref_squeeze %dma_start3A_39 : memref<1x1x20x64xi32, #tpu.memory_space<hbm>> -> memref<20x64xi32, #tpu.memory_space<hbm>>
        tpu.enqueue_dma source(%dma_start3A_40 : memref<20x64xi32, #tpu.memory_space<hbm>>) target(%arg6 : memref<20x64xi32, #tpu.memory_space<vmem>>) target_semaphore(%run_scoped3A : memref<!tpu.dma_semaphore, #tpu.memory_space<semaphore_mem>>)
        %dma_wait3A = arith.constant 0 : i32
        %dma_wait3A_41 = arith.constant 0 : i32
        %dma_wait3A_42 = tpu.memref_slice %arg2[%arg1, %add3A_28, %dma_wait3A, %dma_wait3A_41] : memref<16x16x20x64xi32, #tpu.memory_space<hbm>> -> memref<1x1x20x64xi32, #tpu.memory_space<hbm>>
        %dma_wait3A_43 = tpu.memref_squeeze %dma_wait3A_42 : memref<1x1x20x64xi32, #tpu.memory_space<hbm>> -> memref<20x64xi32, #tpu.memory_space<hbm>>
        %dma_wait3A_44 = arith.constant 0 : i32
        %dma_wait3A_45 = arith.constant 0 : i32
        %dma_wait3A_46 = tpu.memref_slice %arg2[%arg1, %add3A_28, %dma_wait3A_44, %dma_wait3A_45] : memref<16x16x20x64xi32, #tpu.memory_space<hbm>> -> memref<1x1x20x64xi32, #tpu.memory_space<hbm>>
        %dma_wait3A_47 = tpu.memref_squeeze %dma_wait3A_46 : memref<1x1x20x64xi32, #tpu.memory_space<hbm>> -> memref<20x64xi32, #tpu.memory_space<hbm>>
        tpu.wait_dma2 semaphore(%run_scoped3A : memref<!tpu.dma_semaphore, #tpu.memory_space<semaphore_mem>>) src(%dma_wait3A_47 : memref<20x64xi32, #tpu.memory_space<hbm>>) dst(%arg6 : memref<20x64xi32, #tpu.memory_space<vmem>>)
        tpu.yield
      }) : () -> ()
      "tpu.region"() ({
        %run_scoped3A = tpu.sem_alloc : memref<!tpu.dma_semaphore, #tpu.memory_space<semaphore_mem>>
        %dma_start3A = arith.constant 0 : i32
        %dma_start3A_34 = arith.constant 0 : i32
        %dma_start3A_35 = tpu.memref_slice %arg3[%arg1, %add3A_28, %dma_start3A, %dma_start3A_34] : memref<16x16x20x64xi32, #tpu.memory_space<hbm>> -> memref<1x1x20x64xi32, #tpu.memory_space<hbm>>
        %dma_start3A_36 = tpu.memref_squeeze %dma_start3A_35 : memref<1x1x20x64xi32, #tpu.memory_space<hbm>> -> memref<20x64xi32, #tpu.memory_space<hbm>>
        %dma_start3A_37 = arith.constant 0 : i32
        %dma_start3A_38 = arith.constant 0 : i32
        %dma_start3A_39 = tpu.memref_slice %arg3[%arg1, %add3A_28, %dma_start3A_37, %dma_start3A_38] : memref<16x16x20x64xi32, #tpu.memory_space<hbm>> -> memref<1x1x20x64xi32, #tpu.memory_space<hbm>>
        %dma_start3A_40 = tpu.memref_squeeze %dma_start3A_39 : memref<1x1x20x64xi32, #tpu.memory_space<hbm>> -> memref<20x64xi32, #tpu.memory_space<hbm>>
        tpu.enqueue_dma source(%dma_start3A_40 : memref<20x64xi32, #tpu.memory_space<hbm>>) target(%arg7 : memref<20x64xi32, #tpu.memory_space<vmem>>) target_semaphore(%run_scoped3A : memref<!tpu.dma_semaphore, #tpu.memory_space<semaphore_mem>>)
        %dma_wait3A = arith.constant 0 : i32
        %dma_wait3A_41 = arith.constant 0 : i32
        %dma_wait3A_42 = tpu.memref_slice %arg3[%arg1, %add3A_28, %dma_wait3A, %dma_wait3A_41] : memref<16x16x20x64xi32, #tpu.memory_space<hbm>> -> memref<1x1x20x64xi32, #tpu.memory_space<hbm>>
        %dma_wait3A_43 = tpu.memref_squeeze %dma_wait3A_42 : memref<1x1x20x64xi32, #tpu.memory_space<hbm>> -> memref<20x64xi32, #tpu.memory_space<hbm>>
        %dma_wait3A_44 = arith.constant 0 : i32
        %dma_wait3A_45 = arith.constant 0 : i32
        %dma_wait3A_46 = tpu.memref_slice %arg3[%arg1, %add3A_28, %dma_wait3A_44, %dma_wait3A_45] : memref<16x16x20x64xi32, #tpu.memory_space<hbm>> -> memref<1x1x20x64xi32, #tpu.memory_space<hbm>>
        %dma_wait3A_47 = tpu.memref_squeeze %dma_wait3A_46 : memref<1x1x20x64xi32, #tpu.memory_space<hbm>> -> memref<20x64xi32, #tpu.memory_space<hbm>>
        tpu.wait_dma2 semaphore(%run_scoped3A : memref<!tpu.dma_semaphore, #tpu.memory_space<semaphore_mem>>) src(%dma_wait3A_47 : memref<20x64xi32, #tpu.memory_space<hbm>>) dst(%arg7 : memref<20x64xi32, #tpu.memory_space<vmem>>)
        tpu.yield
      }) : () -> ()
      "tpu.region"() ({
        %run_scoped3A = tpu.sem_alloc : memref<!tpu.dma_semaphore, #tpu.memory_space<semaphore_mem>>
        %dma_start3A = arith.constant 0 : i32
        %dma_start3A_34 = arith.constant 0 : i32
        %dma_start3A_35 = tpu.memref_slice %arg4[%arg1, %add3A_28, %dma_start3A, %dma_start3A_34] : memref<16x16x20x64xf32, #tpu.memory_space<hbm>> -> memref<1x1x20x64xf32, #tpu.memory_space<hbm>>
        %dma_start3A_36 = tpu.memref_squeeze %dma_start3A_35 : memref<1x1x20x64xf32, #tpu.memory_space<hbm>> -> memref<20x64xf32, #tpu.memory_space<hbm>>
        %dma_start3A_37 = arith.constant 0 : i32
        %dma_start3A_38 = arith.constant 0 : i32
        %dma_start3A_39 = tpu.memref_slice %arg4[%arg1, %add3A_28, %dma_start3A_37, %dma_start3A_38] : memref<16x16x20x64xf32, #tpu.memory_space<hbm>> -> memref<1x1x20x64xf32, #tpu.memory_space<hbm>>
        %dma_start3A_40 = tpu.memref_squeeze %dma_start3A_39 : memref<1x1x20x64xf32, #tpu.memory_space<hbm>> -> memref<20x64xf32, #tpu.memory_space<hbm>>
        tpu.enqueue_dma source(%dma_start3A_40 : memref<20x64xf32, #tpu.memory_space<hbm>>) target(%arg8 : memref<20x64xf32, #tpu.memory_space<vmem>>) target_semaphore(%run_scoped3A : memref<!tpu.dma_semaphore, #tpu.memory_space<semaphore_mem>>)
        %dma_wait3A = arith.constant 0 : i32
        %dma_wait3A_41 = arith.constant 0 : i32
        %dma_wait3A_42 = tpu.memref_slice %arg4[%arg1, %add3A_28, %dma_wait3A, %dma_wait3A_41] : memref<16x16x20x64xf32, #tpu.memory_space<hbm>> -> memref<1x1x20x64xf32, #tpu.memory_space<hbm>>
        %dma_wait3A_43 = tpu.memref_squeeze %dma_wait3A_42 : memref<1x1x20x64xf32, #tpu.memory_space<hbm>> -> memref<20x64xf32, #tpu.memory_space<hbm>>
        %dma_wait3A_44 = arith.constant 0 : i32
        %dma_wait3A_45 = arith.constant 0 : i32
        %dma_wait3A_46 = tpu.memref_slice %arg4[%arg1, %add3A_28, %dma_wait3A_44, %dma_wait3A_45] : memref<16x16x20x64xf32, #tpu.memory_space<hbm>> -> memref<1x1x20x64xf32, #tpu.memory_space<hbm>>
        %dma_wait3A_47 = tpu.memref_squeeze %dma_wait3A_46 : memref<1x1x20x64xf32, #tpu.memory_space<hbm>> -> memref<20x64xf32, #tpu.memory_space<hbm>>
        tpu.wait_dma2 semaphore(%run_scoped3A : memref<!tpu.dma_semaphore, #tpu.memory_space<semaphore_mem>>) src(%dma_wait3A_47 : memref<20x64xf32, #tpu.memory_space<hbm>>) dst(%arg8 : memref<20x64xf32, #tpu.memory_space<vmem>>)
        tpu.yield
      }) : () -> ()
      %scan3A_29 = arith.constant 0 : i32
      %scan3A_30 = arith.constant 20 : i32
      %scan3A_31 = arith.addi %scan3A_29, %scan3A_30 : i32
      %scan3A_32 = arith.constant 1 : i32
      scf.for %scan3A_34 = %scan3A_29 to %scan3A_31 step %scan3A_32  : i32 {
        %mul3A_35 = arith.constant 1 : i32
        %mul3A_36 = arith.muli %scan3A_34, %mul3A_35 : i32
        %add3A_37 = arith.constant 0 : i32
        %add3A_38 = arith.addi %add3A_37, %mul3A_36 : i32
        %get3A = arith.index_cast %add3A_38 : i32 to index
        %get3A_39 = arith.constant 0 : index
        %get3A_40 = tpu.vector_load %arg6[%get3A, %get3A_39] {strides = array<i32>} : memref<20x64xi32, #tpu.memory_space<vmem>>, vector<16xi32>,
        %get3A_41 = arith.index_cast %add3A_38 : i32 to index
        %get3A_42 = arith.constant 0 : index
        %get3A_43 = tpu.vector_load %arg7[%get3A_41, %get3A_42] {strides = array<i32>} : memref<20x64xi32, #tpu.memory_space<vmem>>, vector<16xi32>,
        %get3A_44 = arith.index_cast %add3A_38 : i32 to index
        %get3A_45 = arith.constant 0 : index
        %get3A_46 = tpu.vector_load %arg8[%get3A_44, %get3A_45] {strides = array<i32>} : memref<20x64xf32, #tpu.memory_space<vmem>>, vector<16xf32>,
        %neg3A = arith.constant 0.000000e+00 : f32
        %neg3A_47 = vector.broadcast %neg3A : f32 to vector<16xf32>
        %neg3A_48 = arith.subf %neg3A_47, %get3A_46 : vector<16xf32>
        %gather3A = tpu.vector_load_idx %arg10[%get3A_40] : memref<10240xf32, #tpu.memory_space<vmem>>[vector<16xi32>], vector<16xf32>,
        %mul3A_49 = arith.mulf %neg3A_48, %gather3A : vector<16xf32>
        %gather3A_50 = tpu.vector_load_idx %arg10[%get3A_43] : memref<10240xf32, #tpu.memory_space<vmem>>[vector<16xi32>], vector<16xf32>,
        %mul3A_51 = arith.mulf %mul3A_49, %gather3A_50 : vector<16xf32>
        %swap3A = arith.index_cast %add3A_38 : i32 to index
        %swap3A_52 = arith.constant 0 : index
        %swap3A_53 = tpu.vector_load %arg9[%swap3A, %swap3A_52] {strides = array<i32>} : memref<20x64xf32, #tpu.memory_space<vmem>>, vector<16xf32>,
        tpu.vector_store %arg9[%swap3A, %swap3A_52], %mul3A_51 {strides = array<i32>} : memref<20x64xf32, #tpu.memory_space<vmem>>, vector<16xf32>,
        %get3A_54 = arith.index_cast %add3A_38 : i32 to index
        %get3A_55 = arith.constant 16 : index
        %get3A_56 = tpu.vector_load %arg6[%get3A_54, %get3A_55] {strides = array<i32>} : memref<20x64xi32, #tpu.memory_space<vmem>>, vector<16xi32>,
        %get3A_57 = arith.index_cast %add3A_38 : i32 to index
        %get3A_58 = arith.constant 16 : index
        %get3A_59 = tpu.vector_load %arg7[%get3A_57, %get3A_58] {strides = array<i32>} : memref<20x64xi32, #tpu.memory_space<vmem>>, vector<16xi32>,
        %get3A_60 = arith.index_cast %add3A_38 : i32 to index
        %get3A_61 = arith.constant 16 : index
        %get3A_62 = tpu.vector_load %arg8[%get3A_60, %get3A_61] {strides = array<i32>} : memref<20x64xf32, #tpu.memory_space<vmem>>, vector<16xf32>,
        %neg3A_63 = arith.constant 0.000000e+00 : f32
        %neg3A_64 = vector.broadcast %neg3A_63 : f32 to vector<16xf32>
        %neg3A_65 = arith.subf %neg3A_64, %get3A_62 : vector<16xf32>
        %gather3A_66 = tpu.vector_load_idx %arg10[%get3A_56] : memref<10240xf32, #tpu.memory_space<vmem>>[vector<16xi32>], vector<16xf32>,
        %mul3A_67 = arith.mulf %neg3A_65, %gather3A_66 : vector<16xf32>
        %gather3A_68 = tpu.vector_load_idx %arg10[%get3A_59] : memref<10240xf32, #tpu.memory_space<vmem>>[vector<16xi32>], vector<16xf32>,
        %mul3A_69 = arith.mulf %mul3A_67, %gather3A_68 : vector<16xf32>
        %swap3A_70 = arith.index_cast %add3A_38 : i32 to index
        %swap3A_71 = arith.constant 16 : index
        %swap3A_72 = tpu.vector_load %arg9[%swap3A_70, %swap3A_71] {strides = array<i32>} : memref<20x64xf32, #tpu.memory_space<vmem>>, vector<16xf32>,
        tpu.vector_store %arg9[%swap3A_70, %swap3A_71], %mul3A_69 {strides = array<i32>} : memref<20x64xf32, #tpu.memory_space<vmem>>, vector<16xf32>,
        %get3A_73 = arith.index_cast %add3A_38 : i32 to index
        %get3A_74 = arith.constant 32 : index
        %get3A_75 = tpu.vector_load %arg6[%get3A_73, %get3A_74] {strides = array<i32>} : memref<20x64xi32, #tpu.memory_space<vmem>>, vector<16xi32>,
        %get3A_76 = arith.index_cast %add3A_38 : i32 to index
        %get3A_77 = arith.constant 32 : index
        %get3A_78 = tpu.vector_load %arg7[%get3A_76, %get3A_77] {strides = array<i32>} : memref<20x64xi32, #tpu.memory_space<vmem>>, vector<16xi32>,
        %get3A_79 = arith.index_cast %add3A_38 : i32 to index
        %get3A_80 = arith.constant 32 : index
        %get3A_81 = tpu.vector_load %arg8[%get3A_79, %get3A_80] {strides = array<i32>} : memref<20x64xf32, #tpu.memory_space<vmem>>, vector<16xf32>,
        %neg3A_82 = arith.constant 0.000000e+00 : f32
        %neg3A_83 = vector.broadcast %neg3A_82 : f32 to vector<16xf32>
        %neg3A_84 = arith.subf %neg3A_83, %get3A_81 : vector<16xf32>
        %gather3A_85 = tpu.vector_load_idx %arg10[%get3A_75] : memref<10240xf32, #tpu.memory_space<vmem>>[vector<16xi32>], vector<16xf32>,
        %mul3A_86 = arith.mulf %neg3A_84, %gather3A_85 : vector<16xf32>
        %gather3A_87 = tpu.vector_load_idx %arg10[%get3A_78] : memref<10240xf32, #tpu.memory_space<vmem>>[vector<16xi32>], vector<16xf32>,
        %mul3A_88 = arith.mulf %mul3A_86, %gather3A_87 : vector<16xf32>
        %swap3A_89 = arith.index_cast %add3A_38 : i32 to index
        %swap3A_90 = arith.constant 32 : index
        %swap3A_91 = tpu.vector_load %arg9[%swap3A_89, %swap3A_90] {strides = array<i32>} : memref<20x64xf32, #tpu.memory_space<vmem>>, vector<16xf32>,
        tpu.vector_store %arg9[%swap3A_89, %swap3A_90], %mul3A_88 {strides = array<i32>} : memref<20x64xf32, #tpu.memory_space<vmem>>, vector<16xf32>,
        %get3A_92 = arith.index_cast %add3A_38 : i32 to index
        %get3A_93 = arith.constant 48 : index
        %get3A_94 = tpu.vector_load %arg6[%get3A_92, %get3A_93] {strides = array<i32>} : memref<20x64xi32, #tpu.memory_space<vmem>>, vector<16xi32>,
        %get3A_95 = arith.index_cast %add3A_38 : i32 to index
        %get3A_96 = arith.constant 48 : index
        %get3A_97 = tpu.vector_load %arg7[%get3A_95, %get3A_96] {strides = array<i32>} : memref<20x64xi32, #tpu.memory_space<vmem>>, vector<16xi32>,
        %get3A_98 = arith.index_cast %add3A_38 : i32 to index
        %get3A_99 = arith.constant 48 : index
        %get3A_100 = tpu.vector_load %arg8[%get3A_98, %get3A_99] {strides = array<i32>} : memref<20x64xf32, #tpu.memory_space<vmem>>, vector<16xf32>,
        %neg3A_101 = arith.constant 0.000000e+00 : f32
        %neg3A_102 = vector.broadcast %neg3A_101 : f32 to vector<16xf32>
        %neg3A_103 = arith.subf %neg3A_102, %get3A_100 : vector<16xf32>
        %gather3A_104 = tpu.vector_load_idx %arg10[%get3A_94] : memref<10240xf32, #tpu.memory_space<vmem>>[vector<16xi32>], vector<16xf32>,
        %mul3A_105 = arith.mulf %neg3A_103, %gather3A_104 : vector<16xf32>
        %gather3A_106 = tpu.vector_load_idx %arg10[%get3A_97] : memref<10240xf32, #tpu.memory_space<vmem>>[vector<16xi32>], vector<16xf32>,
        %mul3A_107 = arith.mulf %mul3A_105, %gather3A_106 : vector<16xf32>
        %swap3A_108 = arith.index_cast %add3A_38 : i32 to index
        %swap3A_109 = arith.constant 48 : index
        %swap3A_110 = tpu.vector_load %arg9[%swap3A_108, %swap3A_109] {strides = array<i32>} : memref<20x64xf32, #tpu.memory_space<vmem>>, vector<16xf32>,
        tpu.vector_store %arg9[%swap3A_108, %swap3A_109], %mul3A_107 {strides = array<i32>} : memref<20x64xf32, #tpu.memory_space<vmem>>, vector<16xf32>,
      }
      %scan3A_33 = arith.constant 20 : i32
      "tpu.region"() ({
        %run_scoped3A = tpu.sem_alloc : memref<!tpu.dma_semaphore, #tpu.memory_space<semaphore_mem>>
        %dma_start3A = arith.constant 0 : i32
        %dma_start3A_34 = arith.constant 0 : i32
        %dma_start3A_35 = tpu.memref_slice %arg5[%arg1, %add3A_28, %dma_start3A, %dma_start3A_34] : memref<16x16x20x64xf32, #tpu.memory_space<hbm>> -> memref<1x1x20x64xf32, #tpu.memory_space<hbm>>
        %dma_start3A_36 = tpu.memref_squeeze %dma_start3A_35 : memref<1x1x20x64xf32, #tpu.memory_space<hbm>> -> memref<20x64xf32, #tpu.memory_space<hbm>>
        %dma_start3A_37 = arith.constant 0 : i32
        %dma_start3A_38 = arith.constant 0 : i32
        %dma_start3A_39 = tpu.memref_slice %arg5[%arg1, %add3A_28, %dma_start3A_37, %dma_start3A_38] : memref<16x16x20x64xf32, #tpu.memory_space<hbm>> -> memref<1x1x20x64xf32, #tpu.memory_space<hbm>>
        %dma_start3A_40 = tpu.memref_squeeze %dma_start3A_39 : memref<1x1x20x64xf32, #tpu.memory_space<hbm>> -> memref<20x64xf32, #tpu.memory_space<hbm>>
        tpu.enqueue_dma source(%arg9 : memref<20x64xf32, #tpu.memory_space<vmem>>) target(%dma_start3A_40 : memref<20x64xf32, #tpu.memory_space<hbm>>) target_semaphore(%run_scoped3A : memref<!tpu.dma_semaphore, #tpu.memory_space<semaphore_mem>>)
        %dma_wait3A = arith.constant 0 : i32
        %dma_wait3A_41 = arith.constant 0 : i32
        %dma_wait3A_42 = tpu.memref_slice %arg5[%arg1, %add3A_28, %dma_wait3A, %dma_wait3A_41] : memref<16x16x20x64xf32, #tpu.memory_space<hbm>> -> memref<1x1x20x64xf32, #tpu.memory_space<hbm>>
        %dma_wait3A_43 = tpu.memref_squeeze %dma_wait3A_42 : memref<1x1x20x64xf32, #tpu.memory_space<hbm>> -> memref<20x64xf32, #tpu.memory_space<hbm>>
        %dma_wait3A_44 = arith.constant 0 : i32
        %dma_wait3A_45 = arith.constant 0 : i32
        %dma_wait3A_46 = tpu.memref_slice %arg5[%arg1, %add3A_28, %dma_wait3A_44, %dma_wait3A_45] : memref<16x16x20x64xf32, #tpu.memory_space<hbm>> -> memref<1x1x20x64xf32, #tpu.memory_space<hbm>>
        %dma_wait3A_47 = tpu.memref_squeeze %dma_wait3A_46 : memref<1x1x20x64xf32, #tpu.memory_space<hbm>> -> memref<20x64xf32, #tpu.memory_space<hbm>>
        tpu.wait_dma2 semaphore(%run_scoped3A : memref<!tpu.dma_semaphore, #tpu.memory_space<semaphore_mem>>) src(%arg9 : memref<20x64xf32, #tpu.memory_space<vmem>>) dst(%dma_wait3A_47 : memref<20x64xf32, #tpu.memory_space<hbm>>)
        tpu.yield
      }) : () -> ()
    }
    %scan3A_21 = arith.constant 8 : i32
    return
  }
}

#map = affine_map<(d0, d1) -> (0, 0, 0, 0, 0)>
#map1 = affine_map<(d0, d1) -> (0, 0, 0, 0)>
#map2 = affine_map<(d0, d1) -> (0, 0)>
#map3 = affine_map<(d0, d1) -> (0, 0, 0)>
module attributes {stable_mosaic.version = 14 : i64} {
  func.func @_sc_propagate_body(%arg0: i32, %arg1: i32, %arg2: memref<2x16x16x20x64xi32, #tpu.memory_space<hbm>>, %arg3: memref<16x16x20x64xi32, #tpu.memory_space<hbm>>, %arg4: memref<16x16x20x64xf32, #tpu.memory_space<hbm>>, %arg5: memref<20000x128xf32, #tpu.memory_space<hbm>>, %arg6: memref<2x10048x128xf32, #tpu.memory_space<hbm>>, %arg7: memref<20x64xi32, #tpu.memory_space<vmem>>, %arg8: memref<20x64xi32, #tpu.memory_space<vmem>>, %arg9: memref<20x64xf32, #tpu.memory_space<vmem>>, %arg10: memref<320x128xf32, #tpu.memory_space<vmem>>, %arg11: memref<10048x128xf32, #tpu.memory_space<vmem_shared>>, %arg12: memref<!tpu.dma_semaphore, #tpu.memory_space<semaphore_mem>>, %arg13: memref<!tpu.dma_semaphore, #tpu.memory_space<semaphore_mem>>, %arg14: memref<!tpu.dma_semaphore, #tpu.memory_space<semaphore_mem>>, %arg15: memref<!tpu.dma_semaphore, #tpu.memory_space<semaphore_mem>>, %arg16: memref<!tpu.dma_semaphore, #tpu.memory_space<semaphore_mem>>) attributes {dimension_semantics = [#tpu.dimension_semantics<core_parallel>, #tpu.dimension_semantics<subcore_parallel>], iteration_bounds = array<i64: 2, 16>, scalar_prefetch = 0 : i64, scratch_operands = 10 : i64, tpu.core_type = #tpu.core_type<sc_vector_subcore>, window_params = [{transform_indices = #map}, {transform_indices = #map1}, {transform_indices = #map1}, {transform_indices = #map2}, {transform_indices = #map3}]} {
    %broadcast_in_dim3A = arith.constant 0.000000e+00 : f32
    %broadcast_in_dim3A_0 = vector.broadcast %broadcast_in_dim3A : f32 to vector<16xf32>
    %scan3A = arith.constant 0 : i32
    %scan3A_1 = arith.constant 64 : i32
    %scan3A_2 = arith.addi %scan3A, %scan3A_1 : i32
    %scan3A_3 = arith.constant 1 : i32
    scf.for %scan3A_27 = %scan3A to %scan3A_2 step %scan3A_3  : i32 {
      %mul3A = arith.constant 1 : i32
      %mul3A_28 = arith.muli %scan3A_27, %mul3A : i32
      %add3A = arith.constant 0 : i32
      %add3A_29 = arith.addi %add3A, %mul3A_28 : i32
      %swap3A = arith.index_cast %add3A_29 : i32 to index
      %swap3A_30 = arith.constant 0 : index
      %swap3A_31 = tpu.vector_load %arg10[%swap3A, %swap3A_30] {strides = array<i32>} : memref<320x128xf32, #tpu.memory_space<vmem>>, vector<16xf32>,
      tpu.vector_store %arg10[%swap3A, %swap3A_30], %broadcast_in_dim3A_0 {strides = array<i32>} : memref<320x128xf32, #tpu.memory_space<vmem>>, vector<16xf32>,
      %swap3A_32 = arith.index_cast %add3A_29 : i32 to index
      %swap3A_33 = arith.constant 16 : index
      %swap3A_34 = tpu.vector_load %arg10[%swap3A_32, %swap3A_33] {strides = array<i32>} : memref<320x128xf32, #tpu.memory_space<vmem>>, vector<16xf32>,
      tpu.vector_store %arg10[%swap3A_32, %swap3A_33], %broadcast_in_dim3A_0 {strides = array<i32>} : memref<320x128xf32, #tpu.memory_space<vmem>>, vector<16xf32>,
      %swap3A_35 = arith.index_cast %add3A_29 : i32 to index
      %swap3A_36 = arith.constant 32 : index
      %swap3A_37 = tpu.vector_load %arg10[%swap3A_35, %swap3A_36] {strides = array<i32>} : memref<320x128xf32, #tpu.memory_space<vmem>>, vector<16xf32>,
      tpu.vector_store %arg10[%swap3A_35, %swap3A_36], %broadcast_in_dim3A_0 {strides = array<i32>} : memref<320x128xf32, #tpu.memory_space<vmem>>, vector<16xf32>,
      %swap3A_38 = arith.index_cast %add3A_29 : i32 to index
      %swap3A_39 = arith.constant 48 : index
      %swap3A_40 = tpu.vector_load %arg10[%swap3A_38, %swap3A_39] {strides = array<i32>} : memref<320x128xf32, #tpu.memory_space<vmem>>, vector<16xf32>,
      tpu.vector_store %arg10[%swap3A_38, %swap3A_39], %broadcast_in_dim3A_0 {strides = array<i32>} : memref<320x128xf32, #tpu.memory_space<vmem>>, vector<16xf32>,
      %swap3A_41 = arith.index_cast %add3A_29 : i32 to index
      %swap3A_42 = arith.constant 64 : index
      %swap3A_43 = tpu.vector_load %arg10[%swap3A_41, %swap3A_42] {strides = array<i32>} : memref<320x128xf32, #tpu.memory_space<vmem>>, vector<16xf32>,
      tpu.vector_store %arg10[%swap3A_41, %swap3A_42], %broadcast_in_dim3A_0 {strides = array<i32>} : memref<320x128xf32, #tpu.memory_space<vmem>>, vector<16xf32>,
      %swap3A_44 = arith.index_cast %add3A_29 : i32 to index
      %swap3A_45 = arith.constant 80 : index
      %swap3A_46 = tpu.vector_load %arg10[%swap3A_44, %swap3A_45] {strides = array<i32>} : memref<320x128xf32, #tpu.memory_space<vmem>>, vector<16xf32>,
      tpu.vector_store %arg10[%swap3A_44, %swap3A_45], %broadcast_in_dim3A_0 {strides = array<i32>} : memref<320x128xf32, #tpu.memory_space<vmem>>, vector<16xf32>,
      %swap3A_47 = arith.index_cast %add3A_29 : i32 to index
      %swap3A_48 = arith.constant 96 : index
      %swap3A_49 = tpu.vector_load %arg10[%swap3A_47, %swap3A_48] {strides = array<i32>} : memref<320x128xf32, #tpu.memory_space<vmem>>, vector<16xf32>,
      tpu.vector_store %arg10[%swap3A_47, %swap3A_48], %broadcast_in_dim3A_0 {strides = array<i32>} : memref<320x128xf32, #tpu.memory_space<vmem>>, vector<16xf32>,
      %swap3A_50 = arith.index_cast %add3A_29 : i32 to index
      %swap3A_51 = arith.constant 112 : index
      %swap3A_52 = tpu.vector_load %arg10[%swap3A_50, %swap3A_51] {strides = array<i32>} : memref<320x128xf32, #tpu.memory_space<vmem>>, vector<16xf32>,
      tpu.vector_store %arg10[%swap3A_50, %swap3A_51], %broadcast_in_dim3A_0 {strides = array<i32>} : memref<320x128xf32, #tpu.memory_space<vmem>>, vector<16xf32>,
    }
    %scan3A_4 = arith.constant 64 : i32
    %lt3A = arith.constant 15 : i32
    %lt3A_5 = arith.cmpi slt, %arg1, %lt3A : i32
    %convert_element_type3A = arith.extui %lt3A_5 : i1 to i32
    %cond3A = arith.constant 0 : i32
    %cond3A_6 = arith.cmpi ne, %convert_element_type3A, %cond3A : i32
    scf.if %cond3A_6 {
      %mul3A = arith.constant 640 : i32
      %mul3A_27 = arith.muli %arg1, %mul3A : i32
      %add3A = arith.constant 0 : i32
      %add3A_28 = arith.addi %mul3A_27, %add3A : i32
      "tpu.region"() ({
        %run_scoped3A = tpu.sem_alloc : memref<!tpu.dma_semaphore, #tpu.memory_space<semaphore_mem>>
        %dma_start3A = arith.constant 0 : i32
        %dma_start3A_65 = arith.constant 0 : i32
        %dma_start3A_66 = tpu.memref_slice %arg10[%dma_start3A, %dma_start3A_65] : memref<320x128xf32, #tpu.memory_space<vmem>> -> memref<64x128xf32, #tpu.memory_space<vmem>>
        %dma_start3A_67 = arith.constant 0 : i32
        %dma_start3A_68 = tpu.memref_slice %arg11[%add3A_28, %dma_start3A_67] : memref<10048x128xf32, #tpu.memory_space<vmem_shared>> -> memref<64x128xf32, #tpu.memory_space<vmem_shared>>
        %dma_start3A_69 = arith.constant 0 : i32
        %dma_start3A_70 = tpu.memref_slice %arg11[%add3A_28, %dma_start3A_69] : memref<10048x128xf32, #tpu.memory_space<vmem_shared>> -> memref<64x128xf32, #tpu.memory_space<vmem_shared>>
        %dma_start3A_71 = arith.constant 0 : i32
        %dma_start3A_72 = arith.constant 0 : i32
        %dma_start3A_73 = tpu.memref_slice %arg10[%dma_start3A_71, %dma_start3A_72] : memref<320x128xf32, #tpu.memory_space<vmem>> -> memref<64x128xf32, #tpu.memory_space<vmem>>
        tpu.enqueue_dma source(%dma_start3A_73 : memref<64x128xf32, #tpu.memory_space<vmem>>) target(%dma_start3A_70 : memref<64x128xf32, #tpu.memory_space<vmem_shared>>) target_semaphore(%run_scoped3A : memref<!tpu.dma_semaphore, #tpu.memory_space<semaphore_mem>>)
        %dma_wait3A = arith.constant 0 : i32
        %dma_wait3A_74 = arith.constant 0 : i32
        %dma_wait3A_75 = tpu.memref_slice %arg10[%dma_wait3A, %dma_wait3A_74] : memref<320x128xf32, #tpu.memory_space<vmem>> -> memref<64x128xf32, #tpu.memory_space<vmem>>
        %dma_wait3A_76 = arith.constant 0 : i32
        %dma_wait3A_77 = tpu.memref_slice %arg11[%add3A_28, %dma_wait3A_76] : memref<10048x128xf32, #tpu.memory_space<vmem_shared>> -> memref<64x128xf32, #tpu.memory_space<vmem_shared>>
        %dma_wait3A_78 = arith.constant 0 : i32
        %dma_wait3A_79 = tpu.memref_slice %arg11[%add3A_28, %dma_wait3A_78] : memref<10048x128xf32, #tpu.memory_space<vmem_shared>> -> memref<64x128xf32, #tpu.memory_space<vmem_shared>>
        %dma_wait3A_80 = arith.constant 0 : i32
        %dma_wait3A_81 = arith.constant 0 : i32
        %dma_wait3A_82 = tpu.memref_slice %arg10[%dma_wait3A_80, %dma_wait3A_81] : memref<320x128xf32, #tpu.memory_space<vmem>> -> memref<64x128xf32, #tpu.memory_space<vmem>>
        tpu.wait_dma2 semaphore(%run_scoped3A : memref<!tpu.dma_semaphore, #tpu.memory_space<semaphore_mem>>) src(%dma_wait3A_82 : memref<64x128xf32, #tpu.memory_space<vmem>>) dst(%dma_wait3A_79 : memref<64x128xf32, #tpu.memory_space<vmem_shared>>)
        tpu.yield
      }) : () -> ()
      %mul3A_29 = arith.constant 640 : i32
      %mul3A_30 = arith.muli %arg1, %mul3A_29 : i32
      %add3A_31 = arith.constant 64 : i32
      %add3A_32 = arith.addi %mul3A_30, %add3A_31 : i32
      "tpu.region"() ({
        %run_scoped3A = tpu.sem_alloc : memref<!tpu.dma_semaphore, #tpu.memory_space<semaphore_mem>>
        %dma_start3A = arith.constant 0 : i32
        %dma_start3A_65 = arith.constant 0 : i32
        %dma_start3A_66 = tpu.memref_slice %arg10[%dma_start3A, %dma_start3A_65] : memref<320x128xf32, #tpu.memory_space<vmem>> -> memref<64x128xf32, #tpu.memory_space<vmem>>
        %dma_start3A_67 = arith.constant 0 : i32
        %dma_start3A_68 = tpu.memref_slice %arg11[%add3A_32, %dma_start3A_67] : memref<10048x128xf32, #tpu.memory_space<vmem_shared>> -> memref<64x128xf32, #tpu.memory_space<vmem_shared>>
        %dma_start3A_69 = arith.constant 0 : i32
        %dma_start3A_70 = tpu.memref_slice %arg11[%add3A_32, %dma_start3A_69] : memref<10048x128xf32, #tpu.memory_space<vmem_shared>> -> memref<64x128xf32, #tpu.memory_space<vmem_shared>>
        %dma_start3A_71 = arith.constant 0 : i32
        %dma_start3A_72 = arith.constant 0 : i32
        %dma_start3A_73 = tpu.memref_slice %arg10[%dma_start3A_71, %dma_start3A_72] : memref<320x128xf32, #tpu.memory_space<vmem>> -> memref<64x128xf32, #tpu.memory_space<vmem>>
        tpu.enqueue_dma source(%dma_start3A_73 : memref<64x128xf32, #tpu.memory_space<vmem>>) target(%dma_start3A_70 : memref<64x128xf32, #tpu.memory_space<vmem_shared>>) target_semaphore(%run_scoped3A : memref<!tpu.dma_semaphore, #tpu.memory_space<semaphore_mem>>)
        %dma_wait3A = arith.constant 0 : i32
        %dma_wait3A_74 = arith.constant 0 : i32
        %dma_wait3A_75 = tpu.memref_slice %arg10[%dma_wait3A, %dma_wait3A_74] : memref<320x128xf32, #tpu.memory_space<vmem>> -> memref<64x128xf32, #tpu.memory_space<vmem>>
        %dma_wait3A_76 = arith.constant 0 : i32
        %dma_wait3A_77 = tpu.memref_slice %arg11[%add3A_32, %dma_wait3A_76] : memref<10048x128xf32, #tpu.memory_space<vmem_shared>> -> memref<64x128xf32, #tpu.memory_space<vmem_shared>>
        %dma_wait3A_78 = arith.constant 0 : i32
        %dma_wait3A_79 = tpu.memref_slice %arg11[%add3A_32, %dma_wait3A_78] : memref<10048x128xf32, #tpu.memory_space<vmem_shared>> -> memref<64x128xf32, #tpu.memory_space<vmem_shared>>
        %dma_wait3A_80 = arith.constant 0 : i32
        %dma_wait3A_81 = arith.constant 0 : i32
        %dma_wait3A_82 = tpu.memref_slice %arg10[%dma_wait3A_80, %dma_wait3A_81] : memref<320x128xf32, #tpu.memory_space<vmem>> -> memref<64x128xf32, #tpu.memory_space<vmem>>
        tpu.wait_dma2 semaphore(%run_scoped3A : memref<!tpu.dma_semaphore, #tpu.memory_space<semaphore_mem>>) src(%dma_wait3A_82 : memref<64x128xf32, #tpu.memory_space<vmem>>) dst(%dma_wait3A_79 : memref<64x128xf32, #tpu.memory_space<vmem_shared>>)
        tpu.yield
      }) : () -> ()
      %mul3A_33 = arith.constant 640 : i32
      %mul3A_34 = arith.muli %arg1, %mul3A_33 : i32
      %add3A_35 = arith.constant 128 : i32
      %add3A_36 = arith.addi %mul3A_34, %add3A_35 : i32
      "tpu.region"() ({
        %run_scoped3A = tpu.sem_alloc : memref<!tpu.dma_semaphore, #tpu.memory_space<semaphore_mem>>
        %dma_start3A = arith.constant 0 : i32
        %dma_start3A_65 = arith.constant 0 : i32
        %dma_start3A_66 = tpu.memref_slice %arg10[%dma_start3A, %dma_start3A_65] : memref<320x128xf32, #tpu.memory_space<vmem>> -> memref<64x128xf32, #tpu.memory_space<vmem>>
        %dma_start3A_67 = arith.constant 0 : i32
        %dma_start3A_68 = tpu.memref_slice %arg11[%add3A_36, %dma_start3A_67] : memref<10048x128xf32, #tpu.memory_space<vmem_shared>> -> memref<64x128xf32, #tpu.memory_space<vmem_shared>>
        %dma_start3A_69 = arith.constant 0 : i32
        %dma_start3A_70 = tpu.memref_slice %arg11[%add3A_36, %dma_start3A_69] : memref<10048x128xf32, #tpu.memory_space<vmem_shared>> -> memref<64x128xf32, #tpu.memory_space<vmem_shared>>
        %dma_start3A_71 = arith.constant 0 : i32
        %dma_start3A_72 = arith.constant 0 : i32
        %dma_start3A_73 = tpu.memref_slice %arg10[%dma_start3A_71, %dma_start3A_72] : memref<320x128xf32, #tpu.memory_space<vmem>> -> memref<64x128xf32, #tpu.memory_space<vmem>>
        tpu.enqueue_dma source(%dma_start3A_73 : memref<64x128xf32, #tpu.memory_space<vmem>>) target(%dma_start3A_70 : memref<64x128xf32, #tpu.memory_space<vmem_shared>>) target_semaphore(%run_scoped3A : memref<!tpu.dma_semaphore, #tpu.memory_space<semaphore_mem>>)
        %dma_wait3A = arith.constant 0 : i32
        %dma_wait3A_74 = arith.constant 0 : i32
        %dma_wait3A_75 = tpu.memref_slice %arg10[%dma_wait3A, %dma_wait3A_74] : memref<320x128xf32, #tpu.memory_space<vmem>> -> memref<64x128xf32, #tpu.memory_space<vmem>>
        %dma_wait3A_76 = arith.constant 0 : i32
        %dma_wait3A_77 = tpu.memref_slice %arg11[%add3A_36, %dma_wait3A_76] : memref<10048x128xf32, #tpu.memory_space<vmem_shared>> -> memref<64x128xf32, #tpu.memory_space<vmem_shared>>
        %dma_wait3A_78 = arith.constant 0 : i32
        %dma_wait3A_79 = tpu.memref_slice %arg11[%add3A_36, %dma_wait3A_78] : memref<10048x128xf32, #tpu.memory_space<vmem_shared>> -> memref<64x128xf32, #tpu.memory_space<vmem_shared>>
        %dma_wait3A_80 = arith.constant 0 : i32
        %dma_wait3A_81 = arith.constant 0 : i32
        %dma_wait3A_82 = tpu.memref_slice %arg10[%dma_wait3A_80, %dma_wait3A_81] : memref<320x128xf32, #tpu.memory_space<vmem>> -> memref<64x128xf32, #tpu.memory_space<vmem>>
        tpu.wait_dma2 semaphore(%run_scoped3A : memref<!tpu.dma_semaphore, #tpu.memory_space<semaphore_mem>>) src(%dma_wait3A_82 : memref<64x128xf32, #tpu.memory_space<vmem>>) dst(%dma_wait3A_79 : memref<64x128xf32, #tpu.memory_space<vmem_shared>>)
        tpu.yield
      }) : () -> ()
      %mul3A_37 = arith.constant 640 : i32
      %mul3A_38 = arith.muli %arg1, %mul3A_37 : i32
      %add3A_39 = arith.constant 192 : i32
      %add3A_40 = arith.addi %mul3A_38, %add3A_39 : i32
      "tpu.region"() ({
        %run_scoped3A = tpu.sem_alloc : memref<!tpu.dma_semaphore, #tpu.memory_space<semaphore_mem>>
        %dma_start3A = arith.constant 0 : i32
        %dma_start3A_65 = arith.constant 0 : i32
        %dma_start3A_66 = tpu.memref_slice %arg10[%dma_start3A, %dma_start3A_65] : memref<320x128xf32, #tpu.memory_space<vmem>> -> memref<64x128xf32, #tpu.memory_space<vmem>>
        %dma_start3A_67 = arith.constant 0 : i32
        %dma_start3A_68 = tpu.memref_slice %arg11[%add3A_40, %dma_start3A_67] : memref<10048x128xf32, #tpu.memory_space<vmem_shared>> -> memref<64x128xf32, #tpu.memory_space<vmem_shared>>
        %dma_start3A_69 = arith.constant 0 : i32
        %dma_start3A_70 = tpu.memref_slice %arg11[%add3A_40, %dma_start3A_69] : memref<10048x128xf32, #tpu.memory_space<vmem_shared>> -> memref<64x128xf32, #tpu.memory_space<vmem_shared>>
        %dma_start3A_71 = arith.constant 0 : i32
        %dma_start3A_72 = arith.constant 0 : i32
        %dma_start3A_73 = tpu.memref_slice %arg10[%dma_start3A_71, %dma_start3A_72] : memref<320x128xf32, #tpu.memory_space<vmem>> -> memref<64x128xf32, #tpu.memory_space<vmem>>
        tpu.enqueue_dma source(%dma_start3A_73 : memref<64x128xf32, #tpu.memory_space<vmem>>) target(%dma_start3A_70 : memref<64x128xf32, #tpu.memory_space<vmem_shared>>) target_semaphore(%run_scoped3A : memref<!tpu.dma_semaphore, #tpu.memory_space<semaphore_mem>>)
        %dma_wait3A = arith.constant 0 : i32
        %dma_wait3A_74 = arith.constant 0 : i32
        %dma_wait3A_75 = tpu.memref_slice %arg10[%dma_wait3A, %dma_wait3A_74] : memref<320x128xf32, #tpu.memory_space<vmem>> -> memref<64x128xf32, #tpu.memory_space<vmem>>
        %dma_wait3A_76 = arith.constant 0 : i32
        %dma_wait3A_77 = tpu.memref_slice %arg11[%add3A_40, %dma_wait3A_76] : memref<10048x128xf32, #tpu.memory_space<vmem_shared>> -> memref<64x128xf32, #tpu.memory_space<vmem_shared>>
        %dma_wait3A_78 = arith.constant 0 : i32
        %dma_wait3A_79 = tpu.memref_slice %arg11[%add3A_40, %dma_wait3A_78] : memref<10048x128xf32, #tpu.memory_space<vmem_shared>> -> memref<64x128xf32, #tpu.memory_space<vmem_shared>>
        %dma_wait3A_80 = arith.constant 0 : i32
        %dma_wait3A_81 = arith.constant 0 : i32
        %dma_wait3A_82 = tpu.memref_slice %arg10[%dma_wait3A_80, %dma_wait3A_81] : memref<320x128xf32, #tpu.memory_space<vmem>> -> memref<64x128xf32, #tpu.memory_space<vmem>>
        tpu.wait_dma2 semaphore(%run_scoped3A : memref<!tpu.dma_semaphore, #tpu.memory_space<semaphore_mem>>) src(%dma_wait3A_82 : memref<64x128xf32, #tpu.memory_space<vmem>>) dst(%dma_wait3A_79 : memref<64x128xf32, #tpu.memory_space<vmem_shared>>)
        tpu.yield
      }) : () -> ()
      %mul3A_41 = arith.constant 640 : i32
      %mul3A_42 = arith.muli %arg1, %mul3A_41 : i32
      %add3A_43 = arith.constant 256 : i32
      %add3A_44 = arith.addi %mul3A_42, %add3A_43 : i32
      "tpu.region"() ({
        %run_scoped3A = tpu.sem_alloc : memref<!tpu.dma_semaphore, #tpu.memory_space<semaphore_mem>>
        %dma_start3A = arith.constant 0 : i32
        %dma_start3A_65 = arith.constant 0 : i32
        %dma_start3A_66 = tpu.memref_slice %arg10[%dma_start3A, %dma_start3A_65] : memref<320x128xf32, #tpu.memory_space<vmem>> -> memref<64x128xf32, #tpu.memory_space<vmem>>
        %dma_start3A_67 = arith.constant 0 : i32
        %dma_start3A_68 = tpu.memref_slice %arg11[%add3A_44, %dma_start3A_67] : memref<10048x128xf32, #tpu.memory_space<vmem_shared>> -> memref<64x128xf32, #tpu.memory_space<vmem_shared>>
        %dma_start3A_69 = arith.constant 0 : i32
        %dma_start3A_70 = tpu.memref_slice %arg11[%add3A_44, %dma_start3A_69] : memref<10048x128xf32, #tpu.memory_space<vmem_shared>> -> memref<64x128xf32, #tpu.memory_space<vmem_shared>>
        %dma_start3A_71 = arith.constant 0 : i32
        %dma_start3A_72 = arith.constant 0 : i32
        %dma_start3A_73 = tpu.memref_slice %arg10[%dma_start3A_71, %dma_start3A_72] : memref<320x128xf32, #tpu.memory_space<vmem>> -> memref<64x128xf32, #tpu.memory_space<vmem>>
        tpu.enqueue_dma source(%dma_start3A_73 : memref<64x128xf32, #tpu.memory_space<vmem>>) target(%dma_start3A_70 : memref<64x128xf32, #tpu.memory_space<vmem_shared>>) target_semaphore(%run_scoped3A : memref<!tpu.dma_semaphore, #tpu.memory_space<semaphore_mem>>)
        %dma_wait3A = arith.constant 0 : i32
        %dma_wait3A_74 = arith.constant 0 : i32
        %dma_wait3A_75 = tpu.memref_slice %arg10[%dma_wait3A, %dma_wait3A_74] : memref<320x128xf32, #tpu.memory_space<vmem>> -> memref<64x128xf32, #tpu.memory_space<vmem>>
        %dma_wait3A_76 = arith.constant 0 : i32
        %dma_wait3A_77 = tpu.memref_slice %arg11[%add3A_44, %dma_wait3A_76] : memref<10048x128xf32, #tpu.memory_space<vmem_shared>> -> memref<64x128xf32, #tpu.memory_space<vmem_shared>>
        %dma_wait3A_78 = arith.constant 0 : i32
        %dma_wait3A_79 = tpu.memref_slice %arg11[%add3A_44, %dma_wait3A_78] : memref<10048x128xf32, #tpu.memory_space<vmem_shared>> -> memref<64x128xf32, #tpu.memory_space<vmem_shared>>
        %dma_wait3A_80 = arith.constant 0 : i32
        %dma_wait3A_81 = arith.constant 0 : i32
        %dma_wait3A_82 = tpu.memref_slice %arg10[%dma_wait3A_80, %dma_wait3A_81] : memref<320x128xf32, #tpu.memory_space<vmem>> -> memref<64x128xf32, #tpu.memory_space<vmem>>
        tpu.wait_dma2 semaphore(%run_scoped3A : memref<!tpu.dma_semaphore, #tpu.memory_space<semaphore_mem>>) src(%dma_wait3A_82 : memref<64x128xf32, #tpu.memory_space<vmem>>) dst(%dma_wait3A_79 : memref<64x128xf32, #tpu.memory_space<vmem_shared>>)
        tpu.yield
      }) : () -> ()
      %mul3A_45 = arith.constant 640 : i32
      %mul3A_46 = arith.muli %arg1, %mul3A_45 : i32
      %add3A_47 = arith.constant 320 : i32
      %add3A_48 = arith.addi %mul3A_46, %add3A_47 : i32
      "tpu.region"() ({
        %run_scoped3A = tpu.sem_alloc : memref<!tpu.dma_semaphore, #tpu.memory_space<semaphore_mem>>
        %dma_start3A = arith.constant 0 : i32
        %dma_start3A_65 = arith.constant 0 : i32
        %dma_start3A_66 = tpu.memref_slice %arg10[%dma_start3A, %dma_start3A_65] : memref<320x128xf32, #tpu.memory_space<vmem>> -> memref<64x128xf32, #tpu.memory_space<vmem>>
        %dma_start3A_67 = arith.constant 0 : i32
        %dma_start3A_68 = tpu.memref_slice %arg11[%add3A_48, %dma_start3A_67] : memref<10048x128xf32, #tpu.memory_space<vmem_shared>> -> memref<64x128xf32, #tpu.memory_space<vmem_shared>>
        %dma_start3A_69 = arith.constant 0 : i32
        %dma_start3A_70 = tpu.memref_slice %arg11[%add3A_48, %dma_start3A_69] : memref<10048x128xf32, #tpu.memory_space<vmem_shared>> -> memref<64x128xf32, #tpu.memory_space<vmem_shared>>
        %dma_start3A_71 = arith.constant 0 : i32
        %dma_start3A_72 = arith.constant 0 : i32
        %dma_start3A_73 = tpu.memref_slice %arg10[%dma_start3A_71, %dma_start3A_72] : memref<320x128xf32, #tpu.memory_space<vmem>> -> memref<64x128xf32, #tpu.memory_space<vmem>>
        tpu.enqueue_dma source(%dma_start3A_73 : memref<64x128xf32, #tpu.memory_space<vmem>>) target(%dma_start3A_70 : memref<64x128xf32, #tpu.memory_space<vmem_shared>>) target_semaphore(%run_scoped3A : memref<!tpu.dma_semaphore, #tpu.memory_space<semaphore_mem>>)
        %dma_wait3A = arith.constant 0 : i32
        %dma_wait3A_74 = arith.constant 0 : i32
        %dma_wait3A_75 = tpu.memref_slice %arg10[%dma_wait3A, %dma_wait3A_74] : memref<320x128xf32, #tpu.memory_space<vmem>> -> memref<64x128xf32, #tpu.memory_space<vmem>>
        %dma_wait3A_76 = arith.constant 0 : i32
        %dma_wait3A_77 = tpu.memref_slice %arg11[%add3A_48, %dma_wait3A_76] : memref<10048x128xf32, #tpu.memory_space<vmem_shared>> -> memref<64x128xf32, #tpu.memory_space<vmem_shared>>
        %dma_wait3A_78 = arith.constant 0 : i32
        %dma_wait3A_79 = tpu.memref_slice %arg11[%add3A_48, %dma_wait3A_78] : memref<10048x128xf32, #tpu.memory_space<vmem_shared>> -> memref<64x128xf32, #tpu.memory_space<vmem_shared>>
        %dma_wait3A_80 = arith.constant 0 : i32
        %dma_wait3A_81 = arith.constant 0 : i32
        %dma_wait3A_82 = tpu.memref_slice %arg10[%dma_wait3A_80, %dma_wait3A_81] : memref<320x128xf32, #tpu.memory_space<vmem>> -> memref<64x128xf32, #tpu.memory_space<vmem>>
        tpu.wait_dma2 semaphore(%run_scoped3A : memref<!tpu.dma_semaphore, #tpu.memory_space<semaphore_mem>>) src(%dma_wait3A_82 : memref<64x128xf32, #tpu.memory_space<vmem>>) dst(%dma_wait3A_79 : memref<64x128xf32, #tpu.memory_space<vmem_shared>>)
        tpu.yield
      }) : () -> ()
      %mul3A_49 = arith.constant 640 : i32
      %mul3A_50 = arith.muli %arg1, %mul3A_49 : i32
      %add3A_51 = arith.constant 384 : i32
      %add3A_52 = arith.addi %mul3A_50, %add3A_51 : i32
      "tpu.region"() ({
        %run_scoped3A = tpu.sem_alloc : memref<!tpu.dma_semaphore, #tpu.memory_space<semaphore_mem>>
        %dma_start3A = arith.constant 0 : i32
        %dma_start3A_65 = arith.constant 0 : i32
        %dma_start3A_66 = tpu.memref_slice %arg10[%dma_start3A, %dma_start3A_65] : memref<320x128xf32, #tpu.memory_space<vmem>> -> memref<64x128xf32, #tpu.memory_space<vmem>>
        %dma_start3A_67 = arith.constant 0 : i32
        %dma_start3A_68 = tpu.memref_slice %arg11[%add3A_52, %dma_start3A_67] : memref<10048x128xf32, #tpu.memory_space<vmem_shared>> -> memref<64x128xf32, #tpu.memory_space<vmem_shared>>
        %dma_start3A_69 = arith.constant 0 : i32
        %dma_start3A_70 = tpu.memref_slice %arg11[%add3A_52, %dma_start3A_69] : memref<10048x128xf32, #tpu.memory_space<vmem_shared>> -> memref<64x128xf32, #tpu.memory_space<vmem_shared>>
        %dma_start3A_71 = arith.constant 0 : i32
        %dma_start3A_72 = arith.constant 0 : i32
        %dma_start3A_73 = tpu.memref_slice %arg10[%dma_start3A_71, %dma_start3A_72] : memref<320x128xf32, #tpu.memory_space<vmem>> -> memref<64x128xf32, #tpu.memory_space<vmem>>
        tpu.enqueue_dma source(%dma_start3A_73 : memref<64x128xf32, #tpu.memory_space<vmem>>) target(%dma_start3A_70 : memref<64x128xf32, #tpu.memory_space<vmem_shared>>) target_semaphore(%run_scoped3A : memref<!tpu.dma_semaphore, #tpu.memory_space<semaphore_mem>>)
        %dma_wait3A = arith.constant 0 : i32
        %dma_wait3A_74 = arith.constant 0 : i32
        %dma_wait3A_75 = tpu.memref_slice %arg10[%dma_wait3A, %dma_wait3A_74] : memref<320x128xf32, #tpu.memory_space<vmem>> -> memref<64x128xf32, #tpu.memory_space<vmem>>
        %dma_wait3A_76 = arith.constant 0 : i32
        %dma_wait3A_77 = tpu.memref_slice %arg11[%add3A_52, %dma_wait3A_76] : memref<10048x128xf32, #tpu.memory_space<vmem_shared>> -> memref<64x128xf32, #tpu.memory_space<vmem_shared>>
        %dma_wait3A_78 = arith.constant 0 : i32
        %dma_wait3A_79 = tpu.memref_slice %arg11[%add3A_52, %dma_wait3A_78] : memref<10048x128xf32, #tpu.memory_space<vmem_shared>> -> memref<64x128xf32, #tpu.memory_space<vmem_shared>>
        %dma_wait3A_80 = arith.constant 0 : i32
        %dma_wait3A_81 = arith.constant 0 : i32
        %dma_wait3A_82 = tpu.memref_slice %arg10[%dma_wait3A_80, %dma_wait3A_81] : memref<320x128xf32, #tpu.memory_space<vmem>> -> memref<64x128xf32, #tpu.memory_space<vmem>>
        tpu.wait_dma2 semaphore(%run_scoped3A : memref<!tpu.dma_semaphore, #tpu.memory_space<semaphore_mem>>) src(%dma_wait3A_82 : memref<64x128xf32, #tpu.memory_space<vmem>>) dst(%dma_wait3A_79 : memref<64x128xf32, #tpu.memory_space<vmem_shared>>)
        tpu.yield
      }) : () -> ()
      %mul3A_53 = arith.constant 640 : i32
      %mul3A_54 = arith.muli %arg1, %mul3A_53 : i32
      %add3A_55 = arith.constant 448 : i32
      %add3A_56 = arith.addi %mul3A_54, %add3A_55 : i32
      "tpu.region"() ({
        %run_scoped3A = tpu.sem_alloc : memref<!tpu.dma_semaphore, #tpu.memory_space<semaphore_mem>>
        %dma_start3A = arith.constant 0 : i32
        %dma_start3A_65 = arith.constant 0 : i32
        %dma_start3A_66 = tpu.memref_slice %arg10[%dma_start3A, %dma_start3A_65] : memref<320x128xf32, #tpu.memory_space<vmem>> -> memref<64x128xf32, #tpu.memory_space<vmem>>
        %dma_start3A_67 = arith.constant 0 : i32
        %dma_start3A_68 = tpu.memref_slice %arg11[%add3A_56, %dma_start3A_67] : memref<10048x128xf32, #tpu.memory_space<vmem_shared>> -> memref<64x128xf32, #tpu.memory_space<vmem_shared>>
        %dma_start3A_69 = arith.constant 0 : i32
        %dma_start3A_70 = tpu.memref_slice %arg11[%add3A_56, %dma_start3A_69] : memref<10048x128xf32, #tpu.memory_space<vmem_shared>> -> memref<64x128xf32, #tpu.memory_space<vmem_shared>>
        %dma_start3A_71 = arith.constant 0 : i32
        %dma_start3A_72 = arith.constant 0 : i32
        %dma_start3A_73 = tpu.memref_slice %arg10[%dma_start3A_71, %dma_start3A_72] : memref<320x128xf32, #tpu.memory_space<vmem>> -> memref<64x128xf32, #tpu.memory_space<vmem>>
        tpu.enqueue_dma source(%dma_start3A_73 : memref<64x128xf32, #tpu.memory_space<vmem>>) target(%dma_start3A_70 : memref<64x128xf32, #tpu.memory_space<vmem_shared>>) target_semaphore(%run_scoped3A : memref<!tpu.dma_semaphore, #tpu.memory_space<semaphore_mem>>)
        %dma_wait3A = arith.constant 0 : i32
        %dma_wait3A_74 = arith.constant 0 : i32
        %dma_wait3A_75 = tpu.memref_slice %arg10[%dma_wait3A, %dma_wait3A_74] : memref<320x128xf32, #tpu.memory_space<vmem>> -> memref<64x128xf32, #tpu.memory_space<vmem>>
        %dma_wait3A_76 = arith.constant 0 : i32
        %dma_wait3A_77 = tpu.memref_slice %arg11[%add3A_56, %dma_wait3A_76] : memref<10048x128xf32, #tpu.memory_space<vmem_shared>> -> memref<64x128xf32, #tpu.memory_space<vmem_shared>>
        %dma_wait3A_78 = arith.constant 0 : i32
        %dma_wait3A_79 = tpu.memref_slice %arg11[%add3A_56, %dma_wait3A_78] : memref<10048x128xf32, #tpu.memory_space<vmem_shared>> -> memref<64x128xf32, #tpu.memory_space<vmem_shared>>
        %dma_wait3A_80 = arith.constant 0 : i32
        %dma_wait3A_81 = arith.constant 0 : i32
        %dma_wait3A_82 = tpu.memref_slice %arg10[%dma_wait3A_80, %dma_wait3A_81] : memref<320x128xf32, #tpu.memory_space<vmem>> -> memref<64x128xf32, #tpu.memory_space<vmem>>
        tpu.wait_dma2 semaphore(%run_scoped3A : memref<!tpu.dma_semaphore, #tpu.memory_space<semaphore_mem>>) src(%dma_wait3A_82 : memref<64x128xf32, #tpu.memory_space<vmem>>) dst(%dma_wait3A_79 : memref<64x128xf32, #tpu.memory_space<vmem_shared>>)
        tpu.yield
      }) : () -> ()
      %mul3A_57 = arith.constant 640 : i32
      %mul3A_58 = arith.muli %arg1, %mul3A_57 : i32
      %add3A_59 = arith.constant 512 : i32
      %add3A_60 = arith.addi %mul3A_58, %add3A_59 : i32
      "tpu.region"() ({
        %run_scoped3A = tpu.sem_alloc : memref<!tpu.dma_semaphore, #tpu.memory_space<semaphore_mem>>
        %dma_start3A = arith.constant 0 : i32
        %dma_start3A_65 = arith.constant 0 : i32
        %dma_start3A_66 = tpu.memref_slice %arg10[%dma_start3A, %dma_start3A_65] : memref<320x128xf32, #tpu.memory_space<vmem>> -> memref<64x128xf32, #tpu.memory_space<vmem>>
        %dma_start3A_67 = arith.constant 0 : i32
        %dma_start3A_68 = tpu.memref_slice %arg11[%add3A_60, %dma_start3A_67] : memref<10048x128xf32, #tpu.memory_space<vmem_shared>> -> memref<64x128xf32, #tpu.memory_space<vmem_shared>>
        %dma_start3A_69 = arith.constant 0 : i32
        %dma_start3A_70 = tpu.memref_slice %arg11[%add3A_60, %dma_start3A_69] : memref<10048x128xf32, #tpu.memory_space<vmem_shared>> -> memref<64x128xf32, #tpu.memory_space<vmem_shared>>
        %dma_start3A_71 = arith.constant 0 : i32
        %dma_start3A_72 = arith.constant 0 : i32
        %dma_start3A_73 = tpu.memref_slice %arg10[%dma_start3A_71, %dma_start3A_72] : memref<320x128xf32, #tpu.memory_space<vmem>> -> memref<64x128xf32, #tpu.memory_space<vmem>>
        tpu.enqueue_dma source(%dma_start3A_73 : memref<64x128xf32, #tpu.memory_space<vmem>>) target(%dma_start3A_70 : memref<64x128xf32, #tpu.memory_space<vmem_shared>>) target_semaphore(%run_scoped3A : memref<!tpu.dma_semaphore, #tpu.memory_space<semaphore_mem>>)
        %dma_wait3A = arith.constant 0 : i32
        %dma_wait3A_74 = arith.constant 0 : i32
        %dma_wait3A_75 = tpu.memref_slice %arg10[%dma_wait3A, %dma_wait3A_74] : memref<320x128xf32, #tpu.memory_space<vmem>> -> memref<64x128xf32, #tpu.memory_space<vmem>>
        %dma_wait3A_76 = arith.constant 0 : i32
        %dma_wait3A_77 = tpu.memref_slice %arg11[%add3A_60, %dma_wait3A_76] : memref<10048x128xf32, #tpu.memory_space<vmem_shared>> -> memref<64x128xf32, #tpu.memory_space<vmem_shared>>
        %dma_wait3A_78 = arith.constant 0 : i32
        %dma_wait3A_79 = tpu.memref_slice %arg11[%add3A_60, %dma_wait3A_78] : memref<10048x128xf32, #tpu.memory_space<vmem_shared>> -> memref<64x128xf32, #tpu.memory_space<vmem_shared>>
        %dma_wait3A_80 = arith.constant 0 : i32
        %dma_wait3A_81 = arith.constant 0 : i32
        %dma_wait3A_82 = tpu.memref_slice %arg10[%dma_wait3A_80, %dma_wait3A_81] : memref<320x128xf32, #tpu.memory_space<vmem>> -> memref<64x128xf32, #tpu.memory_space<vmem>>
        tpu.wait_dma2 semaphore(%run_scoped3A : memref<!tpu.dma_semaphore, #tpu.memory_space<semaphore_mem>>) src(%dma_wait3A_82 : memref<64x128xf32, #tpu.memory_space<vmem>>) dst(%dma_wait3A_79 : memref<64x128xf32, #tpu.memory_space<vmem_shared>>)
        tpu.yield
      }) : () -> ()
      %mul3A_61 = arith.constant 640 : i32
      %mul3A_62 = arith.muli %arg1, %mul3A_61 : i32
      %add3A_63 = arith.constant 576 : i32
      %add3A_64 = arith.addi %mul3A_62, %add3A_63 : i32
      "tpu.region"() ({
        %run_scoped3A = tpu.sem_alloc : memref<!tpu.dma_semaphore, #tpu.memory_space<semaphore_mem>>
        %dma_start3A = arith.constant 0 : i32
        %dma_start3A_65 = arith.constant 0 : i32
        %dma_start3A_66 = tpu.memref_slice %arg10[%dma_start3A, %dma_start3A_65] : memref<320x128xf32, #tpu.memory_space<vmem>> -> memref<64x128xf32, #tpu.memory_space<vmem>>
        %dma_start3A_67 = arith.constant 0 : i32
        %dma_start3A_68 = tpu.memref_slice %arg11[%add3A_64, %dma_start3A_67] : memref<10048x128xf32, #tpu.memory_space<vmem_shared>> -> memref<64x128xf32, #tpu.memory_space<vmem_shared>>
        %dma_start3A_69 = arith.constant 0 : i32
        %dma_start3A_70 = tpu.memref_slice %arg11[%add3A_64, %dma_start3A_69] : memref<10048x128xf32, #tpu.memory_space<vmem_shared>> -> memref<64x128xf32, #tpu.memory_space<vmem_shared>>
        %dma_start3A_71 = arith.constant 0 : i32
        %dma_start3A_72 = arith.constant 0 : i32
        %dma_start3A_73 = tpu.memref_slice %arg10[%dma_start3A_71, %dma_start3A_72] : memref<320x128xf32, #tpu.memory_space<vmem>> -> memref<64x128xf32, #tpu.memory_space<vmem>>
        tpu.enqueue_dma source(%dma_start3A_73 : memref<64x128xf32, #tpu.memory_space<vmem>>) target(%dma_start3A_70 : memref<64x128xf32, #tpu.memory_space<vmem_shared>>) target_semaphore(%run_scoped3A : memref<!tpu.dma_semaphore, #tpu.memory_space<semaphore_mem>>)
        %dma_wait3A = arith.constant 0 : i32
        %dma_wait3A_74 = arith.constant 0 : i32
        %dma_wait3A_75 = tpu.memref_slice %arg10[%dma_wait3A, %dma_wait3A_74] : memref<320x128xf32, #tpu.memory_space<vmem>> -> memref<64x128xf32, #tpu.memory_space<vmem>>
        %dma_wait3A_76 = arith.constant 0 : i32
        %dma_wait3A_77 = tpu.memref_slice %arg11[%add3A_64, %dma_wait3A_76] : memref<10048x128xf32, #tpu.memory_space<vmem_shared>> -> memref<64x128xf32, #tpu.memory_space<vmem_shared>>
        %dma_wait3A_78 = arith.constant 0 : i32
        %dma_wait3A_79 = tpu.memref_slice %arg11[%add3A_64, %dma_wait3A_78] : memref<10048x128xf32, #tpu.memory_space<vmem_shared>> -> memref<64x128xf32, #tpu.memory_space<vmem_shared>>
        %dma_wait3A_80 = arith.constant 0 : i32
        %dma_wait3A_81 = arith.constant 0 : i32
        %dma_wait3A_82 = tpu.memref_slice %arg10[%dma_wait3A_80, %dma_wait3A_81] : memref<320x128xf32, #tpu.memory_space<vmem>> -> memref<64x128xf32, #tpu.memory_space<vmem>>
        tpu.wait_dma2 semaphore(%run_scoped3A : memref<!tpu.dma_semaphore, #tpu.memory_space<semaphore_mem>>) src(%dma_wait3A_82 : memref<64x128xf32, #tpu.memory_space<vmem>>) dst(%dma_wait3A_79 : memref<64x128xf32, #tpu.memory_space<vmem_shared>>)
        tpu.yield
      }) : () -> ()
    } else {
    }
    %eq3A = arith.constant 15 : i32
    %eq3A_7 = arith.cmpi eq, %arg1, %eq3A : i32
    %convert_element_type3A_8 = arith.extui %eq3A_7 : i1 to i32
    %cond3A_9 = arith.constant 0 : i32
    %cond3A_10 = arith.cmpi ne, %convert_element_type3A_8, %cond3A_9 : i32
    scf.if %cond3A_10 {
      "tpu.region"() ({
        %run_scoped3A = tpu.sem_alloc : memref<!tpu.dma_semaphore, #tpu.memory_space<semaphore_mem>>
        %dma_start3A = arith.constant 0 : i32
        %dma_start3A_27 = arith.constant 0 : i32
        %dma_start3A_28 = tpu.memref_slice %arg10[%dma_start3A, %dma_start3A_27] : memref<320x128xf32, #tpu.memory_space<vmem>> -> memref<64x128xf32, #tpu.memory_space<vmem>>
        %dma_start3A_29 = arith.constant 9600 : i32
        %dma_start3A_30 = arith.constant 0 : i32
        %dma_start3A_31 = tpu.memref_slice %arg11[%dma_start3A_29, %dma_start3A_30] : memref<10048x128xf32, #tpu.memory_space<vmem_shared>> -> memref<64x128xf32, #tpu.memory_space<vmem_shared>>
        %dma_start3A_32 = arith.constant 9600 : i32
        %dma_start3A_33 = arith.constant 0 : i32
        %dma_start3A_34 = tpu.memref_slice %arg11[%dma_start3A_32, %dma_start3A_33] : memref<10048x128xf32, #tpu.memory_space<vmem_shared>> -> memref<64x128xf32, #tpu.memory_space<vmem_shared>>
        %dma_start3A_35 = arith.constant 0 : i32
        %dma_start3A_36 = arith.constant 0 : i32
        %dma_start3A_37 = tpu.memref_slice %arg10[%dma_start3A_35, %dma_start3A_36] : memref<320x128xf32, #tpu.memory_space<vmem>> -> memref<64x128xf32, #tpu.memory_space<vmem>>
        tpu.enqueue_dma source(%dma_start3A_37 : memref<64x128xf32, #tpu.memory_space<vmem>>) target(%dma_start3A_34 : memref<64x128xf32, #tpu.memory_space<vmem_shared>>) target_semaphore(%run_scoped3A : memref<!tpu.dma_semaphore, #tpu.memory_space<semaphore_mem>>)
        %dma_wait3A = arith.constant 0 : i32
        %dma_wait3A_38 = arith.constant 0 : i32
        %dma_wait3A_39 = tpu.memref_slice %arg10[%dma_wait3A, %dma_wait3A_38] : memref<320x128xf32, #tpu.memory_space<vmem>> -> memref<64x128xf32, #tpu.memory_space<vmem>>
        %dma_wait3A_40 = arith.constant 9600 : i32
        %dma_wait3A_41 = arith.constant 0 : i32
        %dma_wait3A_42 = tpu.memref_slice %arg11[%dma_wait3A_40, %dma_wait3A_41] : memref<10048x128xf32, #tpu.memory_space<vmem_shared>> -> memref<64x128xf32, #tpu.memory_space<vmem_shared>>
        %dma_wait3A_43 = arith.constant 9600 : i32
        %dma_wait3A_44 = arith.constant 0 : i32
        %dma_wait3A_45 = tpu.memref_slice %arg11[%dma_wait3A_43, %dma_wait3A_44] : memref<10048x128xf32, #tpu.memory_space<vmem_shared>> -> memref<64x128xf32, #tpu.memory_space<vmem_shared>>
        %dma_wait3A_46 = arith.constant 0 : i32
        %dma_wait3A_47 = arith.constant 0 : i32
        %dma_wait3A_48 = tpu.memref_slice %arg10[%dma_wait3A_46, %dma_wait3A_47] : memref<320x128xf32, #tpu.memory_space<vmem>> -> memref<64x128xf32, #tpu.memory_space<vmem>>
        tpu.wait_dma2 semaphore(%run_scoped3A : memref<!tpu.dma_semaphore, #tpu.memory_space<semaphore_mem>>) src(%dma_wait3A_48 : memref<64x128xf32, #tpu.memory_space<vmem>>) dst(%dma_wait3A_45 : memref<64x128xf32, #tpu.memory_space<vmem_shared>>)
        tpu.yield
      }) : () -> ()
      "tpu.region"() ({
        %run_scoped3A = tpu.sem_alloc : memref<!tpu.dma_semaphore, #tpu.memory_space<semaphore_mem>>
        %dma_start3A = arith.constant 0 : i32
        %dma_start3A_27 = arith.constant 0 : i32
        %dma_start3A_28 = tpu.memref_slice %arg10[%dma_start3A, %dma_start3A_27] : memref<320x128xf32, #tpu.memory_space<vmem>> -> memref<64x128xf32, #tpu.memory_space<vmem>>
        %dma_start3A_29 = arith.constant 9664 : i32
        %dma_start3A_30 = arith.constant 0 : i32
        %dma_start3A_31 = tpu.memref_slice %arg11[%dma_start3A_29, %dma_start3A_30] : memref<10048x128xf32, #tpu.memory_space<vmem_shared>> -> memref<64x128xf32, #tpu.memory_space<vmem_shared>>
        %dma_start3A_32 = arith.constant 9664 : i32
        %dma_start3A_33 = arith.constant 0 : i32
        %dma_start3A_34 = tpu.memref_slice %arg11[%dma_start3A_32, %dma_start3A_33] : memref<10048x128xf32, #tpu.memory_space<vmem_shared>> -> memref<64x128xf32, #tpu.memory_space<vmem_shared>>
        %dma_start3A_35 = arith.constant 0 : i32
        %dma_start3A_36 = arith.constant 0 : i32
        %dma_start3A_37 = tpu.memref_slice %arg10[%dma_start3A_35, %dma_start3A_36] : memref<320x128xf32, #tpu.memory_space<vmem>> -> memref<64x128xf32, #tpu.memory_space<vmem>>
        tpu.enqueue_dma source(%dma_start3A_37 : memref<64x128xf32, #tpu.memory_space<vmem>>) target(%dma_start3A_34 : memref<64x128xf32, #tpu.memory_space<vmem_shared>>) target_semaphore(%run_scoped3A : memref<!tpu.dma_semaphore, #tpu.memory_space<semaphore_mem>>)
        %dma_wait3A = arith.constant 0 : i32
        %dma_wait3A_38 = arith.constant 0 : i32
        %dma_wait3A_39 = tpu.memref_slice %arg10[%dma_wait3A, %dma_wait3A_38] : memref<320x128xf32, #tpu.memory_space<vmem>> -> memref<64x128xf32, #tpu.memory_space<vmem>>
        %dma_wait3A_40 = arith.constant 9664 : i32
        %dma_wait3A_41 = arith.constant 0 : i32
        %dma_wait3A_42 = tpu.memref_slice %arg11[%dma_wait3A_40, %dma_wait3A_41] : memref<10048x128xf32, #tpu.memory_space<vmem_shared>> -> memref<64x128xf32, #tpu.memory_space<vmem_shared>>
        %dma_wait3A_43 = arith.constant 9664 : i32
        %dma_wait3A_44 = arith.constant 0 : i32
        %dma_wait3A_45 = tpu.memref_slice %arg11[%dma_wait3A_43, %dma_wait3A_44] : memref<10048x128xf32, #tpu.memory_space<vmem_shared>> -> memref<64x128xf32, #tpu.memory_space<vmem_shared>>
        %dma_wait3A_46 = arith.constant 0 : i32
        %dma_wait3A_47 = arith.constant 0 : i32
        %dma_wait3A_48 = tpu.memref_slice %arg10[%dma_wait3A_46, %dma_wait3A_47] : memref<320x128xf32, #tpu.memory_space<vmem>> -> memref<64x128xf32, #tpu.memory_space<vmem>>
        tpu.wait_dma2 semaphore(%run_scoped3A : memref<!tpu.dma_semaphore, #tpu.memory_space<semaphore_mem>>) src(%dma_wait3A_48 : memref<64x128xf32, #tpu.memory_space<vmem>>) dst(%dma_wait3A_45 : memref<64x128xf32, #tpu.memory_space<vmem_shared>>)
        tpu.yield
      }) : () -> ()
      "tpu.region"() ({
        %run_scoped3A = tpu.sem_alloc : memref<!tpu.dma_semaphore, #tpu.memory_space<semaphore_mem>>
        %dma_start3A = arith.constant 0 : i32
        %dma_start3A_27 = arith.constant 0 : i32
        %dma_start3A_28 = tpu.memref_slice %arg10[%dma_start3A, %dma_start3A_27] : memref<320x128xf32, #tpu.memory_space<vmem>> -> memref<64x128xf32, #tpu.memory_space<vmem>>
        %dma_start3A_29 = arith.constant 9728 : i32
        %dma_start3A_30 = arith.constant 0 : i32
        %dma_start3A_31 = tpu.memref_slice %arg11[%dma_start3A_29, %dma_start3A_30] : memref<10048x128xf32, #tpu.memory_space<vmem_shared>> -> memref<64x128xf32, #tpu.memory_space<vmem_shared>>
        %dma_start3A_32 = arith.constant 9728 : i32
        %dma_start3A_33 = arith.constant 0 : i32
        %dma_start3A_34 = tpu.memref_slice %arg11[%dma_start3A_32, %dma_start3A_33] : memref<10048x128xf32, #tpu.memory_space<vmem_shared>> -> memref<64x128xf32, #tpu.memory_space<vmem_shared>>
        %dma_start3A_35 = arith.constant 0 : i32
        %dma_start3A_36 = arith.constant 0 : i32
        %dma_start3A_37 = tpu.memref_slice %arg10[%dma_start3A_35, %dma_start3A_36] : memref<320x128xf32, #tpu.memory_space<vmem>> -> memref<64x128xf32, #tpu.memory_space<vmem>>
        tpu.enqueue_dma source(%dma_start3A_37 : memref<64x128xf32, #tpu.memory_space<vmem>>) target(%dma_start3A_34 : memref<64x128xf32, #tpu.memory_space<vmem_shared>>) target_semaphore(%run_scoped3A : memref<!tpu.dma_semaphore, #tpu.memory_space<semaphore_mem>>)
        %dma_wait3A = arith.constant 0 : i32
        %dma_wait3A_38 = arith.constant 0 : i32
        %dma_wait3A_39 = tpu.memref_slice %arg10[%dma_wait3A, %dma_wait3A_38] : memref<320x128xf32, #tpu.memory_space<vmem>> -> memref<64x128xf32, #tpu.memory_space<vmem>>
        %dma_wait3A_40 = arith.constant 9728 : i32
        %dma_wait3A_41 = arith.constant 0 : i32
        %dma_wait3A_42 = tpu.memref_slice %arg11[%dma_wait3A_40, %dma_wait3A_41] : memref<10048x128xf32, #tpu.memory_space<vmem_shared>> -> memref<64x128xf32, #tpu.memory_space<vmem_shared>>
        %dma_wait3A_43 = arith.constant 9728 : i32
        %dma_wait3A_44 = arith.constant 0 : i32
        %dma_wait3A_45 = tpu.memref_slice %arg11[%dma_wait3A_43, %dma_wait3A_44] : memref<10048x128xf32, #tpu.memory_space<vmem_shared>> -> memref<64x128xf32, #tpu.memory_space<vmem_shared>>
        %dma_wait3A_46 = arith.constant 0 : i32
        %dma_wait3A_47 = arith.constant 0 : i32
        %dma_wait3A_48 = tpu.memref_slice %arg10[%dma_wait3A_46, %dma_wait3A_47] : memref<320x128xf32, #tpu.memory_space<vmem>> -> memref<64x128xf32, #tpu.memory_space<vmem>>
        tpu.wait_dma2 semaphore(%run_scoped3A : memref<!tpu.dma_semaphore, #tpu.memory_space<semaphore_mem>>) src(%dma_wait3A_48 : memref<64x128xf32, #tpu.memory_space<vmem>>) dst(%dma_wait3A_45 : memref<64x128xf32, #tpu.memory_space<vmem_shared>>)
        tpu.yield
      }) : () -> ()
      "tpu.region"() ({
        %run_scoped3A = tpu.sem_alloc : memref<!tpu.dma_semaphore, #tpu.memory_space<semaphore_mem>>
        %dma_start3A = arith.constant 0 : i32
        %dma_start3A_27 = arith.constant 0 : i32
        %dma_start3A_28 = tpu.memref_slice %arg10[%dma_start3A, %dma_start3A_27] : memref<320x128xf32, #tpu.memory_space<vmem>> -> memref<64x128xf32, #tpu.memory_space<vmem>>
        %dma_start3A_29 = arith.constant 9792 : i32
        %dma_start3A_30 = arith.constant 0 : i32
        %dma_start3A_31 = tpu.memref_slice %arg11[%dma_start3A_29, %dma_start3A_30] : memref<10048x128xf32, #tpu.memory_space<vmem_shared>> -> memref<64x128xf32, #tpu.memory_space<vmem_shared>>
        %dma_start3A_32 = arith.constant 9792 : i32
        %dma_start3A_33 = arith.constant 0 : i32
        %dma_start3A_34 = tpu.memref_slice %arg11[%dma_start3A_32, %dma_start3A_33] : memref<10048x128xf32, #tpu.memory_space<vmem_shared>> -> memref<64x128xf32, #tpu.memory_space<vmem_shared>>
        %dma_start3A_35 = arith.constant 0 : i32
        %dma_start3A_36 = arith.constant 0 : i32
        %dma_start3A_37 = tpu.memref_slice %arg10[%dma_start3A_35, %dma_start3A_36] : memref<320x128xf32, #tpu.memory_space<vmem>> -> memref<64x128xf32, #tpu.memory_space<vmem>>
        tpu.enqueue_dma source(%dma_start3A_37 : memref<64x128xf32, #tpu.memory_space<vmem>>) target(%dma_start3A_34 : memref<64x128xf32, #tpu.memory_space<vmem_shared>>) target_semaphore(%run_scoped3A : memref<!tpu.dma_semaphore, #tpu.memory_space<semaphore_mem>>)
        %dma_wait3A = arith.constant 0 : i32
        %dma_wait3A_38 = arith.constant 0 : i32
        %dma_wait3A_39 = tpu.memref_slice %arg10[%dma_wait3A, %dma_wait3A_38] : memref<320x128xf32, #tpu.memory_space<vmem>> -> memref<64x128xf32, #tpu.memory_space<vmem>>
        %dma_wait3A_40 = arith.constant 9792 : i32
        %dma_wait3A_41 = arith.constant 0 : i32
        %dma_wait3A_42 = tpu.memref_slice %arg11[%dma_wait3A_40, %dma_wait3A_41] : memref<10048x128xf32, #tpu.memory_space<vmem_shared>> -> memref<64x128xf32, #tpu.memory_space<vmem_shared>>
        %dma_wait3A_43 = arith.constant 9792 : i32
        %dma_wait3A_44 = arith.constant 0 : i32
        %dma_wait3A_45 = tpu.memref_slice %arg11[%dma_wait3A_43, %dma_wait3A_44] : memref<10048x128xf32, #tpu.memory_space<vmem_shared>> -> memref<64x128xf32, #tpu.memory_space<vmem_shared>>
        %dma_wait3A_46 = arith.constant 0 : i32
        %dma_wait3A_47 = arith.constant 0 : i32
        %dma_wait3A_48 = tpu.memref_slice %arg10[%dma_wait3A_46, %dma_wait3A_47] : memref<320x128xf32, #tpu.memory_space<vmem>> -> memref<64x128xf32, #tpu.memory_space<vmem>>
        tpu.wait_dma2 semaphore(%run_scoped3A : memref<!tpu.dma_semaphore, #tpu.memory_space<semaphore_mem>>) src(%dma_wait3A_48 : memref<64x128xf32, #tpu.memory_space<vmem>>) dst(%dma_wait3A_45 : memref<64x128xf32, #tpu.memory_space<vmem_shared>>)
        tpu.yield
      }) : () -> ()
      "tpu.region"() ({
        %run_scoped3A = tpu.sem_alloc : memref<!tpu.dma_semaphore, #tpu.memory_space<semaphore_mem>>
        %dma_start3A = arith.constant 0 : i32
        %dma_start3A_27 = arith.constant 0 : i32
        %dma_start3A_28 = tpu.memref_slice %arg10[%dma_start3A, %dma_start3A_27] : memref<320x128xf32, #tpu.memory_space<vmem>> -> memref<64x128xf32, #tpu.memory_space<vmem>>
        %dma_start3A_29 = arith.constant 9856 : i32
        %dma_start3A_30 = arith.constant 0 : i32
        %dma_start3A_31 = tpu.memref_slice %arg11[%dma_start3A_29, %dma_start3A_30] : memref<10048x128xf32, #tpu.memory_space<vmem_shared>> -> memref<64x128xf32, #tpu.memory_space<vmem_shared>>
        %dma_start3A_32 = arith.constant 9856 : i32
        %dma_start3A_33 = arith.constant 0 : i32
        %dma_start3A_34 = tpu.memref_slice %arg11[%dma_start3A_32, %dma_start3A_33] : memref<10048x128xf32, #tpu.memory_space<vmem_shared>> -> memref<64x128xf32, #tpu.memory_space<vmem_shared>>
        %dma_start3A_35 = arith.constant 0 : i32
        %dma_start3A_36 = arith.constant 0 : i32
        %dma_start3A_37 = tpu.memref_slice %arg10[%dma_start3A_35, %dma_start3A_36] : memref<320x128xf32, #tpu.memory_space<vmem>> -> memref<64x128xf32, #tpu.memory_space<vmem>>
        tpu.enqueue_dma source(%dma_start3A_37 : memref<64x128xf32, #tpu.memory_space<vmem>>) target(%dma_start3A_34 : memref<64x128xf32, #tpu.memory_space<vmem_shared>>) target_semaphore(%run_scoped3A : memref<!tpu.dma_semaphore, #tpu.memory_space<semaphore_mem>>)
        %dma_wait3A = arith.constant 0 : i32
        %dma_wait3A_38 = arith.constant 0 : i32
        %dma_wait3A_39 = tpu.memref_slice %arg10[%dma_wait3A, %dma_wait3A_38] : memref<320x128xf32, #tpu.memory_space<vmem>> -> memref<64x128xf32, #tpu.memory_space<vmem>>
        %dma_wait3A_40 = arith.constant 9856 : i32
        %dma_wait3A_41 = arith.constant 0 : i32
        %dma_wait3A_42 = tpu.memref_slice %arg11[%dma_wait3A_40, %dma_wait3A_41] : memref<10048x128xf32, #tpu.memory_space<vmem_shared>> -> memref<64x128xf32, #tpu.memory_space<vmem_shared>>
        %dma_wait3A_43 = arith.constant 9856 : i32
        %dma_wait3A_44 = arith.constant 0 : i32
        %dma_wait3A_45 = tpu.memref_slice %arg11[%dma_wait3A_43, %dma_wait3A_44] : memref<10048x128xf32, #tpu.memory_space<vmem_shared>> -> memref<64x128xf32, #tpu.memory_space<vmem_shared>>
        %dma_wait3A_46 = arith.constant 0 : i32
        %dma_wait3A_47 = arith.constant 0 : i32
        %dma_wait3A_48 = tpu.memref_slice %arg10[%dma_wait3A_46, %dma_wait3A_47] : memref<320x128xf32, #tpu.memory_space<vmem>> -> memref<64x128xf32, #tpu.memory_space<vmem>>
        tpu.wait_dma2 semaphore(%run_scoped3A : memref<!tpu.dma_semaphore, #tpu.memory_space<semaphore_mem>>) src(%dma_wait3A_48 : memref<64x128xf32, #tpu.memory_space<vmem>>) dst(%dma_wait3A_45 : memref<64x128xf32, #tpu.memory_space<vmem_shared>>)
        tpu.yield
      }) : () -> ()
      "tpu.region"() ({
        %run_scoped3A = tpu.sem_alloc : memref<!tpu.dma_semaphore, #tpu.memory_space<semaphore_mem>>
        %dma_start3A = arith.constant 0 : i32
        %dma_start3A_27 = arith.constant 0 : i32
        %dma_start3A_28 = tpu.memref_slice %arg10[%dma_start3A, %dma_start3A_27] : memref<320x128xf32, #tpu.memory_space<vmem>> -> memref<64x128xf32, #tpu.memory_space<vmem>>
        %dma_start3A_29 = arith.constant 9920 : i32
        %dma_start3A_30 = arith.constant 0 : i32
        %dma_start3A_31 = tpu.memref_slice %arg11[%dma_start3A_29, %dma_start3A_30] : memref<10048x128xf32, #tpu.memory_space<vmem_shared>> -> memref<64x128xf32, #tpu.memory_space<vmem_shared>>
        %dma_start3A_32 = arith.constant 9920 : i32
        %dma_start3A_33 = arith.constant 0 : i32
        %dma_start3A_34 = tpu.memref_slice %arg11[%dma_start3A_32, %dma_start3A_33] : memref<10048x128xf32, #tpu.memory_space<vmem_shared>> -> memref<64x128xf32, #tpu.memory_space<vmem_shared>>
        %dma_start3A_35 = arith.constant 0 : i32
        %dma_start3A_36 = arith.constant 0 : i32
        %dma_start3A_37 = tpu.memref_slice %arg10[%dma_start3A_35, %dma_start3A_36] : memref<320x128xf32, #tpu.memory_space<vmem>> -> memref<64x128xf32, #tpu.memory_space<vmem>>
        tpu.enqueue_dma source(%dma_start3A_37 : memref<64x128xf32, #tpu.memory_space<vmem>>) target(%dma_start3A_34 : memref<64x128xf32, #tpu.memory_space<vmem_shared>>) target_semaphore(%run_scoped3A : memref<!tpu.dma_semaphore, #tpu.memory_space<semaphore_mem>>)
        %dma_wait3A = arith.constant 0 : i32
        %dma_wait3A_38 = arith.constant 0 : i32
        %dma_wait3A_39 = tpu.memref_slice %arg10[%dma_wait3A, %dma_wait3A_38] : memref<320x128xf32, #tpu.memory_space<vmem>> -> memref<64x128xf32, #tpu.memory_space<vmem>>
        %dma_wait3A_40 = arith.constant 9920 : i32
        %dma_wait3A_41 = arith.constant 0 : i32
        %dma_wait3A_42 = tpu.memref_slice %arg11[%dma_wait3A_40, %dma_wait3A_41] : memref<10048x128xf32, #tpu.memory_space<vmem_shared>> -> memref<64x128xf32, #tpu.memory_space<vmem_shared>>
        %dma_wait3A_43 = arith.constant 9920 : i32
        %dma_wait3A_44 = arith.constant 0 : i32
        %dma_wait3A_45 = tpu.memref_slice %arg11[%dma_wait3A_43, %dma_wait3A_44] : memref<10048x128xf32, #tpu.memory_space<vmem_shared>> -> memref<64x128xf32, #tpu.memory_space<vmem_shared>>
        %dma_wait3A_46 = arith.constant 0 : i32
        %dma_wait3A_47 = arith.constant 0 : i32
        %dma_wait3A_48 = tpu.memref_slice %arg10[%dma_wait3A_46, %dma_wait3A_47] : memref<320x128xf32, #tpu.memory_space<vmem>> -> memref<64x128xf32, #tpu.memory_space<vmem>>
        tpu.wait_dma2 semaphore(%run_scoped3A : memref<!tpu.dma_semaphore, #tpu.memory_space<semaphore_mem>>) src(%dma_wait3A_48 : memref<64x128xf32, #tpu.memory_space<vmem>>) dst(%dma_wait3A_45 : memref<64x128xf32, #tpu.memory_space<vmem_shared>>)
        tpu.yield
      }) : () -> ()
      "tpu.region"() ({
        %run_scoped3A = tpu.sem_alloc : memref<!tpu.dma_semaphore, #tpu.memory_space<semaphore_mem>>
        %dma_start3A = arith.constant 0 : i32
        %dma_start3A_27 = arith.constant 0 : i32
        %dma_start3A_28 = tpu.memref_slice %arg10[%dma_start3A, %dma_start3A_27] : memref<320x128xf32, #tpu.memory_space<vmem>> -> memref<64x128xf32, #tpu.memory_space<vmem>>
        %dma_start3A_29 = arith.constant 9984 : i32
        %dma_start3A_30 = arith.constant 0 : i32
        %dma_start3A_31 = tpu.memref_slice %arg11[%dma_start3A_29, %dma_start3A_30] : memref<10048x128xf32, #tpu.memory_space<vmem_shared>> -> memref<64x128xf32, #tpu.memory_space<vmem_shared>>
        %dma_start3A_32 = arith.constant 9984 : i32
        %dma_start3A_33 = arith.constant 0 : i32
        %dma_start3A_34 = tpu.memref_slice %arg11[%dma_start3A_32, %dma_start3A_33] : memref<10048x128xf32, #tpu.memory_space<vmem_shared>> -> memref<64x128xf32, #tpu.memory_space<vmem_shared>>
        %dma_start3A_35 = arith.constant 0 : i32
        %dma_start3A_36 = arith.constant 0 : i32
        %dma_start3A_37 = tpu.memref_slice %arg10[%dma_start3A_35, %dma_start3A_36] : memref<320x128xf32, #tpu.memory_space<vmem>> -> memref<64x128xf32, #tpu.memory_space<vmem>>
        tpu.enqueue_dma source(%dma_start3A_37 : memref<64x128xf32, #tpu.memory_space<vmem>>) target(%dma_start3A_34 : memref<64x128xf32, #tpu.memory_space<vmem_shared>>) target_semaphore(%run_scoped3A : memref<!tpu.dma_semaphore, #tpu.memory_space<semaphore_mem>>)
        %dma_wait3A = arith.constant 0 : i32
        %dma_wait3A_38 = arith.constant 0 : i32
        %dma_wait3A_39 = tpu.memref_slice %arg10[%dma_wait3A, %dma_wait3A_38] : memref<320x128xf32, #tpu.memory_space<vmem>> -> memref<64x128xf32, #tpu.memory_space<vmem>>
        %dma_wait3A_40 = arith.constant 9984 : i32
        %dma_wait3A_41 = arith.constant 0 : i32
        %dma_wait3A_42 = tpu.memref_slice %arg11[%dma_wait3A_40, %dma_wait3A_41] : memref<10048x128xf32, #tpu.memory_space<vmem_shared>> -> memref<64x128xf32, #tpu.memory_space<vmem_shared>>
        %dma_wait3A_43 = arith.constant 9984 : i32
        %dma_wait3A_44 = arith.constant 0 : i32
        %dma_wait3A_45 = tpu.memref_slice %arg11[%dma_wait3A_43, %dma_wait3A_44] : memref<10048x128xf32, #tpu.memory_space<vmem_shared>> -> memref<64x128xf32, #tpu.memory_space<vmem_shared>>
        %dma_wait3A_46 = arith.constant 0 : i32
        %dma_wait3A_47 = arith.constant 0 : i32
        %dma_wait3A_48 = tpu.memref_slice %arg10[%dma_wait3A_46, %dma_wait3A_47] : memref<320x128xf32, #tpu.memory_space<vmem>> -> memref<64x128xf32, #tpu.memory_space<vmem>>
        tpu.wait_dma2 semaphore(%run_scoped3A : memref<!tpu.dma_semaphore, #tpu.memory_space<semaphore_mem>>) src(%dma_wait3A_48 : memref<64x128xf32, #tpu.memory_space<vmem>>) dst(%dma_wait3A_45 : memref<64x128xf32, #tpu.memory_space<vmem_shared>>)
        tpu.yield
      }) : () -> ()
    } else {
    }
    %barrier3A = arith.constant 0 : index
    tpu.barrier barrier_id(%barrier3A)
    %scan3A_11 = arith.constant 0 : i32
    %scan3A_12 = arith.constant 16 : i32
    %scan3A_13 = arith.addi %scan3A_11, %scan3A_12 : i32
    %scan3A_14 = arith.constant 1 : i32
    scf.for %scan3A_27 = %scan3A_11 to %scan3A_13 step %scan3A_14  : i32 {
      %mul3A = arith.constant 1 : i32
      %mul3A_28 = arith.muli %scan3A_27, %mul3A : i32
      %add3A = arith.constant 0 : i32
      %add3A_29 = arith.addi %add3A, %mul3A_28 : i32
      "tpu.region"() ({
        %run_scoped3A = tpu.sem_alloc : memref<!tpu.dma_semaphore, #tpu.memory_space<semaphore_mem>>
        %dma_start3A_143 = arith.constant 0 : i32
        %dma_start3A_144 = arith.constant 0 : i32
        %dma_start3A_145 = tpu.memref_slice %arg2[%arg0, %arg1, %add3A_29, %dma_start3A_143, %dma_start3A_144] : memref<2x16x16x20x64xi32, #tpu.memory_space<hbm>> -> memref<1x1x1x20x64xi32, #tpu.memory_space<hbm>>
        %dma_start3A_146 = tpu.memref_squeeze %dma_start3A_145 : memref<1x1x1x20x64xi32, #tpu.memory_space<hbm>> -> memref<20x64xi32, #tpu.memory_space<hbm>>
        %dma_start3A_147 = arith.constant 0 : i32
        %dma_start3A_148 = arith.constant 0 : i32
        %dma_start3A_149 = tpu.memref_slice %arg2[%arg0, %arg1, %add3A_29, %dma_start3A_147, %dma_start3A_148] : memref<2x16x16x20x64xi32, #tpu.memory_space<hbm>> -> memref<1x1x1x20x64xi32, #tpu.memory_space<hbm>>
        %dma_start3A_150 = tpu.memref_squeeze %dma_start3A_149 : memref<1x1x1x20x64xi32, #tpu.memory_space<hbm>> -> memref<20x64xi32, #tpu.memory_space<hbm>>
        tpu.enqueue_dma source(%dma_start3A_150 : memref<20x64xi32, #tpu.memory_space<hbm>>) target(%arg7 : memref<20x64xi32, #tpu.memory_space<vmem>>) target_semaphore(%run_scoped3A : memref<!tpu.dma_semaphore, #tpu.memory_space<semaphore_mem>>)
        %dma_wait3A_151 = arith.constant 0 : i32
        %dma_wait3A_152 = arith.constant 0 : i32
        %dma_wait3A_153 = tpu.memref_slice %arg2[%arg0, %arg1, %add3A_29, %dma_wait3A_151, %dma_wait3A_152] : memref<2x16x16x20x64xi32, #tpu.memory_space<hbm>> -> memref<1x1x1x20x64xi32, #tpu.memory_space<hbm>>
        %dma_wait3A_154 = tpu.memref_squeeze %dma_wait3A_153 : memref<1x1x1x20x64xi32, #tpu.memory_space<hbm>> -> memref<20x64xi32, #tpu.memory_space<hbm>>
        %dma_wait3A_155 = arith.constant 0 : i32
        %dma_wait3A_156 = arith.constant 0 : i32
        %dma_wait3A_157 = tpu.memref_slice %arg2[%arg0, %arg1, %add3A_29, %dma_wait3A_155, %dma_wait3A_156] : memref<2x16x16x20x64xi32, #tpu.memory_space<hbm>> -> memref<1x1x1x20x64xi32, #tpu.memory_space<hbm>>
        %dma_wait3A_158 = tpu.memref_squeeze %dma_wait3A_157 : memref<1x1x1x20x64xi32, #tpu.memory_space<hbm>> -> memref<20x64xi32, #tpu.memory_space<hbm>>
        tpu.wait_dma2 semaphore(%run_scoped3A : memref<!tpu.dma_semaphore, #tpu.memory_space<semaphore_mem>>) src(%dma_wait3A_158 : memref<20x64xi32, #tpu.memory_space<hbm>>) dst(%arg7 : memref<20x64xi32, #tpu.memory_space<vmem>>)
        tpu.yield
      }) : () -> ()
      "tpu.region"() ({
        %run_scoped3A = tpu.sem_alloc : memref<!tpu.dma_semaphore, #tpu.memory_space<semaphore_mem>>
        %dma_start3A_143 = arith.constant 0 : i32
        %dma_start3A_144 = arith.constant 0 : i32
        %dma_start3A_145 = tpu.memref_slice %arg3[%arg1, %add3A_29, %dma_start3A_143, %dma_start3A_144] : memref<16x16x20x64xi32, #tpu.memory_space<hbm>> -> memref<1x1x20x64xi32, #tpu.memory_space<hbm>>
        %dma_start3A_146 = tpu.memref_squeeze %dma_start3A_145 : memref<1x1x20x64xi32, #tpu.memory_space<hbm>> -> memref<20x64xi32, #tpu.memory_space<hbm>>
        %dma_start3A_147 = arith.constant 0 : i32
        %dma_start3A_148 = arith.constant 0 : i32
        %dma_start3A_149 = tpu.memref_slice %arg3[%arg1, %add3A_29, %dma_start3A_147, %dma_start3A_148] : memref<16x16x20x64xi32, #tpu.memory_space<hbm>> -> memref<1x1x20x64xi32, #tpu.memory_space<hbm>>
        %dma_start3A_150 = tpu.memref_squeeze %dma_start3A_149 : memref<1x1x20x64xi32, #tpu.memory_space<hbm>> -> memref<20x64xi32, #tpu.memory_space<hbm>>
        tpu.enqueue_dma source(%dma_start3A_150 : memref<20x64xi32, #tpu.memory_space<hbm>>) target(%arg8 : memref<20x64xi32, #tpu.memory_space<vmem>>) target_semaphore(%run_scoped3A : memref<!tpu.dma_semaphore, #tpu.memory_space<semaphore_mem>>)
        %dma_wait3A_151 = arith.constant 0 : i32
        %dma_wait3A_152 = arith.constant 0 : i32
        %dma_wait3A_153 = tpu.memref_slice %arg3[%arg1, %add3A_29, %dma_wait3A_151, %dma_wait3A_152] : memref<16x16x20x64xi32, #tpu.memory_space<hbm>> -> memref<1x1x20x64xi32, #tpu.memory_space<hbm>>
        %dma_wait3A_154 = tpu.memref_squeeze %dma_wait3A_153 : memref<1x1x20x64xi32, #tpu.memory_space<hbm>> -> memref<20x64xi32, #tpu.memory_space<hbm>>
        %dma_wait3A_155 = arith.constant 0 : i32
        %dma_wait3A_156 = arith.constant 0 : i32
        %dma_wait3A_157 = tpu.memref_slice %arg3[%arg1, %add3A_29, %dma_wait3A_155, %dma_wait3A_156] : memref<16x16x20x64xi32, #tpu.memory_space<hbm>> -> memref<1x1x20x64xi32, #tpu.memory_space<hbm>>
        %dma_wait3A_158 = tpu.memref_squeeze %dma_wait3A_157 : memref<1x1x20x64xi32, #tpu.memory_space<hbm>> -> memref<20x64xi32, #tpu.memory_space<hbm>>
        tpu.wait_dma2 semaphore(%run_scoped3A : memref<!tpu.dma_semaphore, #tpu.memory_space<semaphore_mem>>) src(%dma_wait3A_158 : memref<20x64xi32, #tpu.memory_space<hbm>>) dst(%arg8 : memref<20x64xi32, #tpu.memory_space<vmem>>)
        tpu.yield
      }) : () -> ()
      "tpu.region"() ({
        %run_scoped3A = tpu.sem_alloc : memref<!tpu.dma_semaphore, #tpu.memory_space<semaphore_mem>>
        %dma_start3A_143 = arith.constant 0 : i32
        %dma_start3A_144 = arith.constant 0 : i32
        %dma_start3A_145 = tpu.memref_slice %arg4[%arg1, %add3A_29, %dma_start3A_143, %dma_start3A_144] : memref<16x16x20x64xf32, #tpu.memory_space<hbm>> -> memref<1x1x20x64xf32, #tpu.memory_space<hbm>>
        %dma_start3A_146 = tpu.memref_squeeze %dma_start3A_145 : memref<1x1x20x64xf32, #tpu.memory_space<hbm>> -> memref<20x64xf32, #tpu.memory_space<hbm>>
        %dma_start3A_147 = arith.constant 0 : i32
        %dma_start3A_148 = arith.constant 0 : i32
        %dma_start3A_149 = tpu.memref_slice %arg4[%arg1, %add3A_29, %dma_start3A_147, %dma_start3A_148] : memref<16x16x20x64xf32, #tpu.memory_space<hbm>> -> memref<1x1x20x64xf32, #tpu.memory_space<hbm>>
        %dma_start3A_150 = tpu.memref_squeeze %dma_start3A_149 : memref<1x1x20x64xf32, #tpu.memory_space<hbm>> -> memref<20x64xf32, #tpu.memory_space<hbm>>
        tpu.enqueue_dma source(%dma_start3A_150 : memref<20x64xf32, #tpu.memory_space<hbm>>) target(%arg9 : memref<20x64xf32, #tpu.memory_space<vmem>>) target_semaphore(%run_scoped3A : memref<!tpu.dma_semaphore, #tpu.memory_space<semaphore_mem>>)
        %dma_wait3A_151 = arith.constant 0 : i32
        %dma_wait3A_152 = arith.constant 0 : i32
        %dma_wait3A_153 = tpu.memref_slice %arg4[%arg1, %add3A_29, %dma_wait3A_151, %dma_wait3A_152] : memref<16x16x20x64xf32, #tpu.memory_space<hbm>> -> memref<1x1x20x64xf32, #tpu.memory_space<hbm>>
        %dma_wait3A_154 = tpu.memref_squeeze %dma_wait3A_153 : memref<1x1x20x64xf32, #tpu.memory_space<hbm>> -> memref<20x64xf32, #tpu.memory_space<hbm>>
        %dma_wait3A_155 = arith.constant 0 : i32
        %dma_wait3A_156 = arith.constant 0 : i32
        %dma_wait3A_157 = tpu.memref_slice %arg4[%arg1, %add3A_29, %dma_wait3A_155, %dma_wait3A_156] : memref<16x16x20x64xf32, #tpu.memory_space<hbm>> -> memref<1x1x20x64xf32, #tpu.memory_space<hbm>>
        %dma_wait3A_158 = tpu.memref_squeeze %dma_wait3A_157 : memref<1x1x20x64xf32, #tpu.memory_space<hbm>> -> memref<20x64xf32, #tpu.memory_space<hbm>>
        tpu.wait_dma2 semaphore(%run_scoped3A : memref<!tpu.dma_semaphore, #tpu.memory_space<semaphore_mem>>) src(%dma_wait3A_158 : memref<20x64xf32, #tpu.memory_space<hbm>>) dst(%arg9 : memref<20x64xf32, #tpu.memory_space<vmem>>)
        tpu.yield
      }) : () -> ()
      %dma_start3A = arith.constant 0 : i32
      %dma_start3A_30 = arith.constant 0 : i32
      %dma_start3A_31 = arith.constant 0 : i32
      %dma_start3A_32 = tpu.memref_slice %arg10[%dma_start3A_30, %dma_start3A_31] : memref<320x128xf32, #tpu.memory_space<vmem>> -> memref<64x128xf32, #tpu.memory_space<vmem>>
      %dma_start3A_33 = arith.constant 0 : i32
      %dma_start3A_34 = tpu.memref_slice %arg7[%dma_start3A, %dma_start3A_33] : memref<20x64xi32, #tpu.memory_space<vmem>> -> memref<1x64xi32, #tpu.memory_space<vmem>>
      %dma_start3A_35 = tpu.memref_squeeze %dma_start3A_34 : memref<1x64xi32, #tpu.memory_space<vmem>> -> memref<64xi32, #tpu.memory_space<vmem>>
      %dma_start3A_36 = arith.constant 0 : i32
      %dma_start3A_37 = arith.constant 0 : i32
      %dma_start3A_38 = tpu.memref_slice %arg5[%dma_start3A_36, %dma_start3A_37] : memref<20000x128xf32, #tpu.memory_space<hbm>> -> memref<20000x128xf32, #tpu.memory_space<hbm>>
      tpu.enqueue_indirect_dma source(%dma_start3A_38 : memref<20000x128xf32, #tpu.memory_space<hbm>>) target(%dma_start3A_32 : memref<64x128xf32, #tpu.memory_space<vmem>>) offsets(%dma_start3A_35 : memref<64xi32, #tpu.memory_space<vmem>>) semaphore(%arg12 : memref<!tpu.dma_semaphore, #tpu.memory_space<semaphore_mem>>)
      %dma_start3A_39 = arith.constant 1 : i32
      %dma_start3A_40 = arith.constant 64 : i32
      %dma_start3A_41 = arith.constant 0 : i32
      %dma_start3A_42 = tpu.memref_slice %arg10[%dma_start3A_40, %dma_start3A_41] : memref<320x128xf32, #tpu.memory_space<vmem>> -> memref<64x128xf32, #tpu.memory_space<vmem>>
      %dma_start3A_43 = arith.constant 0 : i32
      %dma_start3A_44 = tpu.memref_slice %arg7[%dma_start3A_39, %dma_start3A_43] : memref<20x64xi32, #tpu.memory_space<vmem>> -> memref<1x64xi32, #tpu.memory_space<vmem>>
      %dma_start3A_45 = tpu.memref_squeeze %dma_start3A_44 : memref<1x64xi32, #tpu.memory_space<vmem>> -> memref<64xi32, #tpu.memory_space<vmem>>
      %dma_start3A_46 = arith.constant 0 : i32
      %dma_start3A_47 = arith.constant 0 : i32
      %dma_start3A_48 = tpu.memref_slice %arg5[%dma_start3A_46, %dma_start3A_47] : memref<20000x128xf32, #tpu.memory_space<hbm>> -> memref<20000x128xf32, #tpu.memory_space<hbm>>
      tpu.enqueue_indirect_dma source(%dma_start3A_48 : memref<20000x128xf32, #tpu.memory_space<hbm>>) target(%dma_start3A_42 : memref<64x128xf32, #tpu.memory_space<vmem>>) offsets(%dma_start3A_45 : memref<64xi32, #tpu.memory_space<vmem>>) semaphore(%arg13 : memref<!tpu.dma_semaphore, #tpu.memory_space<semaphore_mem>>)
      %dma_start3A_49 = arith.constant 2 : i32
      %dma_start3A_50 = arith.constant 128 : i32
      %dma_start3A_51 = arith.constant 0 : i32
      %dma_start3A_52 = tpu.memref_slice %arg10[%dma_start3A_50, %dma_start3A_51] : memref<320x128xf32, #tpu.memory_space<vmem>> -> memref<64x128xf32, #tpu.memory_space<vmem>>
      %dma_start3A_53 = arith.constant 0 : i32
      %dma_start3A_54 = tpu.memref_slice %arg7[%dma_start3A_49, %dma_start3A_53] : memref<20x64xi32, #tpu.memory_space<vmem>> -> memref<1x64xi32, #tpu.memory_space<vmem>>
      %dma_start3A_55 = tpu.memref_squeeze %dma_start3A_54 : memref<1x64xi32, #tpu.memory_space<vmem>> -> memref<64xi32, #tpu.memory_space<vmem>>
      %dma_start3A_56 = arith.constant 0 : i32
      %dma_start3A_57 = arith.constant 0 : i32
      %dma_start3A_58 = tpu.memref_slice %arg5[%dma_start3A_56, %dma_start3A_57] : memref<20000x128xf32, #tpu.memory_space<hbm>> -> memref<20000x128xf32, #tpu.memory_space<hbm>>
      tpu.enqueue_indirect_dma source(%dma_start3A_58 : memref<20000x128xf32, #tpu.memory_space<hbm>>) target(%dma_start3A_52 : memref<64x128xf32, #tpu.memory_space<vmem>>) offsets(%dma_start3A_55 : memref<64xi32, #tpu.memory_space<vmem>>) semaphore(%arg14 : memref<!tpu.dma_semaphore, #tpu.memory_space<semaphore_mem>>)
      %dma_wait3A = arith.constant 0 : i32
      %dma_wait3A_59 = arith.constant 0 : i32
      %dma_wait3A_60 = arith.constant 0 : i32
      %dma_wait3A_61 = tpu.memref_slice %arg10[%dma_wait3A_59, %dma_wait3A_60] : memref<320x128xf32, #tpu.memory_space<vmem>> -> memref<64x128xf32, #tpu.memory_space<vmem>>
      %dma_wait3A_62 = arith.constant 0 : i32
      %dma_wait3A_63 = tpu.memref_slice %arg7[%dma_wait3A, %dma_wait3A_62] : memref<20x64xi32, #tpu.memory_space<vmem>> -> memref<1x64xi32, #tpu.memory_space<vmem>>
      %dma_wait3A_64 = tpu.memref_squeeze %dma_wait3A_63 : memref<1x64xi32, #tpu.memory_space<vmem>> -> memref<64xi32, #tpu.memory_space<vmem>>
      %dma_wait3A_65 = arith.constant 0 : i32
      %dma_wait3A_66 = arith.constant 0 : i32
      %dma_wait3A_67 = tpu.memref_slice %arg5[%dma_wait3A_65, %dma_wait3A_66] : memref<20000x128xf32, #tpu.memory_space<hbm>> -> memref<20000x128xf32, #tpu.memory_space<hbm>>
      tpu.wait_indirect_dma semaphore(%arg12 : memref<!tpu.dma_semaphore, #tpu.memory_space<semaphore_mem>>) src(%dma_wait3A_67 : memref<20000x128xf32, #tpu.memory_space<hbm>>) dst(%dma_wait3A_61 : memref<64x128xf32, #tpu.memory_space<vmem>>)
      %dma_start3A_68 = arith.constant 0 : i32
      %dma_start3A_69 = arith.constant 192 : i32
      %dma_start3A_70 = arith.constant 0 : i32
      %dma_start3A_71 = tpu.memref_slice %arg10[%dma_start3A_69, %dma_start3A_70] : memref<320x128xf32, #tpu.memory_space<vmem>> -> memref<64x128xf32, #tpu.memory_space<vmem>>
      %dma_start3A_72 = arith.constant 0 : i32
      %dma_start3A_73 = tpu.memref_slice %arg8[%dma_start3A_68, %dma_start3A_72] : memref<20x64xi32, #tpu.memory_space<vmem>> -> memref<1x64xi32, #tpu.memory_space<vmem>>
      %dma_start3A_74 = tpu.memref_squeeze %dma_start3A_73 : memref<1x64xi32, #tpu.memory_space<vmem>> -> memref<64xi32, #tpu.memory_space<vmem>>
      %dma_start3A_75 = arith.constant 0 : i32
      %dma_start3A_76 = arith.constant 0 : i32
      %dma_start3A_77 = tpu.memref_slice %arg11[%dma_start3A_75, %dma_start3A_76] : memref<10048x128xf32, #tpu.memory_space<vmem_shared>> -> memref<10048x128xf32, #tpu.memory_space<vmem_shared>>
      tpu.enqueue_indirect_dma source(%dma_start3A_71 : memref<64x128xf32, #tpu.memory_space<vmem>>) target(%dma_start3A_77 : memref<10048x128xf32, #tpu.memory_space<vmem_shared>>) offsets(%dma_start3A_74 : memref<64xi32, #tpu.memory_space<vmem>>) semaphore(%arg15 : memref<!tpu.dma_semaphore, #tpu.memory_space<semaphore_mem>>) {add = true}
      %dma_start3A_78 = arith.constant 3 : i32
      %dma_start3A_79 = arith.constant 0 : i32
      %dma_start3A_80 = arith.constant 0 : i32
      %dma_start3A_81 = tpu.memref_slice %arg10[%dma_start3A_79, %dma_start3A_80] : memref<320x128xf32, #tpu.memory_space<vmem>> -> memref<64x128xf32, #tpu.memory_space<vmem>>
      %dma_start3A_82 = arith.constant 0 : i32
      %dma_start3A_83 = tpu.memref_slice %arg7[%dma_start3A_78, %dma_start3A_82] : memref<20x64xi32, #tpu.memory_space<vmem>> -> memref<1x64xi32, #tpu.memory_space<vmem>>
      %dma_start3A_84 = tpu.memref_squeeze %dma_start3A_83 : memref<1x64xi32, #tpu.memory_space<vmem>> -> memref<64xi32, #tpu.memory_space<vmem>>
      %dma_start3A_85 = arith.constant 0 : i32
      %dma_start3A_86 = arith.constant 0 : i32
      %dma_start3A_87 = tpu.memref_slice %arg5[%dma_start3A_85, %dma_start3A_86] : memref<20000x128xf32, #tpu.memory_space<hbm>> -> memref<20000x128xf32, #tpu.memory_space<hbm>>
      tpu.enqueue_indirect_dma source(%dma_start3A_87 : memref<20000x128xf32, #tpu.memory_space<hbm>>) target(%dma_start3A_81 : memref<64x128xf32, #tpu.memory_space<vmem>>) offsets(%dma_start3A_84 : memref<64xi32, #tpu.memory_space<vmem>>) semaphore(%arg12 : memref<!tpu.dma_semaphore, #tpu.memory_space<semaphore_mem>>)
      %dma_wait3A_88 = arith.constant 1 : i32
      %dma_wait3A_89 = arith.constant 64 : i32
      %dma_wait3A_90 = arith.constant 0 : i32
      %dma_wait3A_91 = tpu.memref_slice %arg10[%dma_wait3A_89, %dma_wait3A_90] : memref<320x128xf32, #tpu.memory_space<vmem>> -> memref<64x128xf32, #tpu.memory_space<vmem>>
      %dma_wait3A_92 = arith.constant 0 : i32
      %dma_wait3A_93 = tpu.memref_slice %arg7[%dma_wait3A_88, %dma_wait3A_92] : memref<20x64xi32, #tpu.memory_space<vmem>> -> memref<1x64xi32, #tpu.memory_space<vmem>>
      %dma_wait3A_94 = tpu.memref_squeeze %dma_wait3A_93 : memref<1x64xi32, #tpu.memory_space<vmem>> -> memref<64xi32, #tpu.memory_space<vmem>>
      %dma_wait3A_95 = arith.constant 0 : i32
      %dma_wait3A_96 = arith.constant 0 : i32
      %dma_wait3A_97 = tpu.memref_slice %arg5[%dma_wait3A_95, %dma_wait3A_96] : memref<20000x128xf32, #tpu.memory_space<hbm>> -> memref<20000x128xf32, #tpu.memory_space<hbm>>
      tpu.wait_indirect_dma semaphore(%arg13 : memref<!tpu.dma_semaphore, #tpu.memory_space<semaphore_mem>>) src(%dma_wait3A_97 : memref<20000x128xf32, #tpu.memory_space<hbm>>) dst(%dma_wait3A_91 : memref<64x128xf32, #tpu.memory_space<vmem>>)
      %dma_start3A_98 = arith.constant 1 : i32
      %dma_start3A_99 = arith.constant 256 : i32
      %dma_start3A_100 = arith.constant 0 : i32
      %dma_start3A_101 = tpu.memref_slice %arg10[%dma_start3A_99, %dma_start3A_100] : memref<320x128xf32, #tpu.memory_space<vmem>> -> memref<64x128xf32, #tpu.memory_space<vmem>>
      %dma_start3A_102 = arith.constant 0 : i32
      %dma_start3A_103 = tpu.memref_slice %arg8[%dma_start3A_98, %dma_start3A_102] : memref<20x64xi32, #tpu.memory_space<vmem>> -> memref<1x64xi32, #tpu.memory_space<vmem>>
      %dma_start3A_104 = tpu.memref_squeeze %dma_start3A_103 : memref<1x64xi32, #tpu.memory_space<vmem>> -> memref<64xi32, #tpu.memory_space<vmem>>
      %dma_start3A_105 = arith.constant 0 : i32
      %dma_start3A_106 = arith.constant 0 : i32
      %dma_start3A_107 = tpu.memref_slice %arg11[%dma_start3A_105, %dma_start3A_106] : memref<10048x128xf32, #tpu.memory_space<vmem_shared>> -> memref<10048x128xf32, #tpu.memory_space<vmem_shared>>
      tpu.enqueue_indirect_dma source(%dma_start3A_101 : memref<64x128xf32, #tpu.memory_space<vmem>>) target(%dma_start3A_107 : memref<10048x128xf32, #tpu.memory_space<vmem_shared>>) offsets(%dma_start3A_104 : memref<64xi32, #tpu.memory_space<vmem>>) semaphore(%arg16 : memref<!tpu.dma_semaphore, #tpu.memory_space<semaphore_mem>>) {add = true}
      %dma_start3A_108 = arith.constant 4 : i32
      %dma_start3A_109 = arith.constant 64 : i32
      %dma_start3A_110 = arith.constant 0 : i32
      %dma_start3A_111 = tpu.memref_slice %arg10[%dma_start3A_109, %dma_start3A_110] : memref<320x128xf32, #tpu.memory_space<vmem>> -> memref<64x128xf32, #tpu.memory_space<vmem>>
      %dma_start3A_112 = arith.constant 0 : i32
      %dma_start3A_113 = tpu.memref_slice %arg7[%dma_start3A_108, %dma_start3A_112] : memref<20x64xi32, #tpu.memory_space<vmem>> -> memref<1x64xi32, #tpu.memory_space<vmem>>
      %dma_start3A_114 = tpu.memref_squeeze %dma_start3A_113 : memref<1x64xi32, #tpu.memory_space<vmem>> -> memref<64xi32, #tpu.memory_space<vmem>>
      %dma_start3A_115 = arith.constant 0 : i32
      %dma_start3A_116 = arith.constant 0 : i32
      %dma_start3A_117 = tpu.memref_slice %arg5[%dma_start3A_115, %dma_start3A_116] : memref<20000x128xf32, #tpu.memory_space<hbm>> -> memref<20000x128xf32, #tpu.memory_space<hbm>>
      tpu.enqueue_indirect_dma source(%dma_start3A_117 : memref<20000x128xf32, #tpu.memory_space<hbm>>) target(%dma_start3A_111 : memref<64x128xf32, #tpu.memory_space<vmem>>) offsets(%dma_start3A_114 : memref<64xi32, #tpu.memory_space<vmem>>) semaphore(%arg13 : memref<!tpu.dma_semaphore, #tpu.memory_space<semaphore_mem>>)
      %scan3A_118 = arith.constant 0 : i32
      %scan3A_119 = arith.constant 3 : i32
      %scan3A_120 = arith.addi %scan3A_118, %scan3A_119 : i32
      %scan3A_121 = arith.constant 1 : i32
      scf.for %scan3A_143 = %scan3A_118 to %scan3A_120 step %scan3A_121  : i32 {
        %mul3A_144 = arith.constant 1 : i32
        %mul3A_145 = arith.muli %scan3A_143, %mul3A_144 : i32
        %add3A_146 = arith.constant 0 : i32
        %add3A_147 = arith.addi %add3A_146, %mul3A_145 : i32
        %mul3A_148 = arith.constant 6 : i32
        %mul3A_149 = arith.muli %add3A_147, %mul3A_148 : i32
        %add3A_150 = arith.constant 2 : i32
        %add3A_151 = arith.addi %add3A_150, %mul3A_149 : i32
        %add3A_152 = arith.constant 0 : i32
        %add3A_153 = arith.addi %add3A_151, %add3A_152 : i32
        %dma_wait3A_154 = arith.constant 128 : i32
        %dma_wait3A_155 = arith.constant 0 : i32
        %dma_wait3A_156 = tpu.memref_slice %arg10[%dma_wait3A_154, %dma_wait3A_155] : memref<320x128xf32, #tpu.memory_space<vmem>> -> memref<64x128xf32, #tpu.memory_space<vmem>>
        %dma_wait3A_157 = arith.constant 0 : i32
        %dma_wait3A_158 = tpu.memref_slice %arg7[%add3A_153, %dma_wait3A_157] : memref<20x64xi32, #tpu.memory_space<vmem>> -> memref<1x64xi32, #tpu.memory_space<vmem>>
        %dma_wait3A_159 = tpu.memref_squeeze %dma_wait3A_158 : memref<1x64xi32, #tpu.memory_space<vmem>> -> memref<64xi32, #tpu.memory_space<vmem>>
        %dma_wait3A_160 = arith.constant 0 : i32
        %dma_wait3A_161 = arith.constant 0 : i32
        %dma_wait3A_162 = tpu.memref_slice %arg5[%dma_wait3A_160, %dma_wait3A_161] : memref<20000x128xf32, #tpu.memory_space<hbm>> -> memref<20000x128xf32, #tpu.memory_space<hbm>>
        tpu.wait_indirect_dma semaphore(%arg14 : memref<!tpu.dma_semaphore, #tpu.memory_space<semaphore_mem>>) src(%dma_wait3A_162 : memref<20000x128xf32, #tpu.memory_space<hbm>>) dst(%dma_wait3A_156 : memref<64x128xf32, #tpu.memory_space<vmem>>)
        %dma_wait3A_163 = arith.constant 192 : i32
        %dma_wait3A_164 = arith.constant 0 : i32
        %dma_wait3A_165 = tpu.memref_slice %arg10[%dma_wait3A_163, %dma_wait3A_164] : memref<320x128xf32, #tpu.memory_space<vmem>> -> memref<64x128xf32, #tpu.memory_space<vmem>>
        %dma_wait3A_166 = arith.constant 0 : i32
        %dma_wait3A_167 = tpu.memref_slice %arg8[%add3A_153, %dma_wait3A_166] : memref<20x64xi32, #tpu.memory_space<vmem>> -> memref<1x64xi32, #tpu.memory_space<vmem>>
        %dma_wait3A_168 = tpu.memref_squeeze %dma_wait3A_167 : memref<1x64xi32, #tpu.memory_space<vmem>> -> memref<64xi32, #tpu.memory_space<vmem>>
        %dma_wait3A_169 = arith.constant 0 : i32
        %dma_wait3A_170 = arith.constant 0 : i32
        %dma_wait3A_171 = tpu.memref_slice %arg11[%dma_wait3A_169, %dma_wait3A_170] : memref<10048x128xf32, #tpu.memory_space<vmem_shared>> -> memref<10048x128xf32, #tpu.memory_space<vmem_shared>>
        tpu.wait_indirect_dma semaphore(%arg15 : memref<!tpu.dma_semaphore, #tpu.memory_space<semaphore_mem>>) src(%dma_wait3A_165 : memref<64x128xf32, #tpu.memory_space<vmem>>) dst(%dma_wait3A_171 : memref<10048x128xf32, #tpu.memory_space<vmem_shared>>)
        %dma_start3A_172 = arith.constant 192 : i32
        %dma_start3A_173 = arith.constant 0 : i32
        %dma_start3A_174 = tpu.memref_slice %arg10[%dma_start3A_172, %dma_start3A_173] : memref<320x128xf32, #tpu.memory_space<vmem>> -> memref<64x128xf32, #tpu.memory_space<vmem>>
        %dma_start3A_175 = arith.constant 0 : i32
        %dma_start3A_176 = tpu.memref_slice %arg8[%add3A_153, %dma_start3A_175] : memref<20x64xi32, #tpu.memory_space<vmem>> -> memref<1x64xi32, #tpu.memory_space<vmem>>
        %dma_start3A_177 = tpu.memref_squeeze %dma_start3A_176 : memref<1x64xi32, #tpu.memory_space<vmem>> -> memref<64xi32, #tpu.memory_space<vmem>>
        %dma_start3A_178 = arith.constant 0 : i32
        %dma_start3A_179 = arith.constant 0 : i32
        %dma_start3A_180 = tpu.memref_slice %arg11[%dma_start3A_178, %dma_start3A_179] : memref<10048x128xf32, #tpu.memory_space<vmem_shared>> -> memref<10048x128xf32, #tpu.memory_space<vmem_shared>>
        tpu.enqueue_indirect_dma source(%dma_start3A_174 : memref<64x128xf32, #tpu.memory_space<vmem>>) target(%dma_start3A_180 : memref<10048x128xf32, #tpu.memory_space<vmem_shared>>) offsets(%dma_start3A_177 : memref<64xi32, #tpu.memory_space<vmem>>) semaphore(%arg15 : memref<!tpu.dma_semaphore, #tpu.memory_space<semaphore_mem>>) {add = true}
        %add3A_181 = arith.constant 3 : i32
        %add3A_182 = arith.addi %add3A_153, %add3A_181 : i32
        %lt3A_183 = arith.constant 20 : i32
        %lt3A_184 = arith.cmpi slt, %add3A_182, %lt3A_183 : i32
        %convert_element_type3A_185 = arith.extui %lt3A_184 : i1 to i32
        %cond3A_186 = arith.constant 0 : i32
        %cond3A_187 = arith.cmpi ne, %convert_element_type3A_185, %cond3A_186 : i32
        scf.if %cond3A_187 {
          %add3A_368 = arith.constant 3 : i32
          %add3A_369 = arith.addi %add3A_153, %add3A_368 : i32
          %dma_start3A_370 = arith.constant 128 : i32
          %dma_start3A_371 = arith.constant 0 : i32
          %dma_start3A_372 = tpu.memref_slice %arg10[%dma_start3A_370, %dma_start3A_371] : memref<320x128xf32, #tpu.memory_space<vmem>> -> memref<64x128xf32, #tpu.memory_space<vmem>>
          %dma_start3A_373 = arith.constant 0 : i32
          %dma_start3A_374 = tpu.memref_slice %arg7[%add3A_369, %dma_start3A_373] : memref<20x64xi32, #tpu.memory_space<vmem>> -> memref<1x64xi32, #tpu.memory_space<vmem>>
          %dma_start3A_375 = tpu.memref_squeeze %dma_start3A_374 : memref<1x64xi32, #tpu.memory_space<vmem>> -> memref<64xi32, #tpu.memory_space<vmem>>
          %dma_start3A_376 = arith.constant 0 : i32
          %dma_start3A_377 = arith.constant 0 : i32
          %dma_start3A_378 = tpu.memref_slice %arg5[%dma_start3A_376, %dma_start3A_377] : memref<20000x128xf32, #tpu.memory_space<hbm>> -> memref<20000x128xf32, #tpu.memory_space<hbm>>
          tpu.enqueue_indirect_dma source(%dma_start3A_378 : memref<20000x128xf32, #tpu.memory_space<hbm>>) target(%dma_start3A_372 : memref<64x128xf32, #tpu.memory_space<vmem>>) offsets(%dma_start3A_375 : memref<64xi32, #tpu.memory_space<vmem>>) semaphore(%arg14 : memref<!tpu.dma_semaphore, #tpu.memory_space<semaphore_mem>>)
        } else {
        }
        %add3A_188 = arith.constant 1 : i32
        %add3A_189 = arith.addi %add3A_151, %add3A_188 : i32
        %dma_wait3A_190 = arith.constant 0 : i32
        %dma_wait3A_191 = arith.constant 0 : i32
        %dma_wait3A_192 = tpu.memref_slice %arg10[%dma_wait3A_190, %dma_wait3A_191] : memref<320x128xf32, #tpu.memory_space<vmem>> -> memref<64x128xf32, #tpu.memory_space<vmem>>
        %dma_wait3A_193 = arith.constant 0 : i32
        %dma_wait3A_194 = tpu.memref_slice %arg7[%add3A_189, %dma_wait3A_193] : memref<20x64xi32, #tpu.memory_space<vmem>> -> memref<1x64xi32, #tpu.memory_space<vmem>>
        %dma_wait3A_195 = tpu.memref_squeeze %dma_wait3A_194 : memref<1x64xi32, #tpu.memory_space<vmem>> -> memref<64xi32, #tpu.memory_space<vmem>>
        %dma_wait3A_196 = arith.constant 0 : i32
        %dma_wait3A_197 = arith.constant 0 : i32
        %dma_wait3A_198 = tpu.memref_slice %arg5[%dma_wait3A_196, %dma_wait3A_197] : memref<20000x128xf32, #tpu.memory_space<hbm>> -> memref<20000x128xf32, #tpu.memory_space<hbm>>
        tpu.wait_indirect_dma semaphore(%arg12 : memref<!tpu.dma_semaphore, #tpu.memory_space<semaphore_mem>>) src(%dma_wait3A_198 : memref<20000x128xf32, #tpu.memory_space<hbm>>) dst(%dma_wait3A_192 : memref<64x128xf32, #tpu.memory_space<vmem>>)
        %dma_wait3A_199 = arith.constant 256 : i32
        %dma_wait3A_200 = arith.constant 0 : i32
        %dma_wait3A_201 = tpu.memref_slice %arg10[%dma_wait3A_199, %dma_wait3A_200] : memref<320x128xf32, #tpu.memory_space<vmem>> -> memref<64x128xf32, #tpu.memory_space<vmem>>
        %dma_wait3A_202 = arith.constant 0 : i32
        %dma_wait3A_203 = tpu.memref_slice %arg8[%add3A_189, %dma_wait3A_202] : memref<20x64xi32, #tpu.memory_space<vmem>> -> memref<1x64xi32, #tpu.memory_space<vmem>>
        %dma_wait3A_204 = tpu.memref_squeeze %dma_wait3A_203 : memref<1x64xi32, #tpu.memory_space<vmem>> -> memref<64xi32, #tpu.memory_space<vmem>>
        %dma_wait3A_205 = arith.constant 0 : i32
        %dma_wait3A_206 = arith.constant 0 : i32
        %dma_wait3A_207 = tpu.memref_slice %arg11[%dma_wait3A_205, %dma_wait3A_206] : memref<10048x128xf32, #tpu.memory_space<vmem_shared>> -> memref<10048x128xf32, #tpu.memory_space<vmem_shared>>
        tpu.wait_indirect_dma semaphore(%arg16 : memref<!tpu.dma_semaphore, #tpu.memory_space<semaphore_mem>>) src(%dma_wait3A_201 : memref<64x128xf32, #tpu.memory_space<vmem>>) dst(%dma_wait3A_207 : memref<10048x128xf32, #tpu.memory_space<vmem_shared>>)
        %dma_start3A_208 = arith.constant 256 : i32
        %dma_start3A_209 = arith.constant 0 : i32
        %dma_start3A_210 = tpu.memref_slice %arg10[%dma_start3A_208, %dma_start3A_209] : memref<320x128xf32, #tpu.memory_space<vmem>> -> memref<64x128xf32, #tpu.memory_space<vmem>>
        %dma_start3A_211 = arith.constant 0 : i32
        %dma_start3A_212 = tpu.memref_slice %arg8[%add3A_189, %dma_start3A_211] : memref<20x64xi32, #tpu.memory_space<vmem>> -> memref<1x64xi32, #tpu.memory_space<vmem>>
        %dma_start3A_213 = tpu.memref_squeeze %dma_start3A_212 : memref<1x64xi32, #tpu.memory_space<vmem>> -> memref<64xi32, #tpu.memory_space<vmem>>
        %dma_start3A_214 = arith.constant 0 : i32
        %dma_start3A_215 = arith.constant 0 : i32
        %dma_start3A_216 = tpu.memref_slice %arg11[%dma_start3A_214, %dma_start3A_215] : memref<10048x128xf32, #tpu.memory_space<vmem_shared>> -> memref<10048x128xf32, #tpu.memory_space<vmem_shared>>
        tpu.enqueue_indirect_dma source(%dma_start3A_210 : memref<64x128xf32, #tpu.memory_space<vmem>>) target(%dma_start3A_216 : memref<10048x128xf32, #tpu.memory_space<vmem_shared>>) offsets(%dma_start3A_213 : memref<64xi32, #tpu.memory_space<vmem>>) semaphore(%arg16 : memref<!tpu.dma_semaphore, #tpu.memory_space<semaphore_mem>>) {add = true}
        %add3A_217 = arith.constant 3 : i32
        %add3A_218 = arith.addi %add3A_189, %add3A_217 : i32
        %lt3A_219 = arith.constant 20 : i32
        %lt3A_220 = arith.cmpi slt, %add3A_218, %lt3A_219 : i32
        %convert_element_type3A_221 = arith.extui %lt3A_220 : i1 to i32
        %cond3A_222 = arith.constant 0 : i32
        %cond3A_223 = arith.cmpi ne, %convert_element_type3A_221, %cond3A_222 : i32
        scf.if %cond3A_223 {
          %add3A_368 = arith.constant 3 : i32
          %add3A_369 = arith.addi %add3A_189, %add3A_368 : i32
          %dma_start3A_370 = arith.constant 0 : i32
          %dma_start3A_371 = arith.constant 0 : i32
          %dma_start3A_372 = tpu.memref_slice %arg10[%dma_start3A_370, %dma_start3A_371] : memref<320x128xf32, #tpu.memory_space<vmem>> -> memref<64x128xf32, #tpu.memory_space<vmem>>
          %dma_start3A_373 = arith.constant 0 : i32
          %dma_start3A_374 = tpu.memref_slice %arg7[%add3A_369, %dma_start3A_373] : memref<20x64xi32, #tpu.memory_space<vmem>> -> memref<1x64xi32, #tpu.memory_space<vmem>>
          %dma_start3A_375 = tpu.memref_squeeze %dma_start3A_374 : memref<1x64xi32, #tpu.memory_space<vmem>> -> memref<64xi32, #tpu.memory_space<vmem>>
          %dma_start3A_376 = arith.constant 0 : i32
          %dma_start3A_377 = arith.constant 0 : i32
          %dma_start3A_378 = tpu.memref_slice %arg5[%dma_start3A_376, %dma_start3A_377] : memref<20000x128xf32, #tpu.memory_space<hbm>> -> memref<20000x128xf32, #tpu.memory_space<hbm>>
          tpu.enqueue_indirect_dma source(%dma_start3A_378 : memref<20000x128xf32, #tpu.memory_space<hbm>>) target(%dma_start3A_372 : memref<64x128xf32, #tpu.memory_space<vmem>>) offsets(%dma_start3A_375 : memref<64xi32, #tpu.memory_space<vmem>>) semaphore(%arg12 : memref<!tpu.dma_semaphore, #tpu.memory_space<semaphore_mem>>)
        } else {
        }
        %add3A_224 = arith.constant 2 : i32
        %add3A_225 = arith.addi %add3A_151, %add3A_224 : i32
        %dma_wait3A_226 = arith.constant 64 : i32
        %dma_wait3A_227 = arith.constant 0 : i32
        %dma_wait3A_228 = tpu.memref_slice %arg10[%dma_wait3A_226, %dma_wait3A_227] : memref<320x128xf32, #tpu.memory_space<vmem>> -> memref<64x128xf32, #tpu.memory_space<vmem>>
        %dma_wait3A_229 = arith.constant 0 : i32
        %dma_wait3A_230 = tpu.memref_slice %arg7[%add3A_225, %dma_wait3A_229] : memref<20x64xi32, #tpu.memory_space<vmem>> -> memref<1x64xi32, #tpu.memory_space<vmem>>
        %dma_wait3A_231 = tpu.memref_squeeze %dma_wait3A_230 : memref<1x64xi32, #tpu.memory_space<vmem>> -> memref<64xi32, #tpu.memory_space<vmem>>
        %dma_wait3A_232 = arith.constant 0 : i32
        %dma_wait3A_233 = arith.constant 0 : i32
        %dma_wait3A_234 = tpu.memref_slice %arg5[%dma_wait3A_232, %dma_wait3A_233] : memref<20000x128xf32, #tpu.memory_space<hbm>> -> memref<20000x128xf32, #tpu.memory_space<hbm>>
        tpu.wait_indirect_dma semaphore(%arg13 : memref<!tpu.dma_semaphore, #tpu.memory_space<semaphore_mem>>) src(%dma_wait3A_234 : memref<20000x128xf32, #tpu.memory_space<hbm>>) dst(%dma_wait3A_228 : memref<64x128xf32, #tpu.memory_space<vmem>>)
        %dma_wait3A_235 = arith.constant 192 : i32
        %dma_wait3A_236 = arith.constant 0 : i32
        %dma_wait3A_237 = tpu.memref_slice %arg10[%dma_wait3A_235, %dma_wait3A_236] : memref<320x128xf32, #tpu.memory_space<vmem>> -> memref<64x128xf32, #tpu.memory_space<vmem>>
        %dma_wait3A_238 = arith.constant 0 : i32
        %dma_wait3A_239 = tpu.memref_slice %arg8[%add3A_225, %dma_wait3A_238] : memref<20x64xi32, #tpu.memory_space<vmem>> -> memref<1x64xi32, #tpu.memory_space<vmem>>
        %dma_wait3A_240 = tpu.memref_squeeze %dma_wait3A_239 : memref<1x64xi32, #tpu.memory_space<vmem>> -> memref<64xi32, #tpu.memory_space<vmem>>
        %dma_wait3A_241 = arith.constant 0 : i32
        %dma_wait3A_242 = arith.constant 0 : i32
        %dma_wait3A_243 = tpu.memref_slice %arg11[%dma_wait3A_241, %dma_wait3A_242] : memref<10048x128xf32, #tpu.memory_space<vmem_shared>> -> memref<10048x128xf32, #tpu.memory_space<vmem_shared>>
        tpu.wait_indirect_dma semaphore(%arg15 : memref<!tpu.dma_semaphore, #tpu.memory_space<semaphore_mem>>) src(%dma_wait3A_237 : memref<64x128xf32, #tpu.memory_space<vmem>>) dst(%dma_wait3A_243 : memref<10048x128xf32, #tpu.memory_space<vmem_shared>>)
        %dma_start3A_244 = arith.constant 192 : i32
        %dma_start3A_245 = arith.constant 0 : i32
        %dma_start3A_246 = tpu.memref_slice %arg10[%dma_start3A_244, %dma_start3A_245] : memref<320x128xf32, #tpu.memory_space<vmem>> -> memref<64x128xf32, #tpu.memory_space<vmem>>
        %dma_start3A_247 = arith.constant 0 : i32
        %dma_start3A_248 = tpu.memref_slice %arg8[%add3A_225, %dma_start3A_247] : memref<20x64xi32, #tpu.memory_space<vmem>> -> memref<1x64xi32, #tpu.memory_space<vmem>>
        %dma_start3A_249 = tpu.memref_squeeze %dma_start3A_248 : memref<1x64xi32, #tpu.memory_space<vmem>> -> memref<64xi32, #tpu.memory_space<vmem>>
        %dma_start3A_250 = arith.constant 0 : i32
        %dma_start3A_251 = arith.constant 0 : i32
        %dma_start3A_252 = tpu.memref_slice %arg11[%dma_start3A_250, %dma_start3A_251] : memref<10048x128xf32, #tpu.memory_space<vmem_shared>> -> memref<10048x128xf32, #tpu.memory_space<vmem_shared>>
        tpu.enqueue_indirect_dma source(%dma_start3A_246 : memref<64x128xf32, #tpu.memory_space<vmem>>) target(%dma_start3A_252 : memref<10048x128xf32, #tpu.memory_space<vmem_shared>>) offsets(%dma_start3A_249 : memref<64xi32, #tpu.memory_space<vmem>>) semaphore(%arg15 : memref<!tpu.dma_semaphore, #tpu.memory_space<semaphore_mem>>) {add = true}
        %add3A_253 = arith.constant 3 : i32
        %add3A_254 = arith.addi %add3A_225, %add3A_253 : i32
        %lt3A_255 = arith.constant 20 : i32
        %lt3A_256 = arith.cmpi slt, %add3A_254, %lt3A_255 : i32
        %convert_element_type3A_257 = arith.extui %lt3A_256 : i1 to i32
        %cond3A_258 = arith.constant 0 : i32
        %cond3A_259 = arith.cmpi ne, %convert_element_type3A_257, %cond3A_258 : i32
        scf.if %cond3A_259 {
          %add3A_368 = arith.constant 3 : i32
          %add3A_369 = arith.addi %add3A_225, %add3A_368 : i32
          %dma_start3A_370 = arith.constant 64 : i32
          %dma_start3A_371 = arith.constant 0 : i32
          %dma_start3A_372 = tpu.memref_slice %arg10[%dma_start3A_370, %dma_start3A_371] : memref<320x128xf32, #tpu.memory_space<vmem>> -> memref<64x128xf32, #tpu.memory_space<vmem>>
          %dma_start3A_373 = arith.constant 0 : i32
          %dma_start3A_374 = tpu.memref_slice %arg7[%add3A_369, %dma_start3A_373] : memref<20x64xi32, #tpu.memory_space<vmem>> -> memref<1x64xi32, #tpu.memory_space<vmem>>
          %dma_start3A_375 = tpu.memref_squeeze %dma_start3A_374 : memref<1x64xi32, #tpu.memory_space<vmem>> -> memref<64xi32, #tpu.memory_space<vmem>>
          %dma_start3A_376 = arith.constant 0 : i32
          %dma_start3A_377 = arith.constant 0 : i32
          %dma_start3A_378 = tpu.memref_slice %arg5[%dma_start3A_376, %dma_start3A_377] : memref<20000x128xf32, #tpu.memory_space<hbm>> -> memref<20000x128xf32, #tpu.memory_space<hbm>>
          tpu.enqueue_indirect_dma source(%dma_start3A_378 : memref<20000x128xf32, #tpu.memory_space<hbm>>) target(%dma_start3A_372 : memref<64x128xf32, #tpu.memory_space<vmem>>) offsets(%dma_start3A_375 : memref<64xi32, #tpu.memory_space<vmem>>) semaphore(%arg13 : memref<!tpu.dma_semaphore, #tpu.memory_space<semaphore_mem>>)
        } else {
        }
        %add3A_260 = arith.constant 3 : i32
        %add3A_261 = arith.addi %add3A_151, %add3A_260 : i32
        %dma_wait3A_262 = arith.constant 128 : i32
        %dma_wait3A_263 = arith.constant 0 : i32
        %dma_wait3A_264 = tpu.memref_slice %arg10[%dma_wait3A_262, %dma_wait3A_263] : memref<320x128xf32, #tpu.memory_space<vmem>> -> memref<64x128xf32, #tpu.memory_space<vmem>>
        %dma_wait3A_265 = arith.constant 0 : i32
        %dma_wait3A_266 = tpu.memref_slice %arg7[%add3A_261, %dma_wait3A_265] : memref<20x64xi32, #tpu.memory_space<vmem>> -> memref<1x64xi32, #tpu.memory_space<vmem>>
        %dma_wait3A_267 = tpu.memref_squeeze %dma_wait3A_266 : memref<1x64xi32, #tpu.memory_space<vmem>> -> memref<64xi32, #tpu.memory_space<vmem>>
        %dma_wait3A_268 = arith.constant 0 : i32
        %dma_wait3A_269 = arith.constant 0 : i32
        %dma_wait3A_270 = tpu.memref_slice %arg5[%dma_wait3A_268, %dma_wait3A_269] : memref<20000x128xf32, #tpu.memory_space<hbm>> -> memref<20000x128xf32, #tpu.memory_space<hbm>>
        tpu.wait_indirect_dma semaphore(%arg14 : memref<!tpu.dma_semaphore, #tpu.memory_space<semaphore_mem>>) src(%dma_wait3A_270 : memref<20000x128xf32, #tpu.memory_space<hbm>>) dst(%dma_wait3A_264 : memref<64x128xf32, #tpu.memory_space<vmem>>)
        %dma_wait3A_271 = arith.constant 256 : i32
        %dma_wait3A_272 = arith.constant 0 : i32
        %dma_wait3A_273 = tpu.memref_slice %arg10[%dma_wait3A_271, %dma_wait3A_272] : memref<320x128xf32, #tpu.memory_space<vmem>> -> memref<64x128xf32, #tpu.memory_space<vmem>>
        %dma_wait3A_274 = arith.constant 0 : i32
        %dma_wait3A_275 = tpu.memref_slice %arg8[%add3A_261, %dma_wait3A_274] : memref<20x64xi32, #tpu.memory_space<vmem>> -> memref<1x64xi32, #tpu.memory_space<vmem>>
        %dma_wait3A_276 = tpu.memref_squeeze %dma_wait3A_275 : memref<1x64xi32, #tpu.memory_space<vmem>> -> memref<64xi32, #tpu.memory_space<vmem>>
        %dma_wait3A_277 = arith.constant 0 : i32
        %dma_wait3A_278 = arith.constant 0 : i32
        %dma_wait3A_279 = tpu.memref_slice %arg11[%dma_wait3A_277, %dma_wait3A_278] : memref<10048x128xf32, #tpu.memory_space<vmem_shared>> -> memref<10048x128xf32, #tpu.memory_space<vmem_shared>>
        tpu.wait_indirect_dma semaphore(%arg16 : memref<!tpu.dma_semaphore, #tpu.memory_space<semaphore_mem>>) src(%dma_wait3A_273 : memref<64x128xf32, #tpu.memory_space<vmem>>) dst(%dma_wait3A_279 : memref<10048x128xf32, #tpu.memory_space<vmem_shared>>)
        %dma_start3A_280 = arith.constant 256 : i32
        %dma_start3A_281 = arith.constant 0 : i32
        %dma_start3A_282 = tpu.memref_slice %arg10[%dma_start3A_280, %dma_start3A_281] : memref<320x128xf32, #tpu.memory_space<vmem>> -> memref<64x128xf32, #tpu.memory_space<vmem>>
        %dma_start3A_283 = arith.constant 0 : i32
        %dma_start3A_284 = tpu.memref_slice %arg8[%add3A_261, %dma_start3A_283] : memref<20x64xi32, #tpu.memory_space<vmem>> -> memref<1x64xi32, #tpu.memory_space<vmem>>
        %dma_start3A_285 = tpu.memref_squeeze %dma_start3A_284 : memref<1x64xi32, #tpu.memory_space<vmem>> -> memref<64xi32, #tpu.memory_space<vmem>>
        %dma_start3A_286 = arith.constant 0 : i32
        %dma_start3A_287 = arith.constant 0 : i32
        %dma_start3A_288 = tpu.memref_slice %arg11[%dma_start3A_286, %dma_start3A_287] : memref<10048x128xf32, #tpu.memory_space<vmem_shared>> -> memref<10048x128xf32, #tpu.memory_space<vmem_shared>>
        tpu.enqueue_indirect_dma source(%dma_start3A_282 : memref<64x128xf32, #tpu.memory_space<vmem>>) target(%dma_start3A_288 : memref<10048x128xf32, #tpu.memory_space<vmem_shared>>) offsets(%dma_start3A_285 : memref<64xi32, #tpu.memory_space<vmem>>) semaphore(%arg16 : memref<!tpu.dma_semaphore, #tpu.memory_space<semaphore_mem>>) {add = true}
        %add3A_289 = arith.constant 3 : i32
        %add3A_290 = arith.addi %add3A_261, %add3A_289 : i32
        %lt3A_291 = arith.constant 20 : i32
        %lt3A_292 = arith.cmpi slt, %add3A_290, %lt3A_291 : i32
        %convert_element_type3A_293 = arith.extui %lt3A_292 : i1 to i32
        %cond3A_294 = arith.constant 0 : i32
        %cond3A_295 = arith.cmpi ne, %convert_element_type3A_293, %cond3A_294 : i32
        scf.if %cond3A_295 {
          %add3A_368 = arith.constant 3 : i32
          %add3A_369 = arith.addi %add3A_261, %add3A_368 : i32
          %dma_start3A_370 = arith.constant 128 : i32
          %dma_start3A_371 = arith.constant 0 : i32
          %dma_start3A_372 = tpu.memref_slice %arg10[%dma_start3A_370, %dma_start3A_371] : memref<320x128xf32, #tpu.memory_space<vmem>> -> memref<64x128xf32, #tpu.memory_space<vmem>>
          %dma_start3A_373 = arith.constant 0 : i32
          %dma_start3A_374 = tpu.memref_slice %arg7[%add3A_369, %dma_start3A_373] : memref<20x64xi32, #tpu.memory_space<vmem>> -> memref<1x64xi32, #tpu.memory_space<vmem>>
          %dma_start3A_375 = tpu.memref_squeeze %dma_start3A_374 : memref<1x64xi32, #tpu.memory_space<vmem>> -> memref<64xi32, #tpu.memory_space<vmem>>
          %dma_start3A_376 = arith.constant 0 : i32
          %dma_start3A_377 = arith.constant 0 : i32
          %dma_start3A_378 = tpu.memref_slice %arg5[%dma_start3A_376, %dma_start3A_377] : memref<20000x128xf32, #tpu.memory_space<hbm>> -> memref<20000x128xf32, #tpu.memory_space<hbm>>
          tpu.enqueue_indirect_dma source(%dma_start3A_378 : memref<20000x128xf32, #tpu.memory_space<hbm>>) target(%dma_start3A_372 : memref<64x128xf32, #tpu.memory_space<vmem>>) offsets(%dma_start3A_375 : memref<64xi32, #tpu.memory_space<vmem>>) semaphore(%arg14 : memref<!tpu.dma_semaphore, #tpu.memory_space<semaphore_mem>>)
        } else {
        }
        %add3A_296 = arith.constant 4 : i32
        %add3A_297 = arith.addi %add3A_151, %add3A_296 : i32
        %dma_wait3A_298 = arith.constant 0 : i32
        %dma_wait3A_299 = arith.constant 0 : i32
        %dma_wait3A_300 = tpu.memref_slice %arg10[%dma_wait3A_298, %dma_wait3A_299] : memref<320x128xf32, #tpu.memory_space<vmem>> -> memref<64x128xf32, #tpu.memory_space<vmem>>
        %dma_wait3A_301 = arith.constant 0 : i32
        %dma_wait3A_302 = tpu.memref_slice %arg7[%add3A_297, %dma_wait3A_301] : memref<20x64xi32, #tpu.memory_space<vmem>> -> memref<1x64xi32, #tpu.memory_space<vmem>>
        %dma_wait3A_303 = tpu.memref_squeeze %dma_wait3A_302 : memref<1x64xi32, #tpu.memory_space<vmem>> -> memref<64xi32, #tpu.memory_space<vmem>>
        %dma_wait3A_304 = arith.constant 0 : i32
        %dma_wait3A_305 = arith.constant 0 : i32
        %dma_wait3A_306 = tpu.memref_slice %arg5[%dma_wait3A_304, %dma_wait3A_305] : memref<20000x128xf32, #tpu.memory_space<hbm>> -> memref<20000x128xf32, #tpu.memory_space<hbm>>
        tpu.wait_indirect_dma semaphore(%arg12 : memref<!tpu.dma_semaphore, #tpu.memory_space<semaphore_mem>>) src(%dma_wait3A_306 : memref<20000x128xf32, #tpu.memory_space<hbm>>) dst(%dma_wait3A_300 : memref<64x128xf32, #tpu.memory_space<vmem>>)
        %dma_wait3A_307 = arith.constant 192 : i32
        %dma_wait3A_308 = arith.constant 0 : i32
        %dma_wait3A_309 = tpu.memref_slice %arg10[%dma_wait3A_307, %dma_wait3A_308] : memref<320x128xf32, #tpu.memory_space<vmem>> -> memref<64x128xf32, #tpu.memory_space<vmem>>
        %dma_wait3A_310 = arith.constant 0 : i32
        %dma_wait3A_311 = tpu.memref_slice %arg8[%add3A_297, %dma_wait3A_310] : memref<20x64xi32, #tpu.memory_space<vmem>> -> memref<1x64xi32, #tpu.memory_space<vmem>>
        %dma_wait3A_312 = tpu.memref_squeeze %dma_wait3A_311 : memref<1x64xi32, #tpu.memory_space<vmem>> -> memref<64xi32, #tpu.memory_space<vmem>>
        %dma_wait3A_313 = arith.constant 0 : i32
        %dma_wait3A_314 = arith.constant 0 : i32
        %dma_wait3A_315 = tpu.memref_slice %arg11[%dma_wait3A_313, %dma_wait3A_314] : memref<10048x128xf32, #tpu.memory_space<vmem_shared>> -> memref<10048x128xf32, #tpu.memory_space<vmem_shared>>
        tpu.wait_indirect_dma semaphore(%arg15 : memref<!tpu.dma_semaphore, #tpu.memory_space<semaphore_mem>>) src(%dma_wait3A_309 : memref<64x128xf32, #tpu.memory_space<vmem>>) dst(%dma_wait3A_315 : memref<10048x128xf32, #tpu.memory_space<vmem_shared>>)
        %dma_start3A_316 = arith.constant 192 : i32
        %dma_start3A_317 = arith.constant 0 : i32
        %dma_start3A_318 = tpu.memref_slice %arg10[%dma_start3A_316, %dma_start3A_317] : memref<320x128xf32, #tpu.memory_space<vmem>> -> memref<64x128xf32, #tpu.memory_space<vmem>>
        %dma_start3A_319 = arith.constant 0 : i32
        %dma_start3A_320 = tpu.memref_slice %arg8[%add3A_297, %dma_start3A_319] : memref<20x64xi32, #tpu.memory_space<vmem>> -> memref<1x64xi32, #tpu.memory_space<vmem>>
        %dma_start3A_321 = tpu.memref_squeeze %dma_start3A_320 : memref<1x64xi32, #tpu.memory_space<vmem>> -> memref<64xi32, #tpu.memory_space<vmem>>
        %dma_start3A_322 = arith.constant 0 : i32
        %dma_start3A_323 = arith.constant 0 : i32
        %dma_start3A_324 = tpu.memref_slice %arg11[%dma_start3A_322, %dma_start3A_323] : memref<10048x128xf32, #tpu.memory_space<vmem_shared>> -> memref<10048x128xf32, #tpu.memory_space<vmem_shared>>
        tpu.enqueue_indirect_dma source(%dma_start3A_318 : memref<64x128xf32, #tpu.memory_space<vmem>>) target(%dma_start3A_324 : memref<10048x128xf32, #tpu.memory_space<vmem_shared>>) offsets(%dma_start3A_321 : memref<64xi32, #tpu.memory_space<vmem>>) semaphore(%arg15 : memref<!tpu.dma_semaphore, #tpu.memory_space<semaphore_mem>>) {add = true}
        %add3A_325 = arith.constant 3 : i32
        %add3A_326 = arith.addi %add3A_297, %add3A_325 : i32
        %lt3A_327 = arith.constant 20 : i32
        %lt3A_328 = arith.cmpi slt, %add3A_326, %lt3A_327 : i32
        %convert_element_type3A_329 = arith.extui %lt3A_328 : i1 to i32
        %cond3A_330 = arith.constant 0 : i32
        %cond3A_331 = arith.cmpi ne, %convert_element_type3A_329, %cond3A_330 : i32
        scf.if %cond3A_331 {
          %add3A_368 = arith.constant 3 : i32
          %add3A_369 = arith.addi %add3A_297, %add3A_368 : i32
          %dma_start3A_370 = arith.constant 0 : i32
          %dma_start3A_371 = arith.constant 0 : i32
          %dma_start3A_372 = tpu.memref_slice %arg10[%dma_start3A_370, %dma_start3A_371] : memref<320x128xf32, #tpu.memory_space<vmem>> -> memref<64x128xf32, #tpu.memory_space<vmem>>
          %dma_start3A_373 = arith.constant 0 : i32
          %dma_start3A_374 = tpu.memref_slice %arg7[%add3A_369, %dma_start3A_373] : memref<20x64xi32, #tpu.memory_space<vmem>> -> memref<1x64xi32, #tpu.memory_space<vmem>>
          %dma_start3A_375 = tpu.memref_squeeze %dma_start3A_374 : memref<1x64xi32, #tpu.memory_space<vmem>> -> memref<64xi32, #tpu.memory_space<vmem>>
          %dma_start3A_376 = arith.constant 0 : i32
          %dma_start3A_377 = arith.constant 0 : i32
          %dma_start3A_378 = tpu.memref_slice %arg5[%dma_start3A_376, %dma_start3A_377] : memref<20000x128xf32, #tpu.memory_space<hbm>> -> memref<20000x128xf32, #tpu.memory_space<hbm>>
          tpu.enqueue_indirect_dma source(%dma_start3A_378 : memref<20000x128xf32, #tpu.memory_space<hbm>>) target(%dma_start3A_372 : memref<64x128xf32, #tpu.memory_space<vmem>>) offsets(%dma_start3A_375 : memref<64xi32, #tpu.memory_space<vmem>>) semaphore(%arg12 : memref<!tpu.dma_semaphore, #tpu.memory_space<semaphore_mem>>)
        } else {
        }
        %add3A_332 = arith.constant 5 : i32
        %add3A_333 = arith.addi %add3A_151, %add3A_332 : i32
        %dma_wait3A_334 = arith.constant 64 : i32
        %dma_wait3A_335 = arith.constant 0 : i32
        %dma_wait3A_336 = tpu.memref_slice %arg10[%dma_wait3A_334, %dma_wait3A_335] : memref<320x128xf32, #tpu.memory_space<vmem>> -> memref<64x128xf32, #tpu.memory_space<vmem>>
        %dma_wait3A_337 = arith.constant 0 : i32
        %dma_wait3A_338 = tpu.memref_slice %arg7[%add3A_333, %dma_wait3A_337] : memref<20x64xi32, #tpu.memory_space<vmem>> -> memref<1x64xi32, #tpu.memory_space<vmem>>
        %dma_wait3A_339 = tpu.memref_squeeze %dma_wait3A_338 : memref<1x64xi32, #tpu.memory_space<vmem>> -> memref<64xi32, #tpu.memory_space<vmem>>
        %dma_wait3A_340 = arith.constant 0 : i32
        %dma_wait3A_341 = arith.constant 0 : i32
        %dma_wait3A_342 = tpu.memref_slice %arg5[%dma_wait3A_340, %dma_wait3A_341] : memref<20000x128xf32, #tpu.memory_space<hbm>> -> memref<20000x128xf32, #tpu.memory_space<hbm>>
        tpu.wait_indirect_dma semaphore(%arg13 : memref<!tpu.dma_semaphore, #tpu.memory_space<semaphore_mem>>) src(%dma_wait3A_342 : memref<20000x128xf32, #tpu.memory_space<hbm>>) dst(%dma_wait3A_336 : memref<64x128xf32, #tpu.memory_space<vmem>>)
        %dma_wait3A_343 = arith.constant 256 : i32
        %dma_wait3A_344 = arith.constant 0 : i32
        %dma_wait3A_345 = tpu.memref_slice %arg10[%dma_wait3A_343, %dma_wait3A_344] : memref<320x128xf32, #tpu.memory_space<vmem>> -> memref<64x128xf32, #tpu.memory_space<vmem>>
        %dma_wait3A_346 = arith.constant 0 : i32
        %dma_wait3A_347 = tpu.memref_slice %arg8[%add3A_333, %dma_wait3A_346] : memref<20x64xi32, #tpu.memory_space<vmem>> -> memref<1x64xi32, #tpu.memory_space<vmem>>
        %dma_wait3A_348 = tpu.memref_squeeze %dma_wait3A_347 : memref<1x64xi32, #tpu.memory_space<vmem>> -> memref<64xi32, #tpu.memory_space<vmem>>
        %dma_wait3A_349 = arith.constant 0 : i32
        %dma_wait3A_350 = arith.constant 0 : i32
        %dma_wait3A_351 = tpu.memref_slice %arg11[%dma_wait3A_349, %dma_wait3A_350] : memref<10048x128xf32, #tpu.memory_space<vmem_shared>> -> memref<10048x128xf32, #tpu.memory_space<vmem_shared>>
        tpu.wait_indirect_dma semaphore(%arg16 : memref<!tpu.dma_semaphore, #tpu.memory_space<semaphore_mem>>) src(%dma_wait3A_345 : memref<64x128xf32, #tpu.memory_space<vmem>>) dst(%dma_wait3A_351 : memref<10048x128xf32, #tpu.memory_space<vmem_shared>>)
        %dma_start3A_352 = arith.constant 256 : i32
        %dma_start3A_353 = arith.constant 0 : i32
        %dma_start3A_354 = tpu.memref_slice %arg10[%dma_start3A_352, %dma_start3A_353] : memref<320x128xf32, #tpu.memory_space<vmem>> -> memref<64x128xf32, #tpu.memory_space<vmem>>
        %dma_start3A_355 = arith.constant 0 : i32
        %dma_start3A_356 = tpu.memref_slice %arg8[%add3A_333, %dma_start3A_355] : memref<20x64xi32, #tpu.memory_space<vmem>> -> memref<1x64xi32, #tpu.memory_space<vmem>>
        %dma_start3A_357 = tpu.memref_squeeze %dma_start3A_356 : memref<1x64xi32, #tpu.memory_space<vmem>> -> memref<64xi32, #tpu.memory_space<vmem>>
        %dma_start3A_358 = arith.constant 0 : i32
        %dma_start3A_359 = arith.constant 0 : i32
        %dma_start3A_360 = tpu.memref_slice %arg11[%dma_start3A_358, %dma_start3A_359] : memref<10048x128xf32, #tpu.memory_space<vmem_shared>> -> memref<10048x128xf32, #tpu.memory_space<vmem_shared>>
        tpu.enqueue_indirect_dma source(%dma_start3A_354 : memref<64x128xf32, #tpu.memory_space<vmem>>) target(%dma_start3A_360 : memref<10048x128xf32, #tpu.memory_space<vmem_shared>>) offsets(%dma_start3A_357 : memref<64xi32, #tpu.memory_space<vmem>>) semaphore(%arg16 : memref<!tpu.dma_semaphore, #tpu.memory_space<semaphore_mem>>) {add = true}
        %add3A_361 = arith.constant 3 : i32
        %add3A_362 = arith.addi %add3A_333, %add3A_361 : i32
        %lt3A_363 = arith.constant 20 : i32
        %lt3A_364 = arith.cmpi slt, %add3A_362, %lt3A_363 : i32
        %convert_element_type3A_365 = arith.extui %lt3A_364 : i1 to i32
        %cond3A_366 = arith.constant 0 : i32
        %cond3A_367 = arith.cmpi ne, %convert_element_type3A_365, %cond3A_366 : i32
        scf.if %cond3A_367 {
          %add3A_368 = arith.constant 3 : i32
          %add3A_369 = arith.addi %add3A_333, %add3A_368 : i32
          %dma_start3A_370 = arith.constant 64 : i32
          %dma_start3A_371 = arith.constant 0 : i32
          %dma_start3A_372 = tpu.memref_slice %arg10[%dma_start3A_370, %dma_start3A_371] : memref<320x128xf32, #tpu.memory_space<vmem>> -> memref<64x128xf32, #tpu.memory_space<vmem>>
          %dma_start3A_373 = arith.constant 0 : i32
          %dma_start3A_374 = tpu.memref_slice %arg7[%add3A_369, %dma_start3A_373] : memref<20x64xi32, #tpu.memory_space<vmem>> -> memref<1x64xi32, #tpu.memory_space<vmem>>
          %dma_start3A_375 = tpu.memref_squeeze %dma_start3A_374 : memref<1x64xi32, #tpu.memory_space<vmem>> -> memref<64xi32, #tpu.memory_space<vmem>>
          %dma_start3A_376 = arith.constant 0 : i32
          %dma_start3A_377 = arith.constant 0 : i32
          %dma_start3A_378 = tpu.memref_slice %arg5[%dma_start3A_376, %dma_start3A_377] : memref<20000x128xf32, #tpu.memory_space<hbm>> -> memref<20000x128xf32, #tpu.memory_space<hbm>>
          tpu.enqueue_indirect_dma source(%dma_start3A_378 : memref<20000x128xf32, #tpu.memory_space<hbm>>) target(%dma_start3A_372 : memref<64x128xf32, #tpu.memory_space<vmem>>) offsets(%dma_start3A_375 : memref<64xi32, #tpu.memory_space<vmem>>) semaphore(%arg13 : memref<!tpu.dma_semaphore, #tpu.memory_space<semaphore_mem>>)
        } else {
        }
      }
      %scan3A_122 = arith.constant 3 : i32
      %dma_wait3A_123 = arith.constant 0 : i32
      %dma_wait3A_124 = arith.constant 192 : i32
      %dma_wait3A_125 = arith.constant 0 : i32
      %dma_wait3A_126 = tpu.memref_slice %arg10[%dma_wait3A_124, %dma_wait3A_125] : memref<320x128xf32, #tpu.memory_space<vmem>> -> memref<64x128xf32, #tpu.memory_space<vmem>>
      %dma_wait3A_127 = arith.constant 0 : i32
      %dma_wait3A_128 = tpu.memref_slice %arg8[%dma_wait3A_123, %dma_wait3A_127] : memref<20x64xi32, #tpu.memory_space<vmem>> -> memref<1x64xi32, #tpu.memory_space<vmem>>
      %dma_wait3A_129 = tpu.memref_squeeze %dma_wait3A_128 : memref<1x64xi32, #tpu.memory_space<vmem>> -> memref<64xi32, #tpu.memory_space<vmem>>
      %dma_wait3A_130 = arith.constant 0 : i32
      %dma_wait3A_131 = arith.constant 0 : i32
      %dma_wait3A_132 = tpu.memref_slice %arg11[%dma_wait3A_130, %dma_wait3A_131] : memref<10048x128xf32, #tpu.memory_space<vmem_shared>> -> memref<10048x128xf32, #tpu.memory_space<vmem_shared>>
      tpu.wait_indirect_dma semaphore(%arg15 : memref<!tpu.dma_semaphore, #tpu.memory_space<semaphore_mem>>) src(%dma_wait3A_126 : memref<64x128xf32, #tpu.memory_space<vmem>>) dst(%dma_wait3A_132 : memref<10048x128xf32, #tpu.memory_space<vmem_shared>>)
      %dma_wait3A_133 = arith.constant 1 : i32
      %dma_wait3A_134 = arith.constant 256 : i32
      %dma_wait3A_135 = arith.constant 0 : i32
      %dma_wait3A_136 = tpu.memref_slice %arg10[%dma_wait3A_134, %dma_wait3A_135] : memref<320x128xf32, #tpu.memory_space<vmem>> -> memref<64x128xf32, #tpu.memory_space<vmem>>
      %dma_wait3A_137 = arith.constant 0 : i32
      %dma_wait3A_138 = tpu.memref_slice %arg8[%dma_wait3A_133, %dma_wait3A_137] : memref<20x64xi32, #tpu.memory_space<vmem>> -> memref<1x64xi32, #tpu.memory_space<vmem>>
      %dma_wait3A_139 = tpu.memref_squeeze %dma_wait3A_138 : memref<1x64xi32, #tpu.memory_space<vmem>> -> memref<64xi32, #tpu.memory_space<vmem>>
      %dma_wait3A_140 = arith.constant 0 : i32
      %dma_wait3A_141 = arith.constant 0 : i32
      %dma_wait3A_142 = tpu.memref_slice %arg11[%dma_wait3A_140, %dma_wait3A_141] : memref<10048x128xf32, #tpu.memory_space<vmem_shared>> -> memref<10048x128xf32, #tpu.memory_space<vmem_shared>>
      tpu.wait_indirect_dma semaphore(%arg16 : memref<!tpu.dma_semaphore, #tpu.memory_space<semaphore_mem>>) src(%dma_wait3A_136 : memref<64x128xf32, #tpu.memory_space<vmem>>) dst(%dma_wait3A_142 : memref<10048x128xf32, #tpu.memory_space<vmem_shared>>)
    }
    %scan3A_15 = arith.constant 16 : i32
    %barrier3A_16 = arith.constant 0 : index
    tpu.barrier barrier_id(%barrier3A_16)
    %lt3A_17 = arith.constant 15 : i32
    %lt3A_18 = arith.cmpi slt, %arg1, %lt3A_17 : i32
    %convert_element_type3A_19 = arith.extui %lt3A_18 : i1 to i32
    %cond3A_20 = arith.constant 0 : i32
    %cond3A_21 = arith.cmpi ne, %convert_element_type3A_19, %cond3A_20 : i32
    scf.if %cond3A_21 {
      %mul3A = arith.constant 640 : i32
      %mul3A_27 = arith.muli %arg1, %mul3A : i32
      %mul3A_28 = arith.constant 640 : i32
      %mul3A_29 = arith.muli %arg1, %mul3A_28 : i32
      "tpu.region"() ({
        %run_scoped3A = tpu.sem_alloc : memref<!tpu.dma_semaphore, #tpu.memory_space<semaphore_mem>>
        %dma_start3A = arith.constant 0 : i32
        %dma_start3A_30 = tpu.memref_slice %arg6[%arg0, %mul3A_29, %dma_start3A] : memref<2x10048x128xf32, #tpu.memory_space<hbm>> -> memref<1x640x128xf32, #tpu.memory_space<hbm>>
        %dma_start3A_31 = tpu.memref_squeeze %dma_start3A_30 : memref<1x640x128xf32, #tpu.memory_space<hbm>> -> memref<640x128xf32, #tpu.memory_space<hbm>>
        %dma_start3A_32 = arith.constant 0 : i32
        %dma_start3A_33 = tpu.memref_slice %arg11[%mul3A_27, %dma_start3A_32] : memref<10048x128xf32, #tpu.memory_space<vmem_shared>> -> memref<640x128xf32, #tpu.memory_space<vmem_shared>>
        tpu.enqueue_dma source(%dma_start3A_33 : memref<640x128xf32, #tpu.memory_space<vmem_shared>>) target(%dma_start3A_31 : memref<640x128xf32, #tpu.memory_space<hbm>>) target_semaphore(%run_scoped3A : memref<!tpu.dma_semaphore, #tpu.memory_space<semaphore_mem>>)
        %dma_wait3A = arith.constant 0 : i32
        %dma_wait3A_34 = tpu.memref_slice %arg6[%arg0, %mul3A_29, %dma_wait3A] : memref<2x10048x128xf32, #tpu.memory_space<hbm>> -> memref<1x640x128xf32, #tpu.memory_space<hbm>>
        %dma_wait3A_35 = tpu.memref_squeeze %dma_wait3A_34 : memref<1x640x128xf32, #tpu.memory_space<hbm>> -> memref<640x128xf32, #tpu.memory_space<hbm>>
        %dma_wait3A_36 = arith.constant 0 : i32
        %dma_wait3A_37 = tpu.memref_slice %arg11[%mul3A_27, %dma_wait3A_36] : memref<10048x128xf32, #tpu.memory_space<vmem_shared>> -> memref<640x128xf32, #tpu.memory_space<vmem_shared>>
        tpu.wait_dma2 semaphore(%run_scoped3A : memref<!tpu.dma_semaphore, #tpu.memory_space<semaphore_mem>>) src(%dma_wait3A_37 : memref<640x128xf32, #tpu.memory_space<vmem_shared>>) dst(%dma_wait3A_35 : memref<640x128xf32, #tpu.memory_space<hbm>>)
        tpu.yield
      }) : () -> ()
    } else {
    }
    %eq3A_22 = arith.constant 15 : i32
    %eq3A_23 = arith.cmpi eq, %arg1, %eq3A_22 : i32
    %convert_element_type3A_24 = arith.extui %eq3A_23 : i1 to i32
    %cond3A_25 = arith.constant 0 : i32
    %cond3A_26 = arith.cmpi ne, %convert_element_type3A_24, %cond3A_25 : i32
    scf.if %cond3A_26 {
      "tpu.region"() ({
        %run_scoped3A = tpu.sem_alloc : memref<!tpu.dma_semaphore, #tpu.memory_space<semaphore_mem>>
        %dma_start3A = arith.constant 9600 : i32
        %dma_start3A_27 = arith.constant 0 : i32
        %dma_start3A_28 = tpu.memref_slice %arg6[%arg0, %dma_start3A, %dma_start3A_27] : memref<2x10048x128xf32, #tpu.memory_space<hbm>> -> memref<1x448x128xf32, #tpu.memory_space<hbm>>
        %dma_start3A_29 = tpu.memref_squeeze %dma_start3A_28 : memref<1x448x128xf32, #tpu.memory_space<hbm>> -> memref<448x128xf32, #tpu.memory_space<hbm>>
        %dma_start3A_30 = arith.constant 9600 : i32
        %dma_start3A_31 = arith.constant 0 : i32
        %dma_start3A_32 = tpu.memref_slice %arg11[%dma_start3A_30, %dma_start3A_31] : memref<10048x128xf32, #tpu.memory_space<vmem_shared>> -> memref<448x128xf32, #tpu.memory_space<vmem_shared>>
        tpu.enqueue_dma source(%dma_start3A_32 : memref<448x128xf32, #tpu.memory_space<vmem_shared>>) target(%dma_start3A_29 : memref<448x128xf32, #tpu.memory_space<hbm>>) target_semaphore(%run_scoped3A : memref<!tpu.dma_semaphore, #tpu.memory_space<semaphore_mem>>)
        %dma_wait3A = arith.constant 9600 : i32
        %dma_wait3A_33 = arith.constant 0 : i32
        %dma_wait3A_34 = tpu.memref_slice %arg6[%arg0, %dma_wait3A, %dma_wait3A_33] : memref<2x10048x128xf32, #tpu.memory_space<hbm>> -> memref<1x448x128xf32, #tpu.memory_space<hbm>>
        %dma_wait3A_35 = tpu.memref_squeeze %dma_wait3A_34 : memref<1x448x128xf32, #tpu.memory_space<hbm>> -> memref<448x128xf32, #tpu.memory_space<hbm>>
        %dma_wait3A_36 = arith.constant 9600 : i32
        %dma_wait3A_37 = arith.constant 0 : i32
        %dma_wait3A_38 = tpu.memref_slice %arg11[%dma_wait3A_36, %dma_wait3A_37] : memref<10048x128xf32, #tpu.memory_space<vmem_shared>> -> memref<448x128xf32, #tpu.memory_space<vmem_shared>>
        tpu.wait_dma2 semaphore(%run_scoped3A : memref<!tpu.dma_semaphore, #tpu.memory_space<semaphore_mem>>) src(%dma_wait3A_38 : memref<448x128xf32, #tpu.memory_space<vmem_shared>>) dst(%dma_wait3A_35 : memref<448x128xf32, #tpu.memory_space<hbm>>)
        tpu.yield
      }) : () -> ()
    } else {
    }
    return
  }
}

module attributes {stable_mosaic.version = 14 : i64} {
  func.func @_tc_body(%arg0: i32, %arg1: memref<1000x128xf32, #tpu.memory_space<vmem>>, %arg2: memref<1000x128xf32, #tpu.memory_space<vmem>>, %arg3: memref<1000x128xf32, #tpu.memory_space<vmem>>, %arg4: memref<1000x128xf32, #tpu.memory_space<vmem>>, %arg5: memref<1000x128xf32, #tpu.memory_space<vmem>>, %arg6: memref<128x512xf32, #tpu.memory_space<vmem>>, %arg7: memref<128x512xf32, #tpu.memory_space<vmem>>, %arg8: memref<128x512xf32, #tpu.memory_space<vmem>>, %arg9: memref<128x512xf32, #tpu.memory_space<vmem>>, %arg10: memref<1x512xf32, #tpu.memory_space<vmem>>, %arg11: memref<3x128xf32, #tpu.memory_space<vmem>>, %arg12: memref<6x128xf32, #tpu.memory_space<vmem>>, %arg13: memref<128x128xf32, #tpu.memory_space<vmem>>, %arg14: memref<1x128xf32, #tpu.memory_space<vmem>>, %arg15: memref<1000x128xf32, #tpu.memory_space<vmem>>, %arg16: memref<1000x128xf32, #tpu.memory_space<vmem>>, %arg17: memref<1000x128xf32, #tpu.memory_space<vmem>>) attributes {dimension_semantics = [#tpu.dimension_semantics<arbitrary>], iteration_bounds = array<i64: 10>, scalar_prefetch = 0 : i64, scratch_operands = 0 : i64, tpu.core_type = #tpu.core_type<tc>, window_params = [{transform_indices = @transform_0, window_bounds = array<i64: 1000, 128>}, {transform_indices = @transform_1, window_bounds = array<i64: 1000, 128>}, {transform_indices = @transform_2, window_bounds = array<i64: 1000, 128>}, {transform_indices = @transform_3, window_bounds = array<i64: 1000, 128>}, {transform_indices = @transform_4, window_bounds = array<i64: 1000, 128>}, {pipeline_mode = #tpu.pipeline_mode<synchronous>, transform_indices = @transform_5, window_bounds = array<i64: 128, 512>}, {pipeline_mode = #tpu.pipeline_mode<synchronous>, transform_indices = @transform_6, window_bounds = array<i64: 128, 512>}, {pipeline_mode = #tpu.pipeline_mode<synchronous>, transform_indices = @transform_7, window_bounds = array<i64: 128, 512>}, {pipeline_mode = #tpu.pipeline_mode<synchronous>, transform_indices = @transform_8, window_bounds = array<i64: 128, 512>}, {pipeline_mode = #tpu.pipeline_mode<synchronous>, transform_indices = @transform_9, window_bounds = array<i64: 1, 512>}, {pipeline_mode = #tpu.pipeline_mode<synchronous>, transform_indices = @transform_10, window_bounds = array<i64: 3, 128>}, {pipeline_mode = #tpu.pipeline_mode<synchronous>, transform_indices = @transform_11, window_bounds = array<i64: 6, 128>}, {pipeline_mode = #tpu.pipeline_mode<synchronous>, transform_indices = @transform_12, window_bounds = array<i64: 128, 128>}, {pipeline_mode = #tpu.pipeline_mode<synchronous>, transform_indices = @transform_13, window_bounds = array<i64: 1, 128>}, {transform_indices = @transform_14, window_bounds = array<i64: 1000, 128>}, {transform_indices = @transform_15, window_bounds = array<i64: 1000, 128>}, {transform_indices = @transform_16, window_bounds = array<i64: 1000, 128>}]} {
    %get3A = arith.constant 0 : index
    %get3A_0 = arith.constant 0 : index
    %get3A_1 = vector.load %arg1[%get3A, %get3A_0] : memref<1000x128xf32, #tpu.memory_space<vmem>>, vector<1000x128xf32>
    %get3A_2 = arith.constant 0 : index
    %get3A_3 = arith.constant 0 : index
    %get3A_4 = vector.load %arg2[%get3A_2, %get3A_3] : memref<1000x128xf32, #tpu.memory_space<vmem>>, vector<1000x128xf32>
    %get3A_5 = arith.constant 0 : index
    %get3A_6 = arith.constant 0 : index
    %get3A_7 = vector.load %arg3[%get3A_5, %get3A_6] : memref<1000x128xf32, #tpu.memory_space<vmem>>, vector<1000x128xf32>
    %get3A_8 = arith.constant 0 : index
    %get3A_9 = arith.constant 0 : index
    %get3A_10 = vector.load %arg4[%get3A_8, %get3A_9] : memref<1000x128xf32, #tpu.memory_space<vmem>>, vector<1000x128xf32>
    %get3A_11 = arith.constant 0 : index
    %get3A_12 = arith.constant 0 : index
    %get3A_13 = vector.load %arg5[%get3A_11, %get3A_12] : memref<1000x128xf32, #tpu.memory_space<vmem>>, vector<1000x128xf32>
    %get3A_14 = arith.constant 0 : index
    %get3A_15 = arith.constant 0 : index
    %get3A_16 = vector.load %arg6[%get3A_14, %get3A_15] : memref<128x512xf32, #tpu.memory_space<vmem>>, vector<128x512xf32>
    %dot_general3A = arith.constant dense<0.000000e+00> : vector<1000x512xf32>
    %dot_general3A_17 = tpu.matmul %get3A_1, %get3A_16, %dot_general3A {dimension_numbers = #tpu.dot_dimension_numbers<[1], [0], [0], [1], [0, 0, 1, 1], [], []>, transpose_lhs_hint = false} : vector<1000x128xf32>, vector<128x512xf32>, vector<1000x512xf32> -> vector<1000x512xf32>
    %get3A_18 = arith.constant 0 : index
    %get3A_19 = arith.constant 0 : index
    %get3A_20 = vector.load %arg7[%get3A_18, %get3A_19] : memref<128x512xf32, #tpu.memory_space<vmem>>, vector<128x512xf32>
    %dot_general3A_21 = arith.constant dense<0.000000e+00> : vector<1000x512xf32>
    %dot_general3A_22 = tpu.matmul %get3A_4, %get3A_20, %dot_general3A_21 {dimension_numbers = #tpu.dot_dimension_numbers<[1], [0], [0], [1], [0, 0, 1, 1], [], []>, transpose_lhs_hint = false} : vector<1000x128xf32>, vector<128x512xf32>, vector<1000x512xf32> -> vector<1000x512xf32>
    %add3A = arith.addf %dot_general3A_17, %dot_general3A_22 : vector<1000x512xf32>
    %get3A_23 = arith.constant 0 : index
    %get3A_24 = arith.constant 0 : index
    %get3A_25 = vector.load %arg8[%get3A_23, %get3A_24] : memref<128x512xf32, #tpu.memory_space<vmem>>, vector<128x512xf32>
    %dot_general3A_26 = arith.constant dense<0.000000e+00> : vector<1000x512xf32>
    %dot_general3A_27 = tpu.matmul %get3A_7, %get3A_25, %dot_general3A_26 {dimension_numbers = #tpu.dot_dimension_numbers<[1], [0], [0], [1], [0, 0, 1, 1], [], []>, transpose_lhs_hint = false} : vector<1000x128xf32>, vector<128x512xf32>, vector<1000x512xf32> -> vector<1000x512xf32>
    %add3A_28 = arith.addf %add3A, %dot_general3A_27 : vector<1000x512xf32>
    %get3A_29 = arith.constant 0 : index
    %get3A_30 = arith.constant 0 : index
    %get3A_31 = vector.load %arg9[%get3A_29, %get3A_30] : memref<128x512xf32, #tpu.memory_space<vmem>>, vector<128x512xf32>
    %dot_general3A_32 = arith.constant dense<0.000000e+00> : vector<1000x512xf32>
    %dot_general3A_33 = tpu.matmul %get3A_10, %get3A_31, %dot_general3A_32 {dimension_numbers = #tpu.dot_dimension_numbers<[1], [0], [0], [1], [0, 0, 1, 1], [], []>, transpose_lhs_hint = false} : vector<1000x128xf32>, vector<128x512xf32>, vector<1000x512xf32> -> vector<1000x512xf32>
    %add3A_34 = arith.addf %add3A_28, %dot_general3A_33 : vector<1000x512xf32>
    %get3A_35 = arith.constant 0 : index
    %get3A_36 = arith.constant 0 : index
    %get3A_37 = vector.load %arg10[%get3A_35, %get3A_36] : memref<1x512xf32, #tpu.memory_space<vmem>>, vector<1x512xf32>
    %add3A_38 = vector.broadcast %get3A_37 : vector<1x512xf32> to vector<1000x512xf32>
    %add3A_39 = arith.addf %add3A_34, %add3A_38 : vector<1000x512xf32>
    %get3A_40 = arith.constant 0 : index
    %get3A_41 = arith.constant 0 : index
    %get3A_42 = vector.load %arg11[%get3A_40, %get3A_41] : memref<3x128xf32, #tpu.memory_space<vmem>>, vector<3x128xf32>
    %slice3A = vector.extract_strided_slice %add3A_39 {offsets = [0, 0], sizes = [1000, 128], strides = [1, 1]} : vector<1000x512xf32> to vector<1000x128xf32>
    %slice3A_43 = vector.extract_strided_slice %add3A_39 {offsets = [0, 128], sizes = [1000, 128], strides = [1, 1]} : vector<1000x512xf32> to vector<1000x128xf32>
    %slice3A_44 = vector.extract_strided_slice %add3A_39 {offsets = [0, 256], sizes = [1000, 128], strides = [1, 1]} : vector<1000x512xf32> to vector<1000x128xf32>
    %slice3A_45 = vector.extract_strided_slice %add3A_39 {offsets = [0, 384], sizes = [1000, 128], strides = [1, 1]} : vector<1000x512xf32> to vector<1000x128xf32>
    %slice3A_46 = vector.extract_strided_slice %get3A_42 {offsets = [0, 0], sizes = [1, 128], strides = [1, 1]} : vector<3x128xf32> to vector<1x128xf32>
    %mul3A = vector.broadcast %slice3A_46 : vector<1x128xf32> to vector<1000x128xf32>
    %mul3A_47 = arith.mulf %mul3A, %get3A_13 : vector<1000x128xf32>
    %add3A_48 = arith.addf %slice3A, %mul3A_47 : vector<1000x128xf32>
    %logistic3A = arith.negf %add3A_48 : vector<1000x128xf32>
    %logistic3A_49 = math.exp %logistic3A : vector<1000x128xf32>
    %logistic3A_50 = arith.constant 1.000000e+00 : f32
    %logistic3A_51 = vector.broadcast %logistic3A_50 : f32 to vector<1000x128xf32>
    %logistic3A_52 = arith.addf %logistic3A_51, %logistic3A_49 : vector<1000x128xf32>
    %logistic3A_53 = arith.divf %logistic3A_51, %logistic3A_52 : vector<1000x128xf32>
    %slice3A_54 = vector.extract_strided_slice %get3A_42 {offsets = [1, 0], sizes = [1, 128], strides = [1, 1]} : vector<3x128xf32> to vector<1x128xf32>
    %mul3A_55 = vector.broadcast %slice3A_54 : vector<1x128xf32> to vector<1000x128xf32>
    %mul3A_56 = arith.mulf %mul3A_55, %get3A_13 : vector<1000x128xf32>
    %add3A_57 = arith.addf %slice3A_43, %mul3A_56 : vector<1000x128xf32>
    %logistic3A_58 = arith.negf %add3A_57 : vector<1000x128xf32>
    %logistic3A_59 = math.exp %logistic3A_58 : vector<1000x128xf32>
    %logistic3A_60 = arith.constant 1.000000e+00 : f32
    %logistic3A_61 = vector.broadcast %logistic3A_60 : f32 to vector<1000x128xf32>
    %logistic3A_62 = arith.addf %logistic3A_61, %logistic3A_59 : vector<1000x128xf32>
    %logistic3A_63 = arith.divf %logistic3A_61, %logistic3A_62 : vector<1000x128xf32>
    %tanh3A = math.tanh %slice3A_44 : vector<1000x128xf32>
    %mul3A_64 = arith.mulf %logistic3A_63, %get3A_13 : vector<1000x128xf32>
    %mul3A_65 = arith.mulf %logistic3A_53, %tanh3A : vector<1000x128xf32>
    %add3A_66 = arith.addf %mul3A_64, %mul3A_65 : vector<1000x128xf32>
    %slice3A_67 = vector.extract_strided_slice %get3A_42 {offsets = [2, 0], sizes = [1, 128], strides = [1, 1]} : vector<3x128xf32> to vector<1x128xf32>
    %mul3A_68 = vector.broadcast %slice3A_67 : vector<1x128xf32> to vector<1000x128xf32>
    %mul3A_69 = arith.mulf %mul3A_68, %add3A_66 : vector<1000x128xf32>
    %add3A_70 = arith.addf %slice3A_45, %mul3A_69 : vector<1000x128xf32>
    %logistic3A_71 = arith.negf %add3A_70 : vector<1000x128xf32>
    %logistic3A_72 = math.exp %logistic3A_71 : vector<1000x128xf32>
    %logistic3A_73 = arith.constant 1.000000e+00 : f32
    %logistic3A_74 = vector.broadcast %logistic3A_73 : f32 to vector<1000x128xf32>
    %logistic3A_75 = arith.addf %logistic3A_74, %logistic3A_72 : vector<1000x128xf32>
    %logistic3A_76 = arith.divf %logistic3A_74, %logistic3A_75 : vector<1000x128xf32>
    %tanh3A_77 = math.tanh %add3A_66 : vector<1000x128xf32>
    %mul3A_78 = arith.mulf %logistic3A_76, %tanh3A_77 : vector<1000x128xf32>
    %get3A_79 = arith.constant 0 : index
    %get3A_80 = arith.constant 0 : index
    %get3A_81 = vector.load %arg12[%get3A_79, %get3A_80] : memref<6x128xf32, #tpu.memory_space<vmem>>, vector<6x128xf32>
    %slice3A_82 = vector.extract_strided_slice %get3A_81 {offsets = [0, 0], sizes = [1, 128], strides = [1, 1]} : vector<6x128xf32> to vector<1x128xf32>
    %slice3A_83 = vector.extract_strided_slice %get3A_81 {offsets = [1, 0], sizes = [1, 128], strides = [1, 1]} : vector<6x128xf32> to vector<1x128xf32>
    %reduce_sum3A = arith.constant dense<0.000000e+00> : vector<1000xf32>
    %reduce_sum3A_84 = vector.multi_reduction <add>, %mul3A_78, %reduce_sum3A [1] : vector<1000x128xf32> to vector<1000xf32>
    %broadcast_in_dim3A = vector.shape_cast %reduce_sum3A_84 : vector<1000xf32> to vector<1000x1xf32>
    %div3A = arith.constant 1.280000e+02 : f32
    %div3A_85 = vector.broadcast %div3A : f32 to vector<1000x1xf32>
    %div3A_86 = arith.divf %broadcast_in_dim3A, %div3A_85 : vector<1000x1xf32>
    %sub3A = vector.broadcast %div3A_86 : vector<1000x1xf32> to vector<1000x128xf32>
    %sub3A_87 = arith.subf %mul3A_78, %sub3A : vector<1000x128xf32>
    %mul3A_88 = arith.mulf %sub3A_87, %sub3A_87 : vector<1000x128xf32>
    %reduce_sum3A_89 = arith.constant dense<0.000000e+00> : vector<1000xf32>
    %reduce_sum3A_90 = vector.multi_reduction <add>, %mul3A_88, %reduce_sum3A_89 [1] : vector<1000x128xf32> to vector<1000xf32>
    %broadcast_in_dim3A_91 = vector.shape_cast %reduce_sum3A_90 : vector<1000xf32> to vector<1000x1xf32>
    %div3A_92 = arith.constant 1.280000e+02 : f32
    %div3A_93 = vector.broadcast %div3A_92 : f32 to vector<1000x1xf32>
    %div3A_94 = arith.divf %broadcast_in_dim3A_91, %div3A_93 : vector<1000x1xf32>
    %add3A_95 = arith.constant 9.99999974E-6 : f32
    %add3A_96 = vector.broadcast %add3A_95 : f32 to vector<1000x1xf32>
    %add3A_97 = arith.addf %div3A_94, %add3A_96 : vector<1000x1xf32>
    %rsqrt3A = math.rsqrt %add3A_97 : vector<1000x1xf32>
    %mul3A_98 = vector.broadcast %rsqrt3A : vector<1000x1xf32> to vector<1000x128xf32>
    %mul3A_99 = arith.mulf %sub3A_87, %mul3A_98 : vector<1000x128xf32>
    %mul3A_100 = vector.broadcast %slice3A_82 : vector<1x128xf32> to vector<1000x128xf32>
    %mul3A_101 = arith.mulf %mul3A_99, %mul3A_100 : vector<1000x128xf32>
    %add3A_102 = vector.broadcast %slice3A_83 : vector<1x128xf32> to vector<1000x128xf32>
    %add3A_103 = arith.addf %mul3A_101, %add3A_102 : vector<1000x128xf32>
    %swap3A = arith.constant 0 : index
    %swap3A_104 = arith.constant 0 : index
    %swap3A_105 = vector.load %arg16[%swap3A, %swap3A_104] : memref<1000x128xf32, #tpu.memory_space<vmem>>, vector<1000x128xf32>
    tpu.vector_store %arg16[%swap3A, %swap3A_104], %add3A_103 {strides = array<i32>} : memref<1000x128xf32, #tpu.memory_space<vmem>>, vector<1000x128xf32>,
    %slice3A_106 = vector.extract_strided_slice %get3A_81 {offsets = [2, 0], sizes = [1, 128], strides = [1, 1]} : vector<6x128xf32> to vector<1x128xf32>
    %slice3A_107 = vector.extract_strided_slice %get3A_81 {offsets = [3, 0], sizes = [1, 128], strides = [1, 1]} : vector<6x128xf32> to vector<1x128xf32>
    %reduce_sum3A_108 = arith.constant dense<0.000000e+00> : vector<1000xf32>
    %reduce_sum3A_109 = vector.multi_reduction <add>, %add3A_66, %reduce_sum3A_108 [1] : vector<1000x128xf32> to vector<1000xf32>
    %broadcast_in_dim3A_110 = vector.shape_cast %reduce_sum3A_109 : vector<1000xf32> to vector<1000x1xf32>
    %div3A_111 = arith.constant 1.280000e+02 : f32
    %div3A_112 = vector.broadcast %div3A_111 : f32 to vector<1000x1xf32>
    %div3A_113 = arith.divf %broadcast_in_dim3A_110, %div3A_112 : vector<1000x1xf32>
    %sub3A_114 = vector.broadcast %div3A_113 : vector<1000x1xf32> to vector<1000x128xf32>
    %sub3A_115 = arith.subf %add3A_66, %sub3A_114 : vector<1000x128xf32>
    %mul3A_116 = arith.mulf %sub3A_115, %sub3A_115 : vector<1000x128xf32>
    %reduce_sum3A_117 = arith.constant dense<0.000000e+00> : vector<1000xf32>
    %reduce_sum3A_118 = vector.multi_reduction <add>, %mul3A_116, %reduce_sum3A_117 [1] : vector<1000x128xf32> to vector<1000xf32>
    %broadcast_in_dim3A_119 = vector.shape_cast %reduce_sum3A_118 : vector<1000xf32> to vector<1000x1xf32>
    %div3A_120 = arith.constant 1.280000e+02 : f32
    %div3A_121 = vector.broadcast %div3A_120 : f32 to vector<1000x1xf32>
    %div3A_122 = arith.divf %broadcast_in_dim3A_119, %div3A_121 : vector<1000x1xf32>
    %add3A_123 = arith.constant 9.99999974E-6 : f32
    %add3A_124 = vector.broadcast %add3A_123 : f32 to vector<1000x1xf32>
    %add3A_125 = arith.addf %div3A_122, %add3A_124 : vector<1000x1xf32>
    %rsqrt3A_126 = math.rsqrt %add3A_125 : vector<1000x1xf32>
    %mul3A_127 = vector.broadcast %rsqrt3A_126 : vector<1000x1xf32> to vector<1000x128xf32>
    %mul3A_128 = arith.mulf %sub3A_115, %mul3A_127 : vector<1000x128xf32>
    %mul3A_129 = vector.broadcast %slice3A_106 : vector<1x128xf32> to vector<1000x128xf32>
    %mul3A_130 = arith.mulf %mul3A_128, %mul3A_129 : vector<1000x128xf32>
    %add3A_131 = vector.broadcast %slice3A_107 : vector<1x128xf32> to vector<1000x128xf32>
    %add3A_132 = arith.addf %mul3A_130, %add3A_131 : vector<1000x128xf32>
    %swap3A_133 = arith.constant 0 : index
    %swap3A_134 = arith.constant 0 : index
    %swap3A_135 = vector.load %arg17[%swap3A_133, %swap3A_134] : memref<1000x128xf32, #tpu.memory_space<vmem>>, vector<1000x128xf32>
    tpu.vector_store %arg17[%swap3A_133, %swap3A_134], %add3A_132 {strides = array<i32>} : memref<1000x128xf32, #tpu.memory_space<vmem>>, vector<1000x128xf32>,
    %max3A = arith.constant 0.000000e+00 : f32
    %max3A_136 = vector.broadcast %max3A : f32 to vector<1000x128xf32>
    %max3A_137 = arith.maximumf %mul3A_78, %max3A_136 : vector<1000x128xf32>
    %slice3A_138 = vector.extract_strided_slice %get3A_81 {offsets = [4, 0], sizes = [1, 128], strides = [1, 1]} : vector<6x128xf32> to vector<1x128xf32>
    %slice3A_139 = vector.extract_strided_slice %get3A_81 {offsets = [5, 0], sizes = [1, 128], strides = [1, 1]} : vector<6x128xf32> to vector<1x128xf32>
    %reduce_sum3A_140 = arith.constant dense<0.000000e+00> : vector<1000xf32>
    %reduce_sum3A_141 = vector.multi_reduction <add>, %max3A_137, %reduce_sum3A_140 [1] : vector<1000x128xf32> to vector<1000xf32>
    %broadcast_in_dim3A_142 = vector.shape_cast %reduce_sum3A_141 : vector<1000xf32> to vector<1000x1xf32>
    %div3A_143 = arith.constant 1.280000e+02 : f32
    %div3A_144 = vector.broadcast %div3A_143 : f32 to vector<1000x1xf32>
    %div3A_145 = arith.divf %broadcast_in_dim3A_142, %div3A_144 : vector<1000x1xf32>
    %sub3A_146 = vector.broadcast %div3A_145 : vector<1000x1xf32> to vector<1000x128xf32>
    %sub3A_147 = arith.subf %max3A_137, %sub3A_146 : vector<1000x128xf32>
    %mul3A_148 = arith.mulf %sub3A_147, %sub3A_147 : vector<1000x128xf32>
    %reduce_sum3A_149 = arith.constant dense<0.000000e+00> : vector<1000xf32>
    %reduce_sum3A_150 = vector.multi_reduction <add>, %mul3A_148, %reduce_sum3A_149 [1] : vector<1000x128xf32> to vector<1000xf32>
    %broadcast_in_dim3A_151 = vector.shape_cast %reduce_sum3A_150 : vector<1000xf32> to vector<1000x1xf32>
    %div3A_152 = arith.constant 1.280000e+02 : f32
    %div3A_153 = vector.broadcast %div3A_152 : f32 to vector<1000x1xf32>
    %div3A_154 = arith.divf %broadcast_in_dim3A_151, %div3A_153 : vector<1000x1xf32>
    %add3A_155 = arith.constant 9.99999974E-6 : f32
    %add3A_156 = vector.broadcast %add3A_155 : f32 to vector<1000x1xf32>
    %add3A_157 = arith.addf %div3A_154, %add3A_156 : vector<1000x1xf32>
    %rsqrt3A_158 = math.rsqrt %add3A_157 : vector<1000x1xf32>
    %mul3A_159 = vector.broadcast %rsqrt3A_158 : vector<1000x1xf32> to vector<1000x128xf32>
    %mul3A_160 = arith.mulf %sub3A_147, %mul3A_159 : vector<1000x128xf32>
    %mul3A_161 = vector.broadcast %slice3A_138 : vector<1x128xf32> to vector<1000x128xf32>
    %mul3A_162 = arith.mulf %mul3A_160, %mul3A_161 : vector<1000x128xf32>
    %add3A_163 = vector.broadcast %slice3A_139 : vector<1x128xf32> to vector<1000x128xf32>
    %add3A_164 = arith.addf %mul3A_162, %add3A_163 : vector<1000x128xf32>
    %max3A_165 = arith.constant 0.000000e+00 : f32
    %max3A_166 = vector.broadcast %max3A_165 : f32 to vector<1000x128xf32>
    %max3A_167 = arith.maximumf %add3A_164, %max3A_166 : vector<1000x128xf32>
    %get3A_168 = arith.constant 0 : index
    %get3A_169 = arith.constant 0 : index
    %get3A_170 = vector.load %arg13[%get3A_168, %get3A_169] : memref<128x128xf32, #tpu.memory_space<vmem>>, vector<128x128xf32>
    %dot_general3A_171 = arith.constant dense<0.000000e+00> : vector<1000x128xf32>
    %dot_general3A_172 = tpu.matmul %max3A_167, %get3A_170, %dot_general3A_171 {dimension_numbers = #tpu.dot_dimension_numbers<[1], [0], [0], [1], [0, 0, 1, 1], [], []>, transpose_lhs_hint = false} : vector<1000x128xf32>, vector<128x128xf32>, vector<1000x128xf32> -> vector<1000x128xf32>
    %get3A_173 = arith.constant 0 : index
    %get3A_174 = arith.constant 0 : index
    %get3A_175 = vector.load %arg14[%get3A_173, %get3A_174] : memref<1x128xf32, #tpu.memory_space<vmem>>, vector<1x128xf32>
    %add3A_176 = vector.broadcast %get3A_175 : vector<1x128xf32> to vector<1000x128xf32>
    %add3A_177 = arith.addf %dot_general3A_172, %add3A_176 : vector<1000x128xf32>
    %logistic3A_178 = arith.negf %add3A_177 : vector<1000x128xf32>
    %logistic3A_179 = math.exp %logistic3A_178 : vector<1000x128xf32>
    %logistic3A_180 = arith.constant 1.000000e+00 : f32
    %logistic3A_181 = vector.broadcast %logistic3A_180 : f32 to vector<1000x128xf32>
    %logistic3A_182 = arith.addf %logistic3A_181, %logistic3A_179 : vector<1000x128xf32>
    %logistic3A_183 = arith.divf %logistic3A_181, %logistic3A_182 : vector<1000x128xf32>
    %swap3A_184 = arith.constant 0 : index
    %swap3A_185 = arith.constant 0 : index
    %swap3A_186 = vector.load %arg15[%swap3A_184, %swap3A_185] : memref<1000x128xf32, #tpu.memory_space<vmem>>, vector<1000x128xf32>
    tpu.vector_store %arg15[%swap3A_184, %swap3A_185], %logistic3A_183 {strides = array<i32>} : memref<1000x128xf32, #tpu.memory_space<vmem>>, vector<1000x128xf32>,
    return
  }
  func.func @transform_0(%arg0: i32) -> (i32, i32) {
    %c0_i32 = arith.constant 0 : i32
    %c0_i32_0 = arith.constant 0 : i32
    return %arg0, %c0_i32 : i32, i32
  }
  func.func @transform_1(%arg0: i32) -> (i32, i32) {
    %c0_i32 = arith.constant 0 : i32
    %c0_i32_0 = arith.constant 0 : i32
    return %arg0, %c0_i32 : i32, i32
  }
  func.func @transform_2(%arg0: i32) -> (i32, i32) {
    %c0_i32 = arith.constant 0 : i32
    %c0_i32_0 = arith.constant 0 : i32
    return %arg0, %c0_i32 : i32, i32
  }
  func.func @transform_3(%arg0: i32) -> (i32, i32) {
    %c0_i32 = arith.constant 0 : i32
    %c0_i32_0 = arith.constant 0 : i32
    return %arg0, %c0_i32 : i32, i32
  }
  func.func @transform_4(%arg0: i32) -> (i32, i32) {
    %c0_i32 = arith.constant 0 : i32
    %c0_i32_0 = arith.constant 0 : i32
    return %arg0, %c0_i32 : i32, i32
  }
  func.func @transform_5(%arg0: i32) -> (i32, i32) {
    %c0_i32 = arith.constant 0 : i32
    %c0_i32_0 = arith.constant 0 : i32
    %c0_i32_1 = arith.constant 0 : i32
    return %c0_i32, %c0_i32_0 : i32, i32
  }
  func.func @transform_6(%arg0: i32) -> (i32, i32) {
    %c0_i32 = arith.constant 0 : i32
    %c0_i32_0 = arith.constant 0 : i32
    %c0_i32_1 = arith.constant 0 : i32
    return %c0_i32, %c0_i32_0 : i32, i32
  }
  func.func @transform_7(%arg0: i32) -> (i32, i32) {
    %c0_i32 = arith.constant 0 : i32
    %c0_i32_0 = arith.constant 0 : i32
    %c0_i32_1 = arith.constant 0 : i32
    return %c0_i32, %c0_i32_0 : i32, i32
  }
  func.func @transform_8(%arg0: i32) -> (i32, i32) {
    %c0_i32 = arith.constant 0 : i32
    %c0_i32_0 = arith.constant 0 : i32
    %c0_i32_1 = arith.constant 0 : i32
    return %c0_i32, %c0_i32_0 : i32, i32
  }
  func.func @transform_9(%arg0: i32) -> (i32, i32) {
    %c0_i32 = arith.constant 0 : i32
    %c0_i32_0 = arith.constant 0 : i32
    %c0_i32_1 = arith.constant 0 : i32
    return %c0_i32, %c0_i32_0 : i32, i32
  }
  func.func @transform_10(%arg0: i32) -> (i32, i32) {
    %c0_i32 = arith.constant 0 : i32
    %c0_i32_0 = arith.constant 0 : i32
    %c0_i32_1 = arith.constant 0 : i32
    return %c0_i32, %c0_i32_0 : i32, i32
  }
  func.func @transform_11(%arg0: i32) -> (i32, i32) {
    %c0_i32 = arith.constant 0 : i32
    %c0_i32_0 = arith.constant 0 : i32
    %c0_i32_1 = arith.constant 0 : i32
    return %c0_i32, %c0_i32_0 : i32, i32
  }
  func.func @transform_12(%arg0: i32) -> (i32, i32) {
    %c0_i32 = arith.constant 0 : i32
    %c0_i32_0 = arith.constant 0 : i32
    %c0_i32_1 = arith.constant 0 : i32
    return %c0_i32, %c0_i32_0 : i32, i32
  }
  func.func @transform_13(%arg0: i32) -> (i32, i32) {
    %c0_i32 = arith.constant 0 : i32
    %c0_i32_0 = arith.constant 0 : i32
    %c0_i32_1 = arith.constant 0 : i32
    return %c0_i32, %c0_i32_0 : i32, i32
  }
  func.func @transform_14(%arg0: i32) -> (i32, i32) {
    %c0_i32 = arith.constant 0 : i32
    %c0_i32_0 = arith.constant 0 : i32
    return %arg0, %c0_i32 : i32, i32
  }
  func.func @transform_15(%arg0: i32) -> (i32, i32) {
    %c0_i32 = arith.constant 0 : i32
    %c0_i32_0 = arith.constant 0 : i32
    return %arg0, %c0_i32 : i32, i32
  }
  func.func @transform_16(%arg0: i32) -> (i32, i32) {
    %c0_i32 = arith.constant 0 : i32
    %c0_i32_0 = arith.constant 0 : i32
    return %arg0, %c0_i32 : i32, i32
  }
}

</mosaic_0001>

<sc_bundles>
// kernel: kernel.5.cloned.1.call-start
scs
__scs_entry_jumppad:
0x0: {  	(pc) =	sbr.rel $0x88, $3  }
0x1: {  	(tag) =	ssettag $0x0;
	lr =	simm.s32 $0x1  }
0x2: {  	[smem:$0x3F8E] =	sst lr;
	_ =	strace $0xD0000000  }
0x3: {  	_ = 	snop  }
0x4: {  	_ = 	snop  }
0x5: {  	_ = 	snop  }
0x6: {  	_ = 	snop  }
0x7: {  	_ = 	snop  }
__scs_overlays_trampoline_lowered:
0x8: {  	[smem:$0x3F9D] =	sst s0  }
0x9: {  	[smem:$0x3F9E] =	sst s1  }
0xa: {  	[smem:$0x3F9F] =	sst s2  }
0xb: {  	[smem:$0x3FA0] =	sst s3  }
0xc: {  	[smem:$0x3FA1] =	sst s4  }
0xd: {  	[smem:$0x3FA2] =	sst s5  }
0xe: {  	[smem:$0x3FA3] =	sst s6  }
0xf: {  	[smem:$0x3FA4] =	sst s7  }
0x10: {  	[smem:$0x3FA5] =	sst s8  }
0x11: {  	[smem:$0x3FA6] =	sst s9;
	s0 =	simm.s32 @!p0 $0x0  }
0x12: {  	s1 =	sld [smem:$0x3F8C];
	s0 =	simm.s32 @p0 $0x1  }
0x13: {  	[smem:$0x3FA7] =	sst s0;
	s0 =	simm.s32 @!p1 $0x0  }
0x14: {  	s2 =	sld [smem:$0x3F8B];
	s0 =	simm.s32 @p1 $0x1  }
0x15: {  	[smem:$0x3FA8] =	sst s0;
	s0 =	simm.s32 @!p2 $0x0  }
0x16: {  	s3 =	sld [smem:$0x3FDB];
	s0 =	simm.s32 @p2 $0x1  }
0x17: {  	s4 =	simm.s32 $0x1BF5;
	[smem:$0x3FAA] =	sst s0  }
0x18: {  	s0 =	sld [smem:$0x3F8D];
	_ =	swait.ge [sflag:s4], $0x0  }
0x19: {  	s7 =	sld [smem:$0x3F8E]  }
0x1a: {  	s8 =	sadd.s32 $0xFFFFE003, lr  }
0x1b: {  	s9 =	sadd.s32 $0xFFFFFEF7, lr;
	s5 =	simm.s32 $0xFFFFFFFF;
	p2 =	slt.u32 s8, $0xFFFFF086  }
0x1c: {  	p1 =	slt.u32 s9, $0xF7A;
	s5 =	simm.s32 @!p2 $0x0  }
0x1d: {  	s5 =	simm.s32 @p1 $0x1;
	p0 =	seq.s32 s7, s2  }
0x1e: {  	s7 =	smul.u32 @!p0 $0xF7A, s2;
	p2 =	seq.s32 @!p0 s5, $0x0  }
0x1f: {  	s9 =	smul.u32 $0xF7A, s1;
	s8 =	simm.s32 @!p0 $0x1BF5;
	p2 =	por !p2, p0  }
0x20: {  	[sflag:s8] =	ssyncset.s32 @!p0 $0xFFFFF086;
	s6 =	sadd.s32 @!p0 s3, s7;
	s7 =	simm.s32 @!p0 $0x108  }
0x21: {  	s3 =	sadd.s32 s3, s9;
	s6 =	sadd.s32 @!p0 $0x88, s6;
	s7 =	simm.s32 @p2 $0x1082  }
0x22: {  	[simem:s7], [sflag:s8] =	dma.local @!p0 [hbm:s6], $0xF7A  }
0x23: {  	s9 =	sor.u32 $0xD0000000, s2;
	s6 =	simm.s32 $0x108;
	_ =	swait.ge @!p0 [sflag:s8], $0x0  }
0x24: {  	s3 =	sadd.s32 $0x88, s3;
	s6 =	simm.s32 @!p1 $0x1082;
	[sflag:s4] =	ssyncset.s32 $0xFFFFF086  }
0x25: {  	[simem:s6], [sflag:s4] =	dma.local [hbm:s3], $0xF7A  }
0x26: {  	[smem:$0x3F8E] =	sst s1;
	(tag) =	ssettag s2;
	_ =	strace s9  }
0x27: {  	s1 =	sld [smem:$0x3F9E]  }
0x28: {  	s2 =	sld [smem:$0x3F9F]  }
0x29: {  	s4 =	sld [smem:$0x3FA1]  }
0x2a: {  	p0 =	seq.s32 s5, $0x0;
	s5 =	sld [smem:$0x3FA2]  }
0x2b: {  	s6 =	sld [smem:$0x3FA3]  }
0x2c: {  	s7 =	sld [smem:$0x3FA4]  }
0x2d: {  	s3 =	simm.s32 $0x108;
	s8 =	sld [smem:$0x3FA5]  }
0x2e: {  	s3 =	simm.s32 @!p0 $0x1082;
	s9 =	sld [smem:$0x3FA6]  }
0x2f: {  	lr =	sadd.s32 s0, s3;
	s0 =	sld [smem:$0x3F9D]  }
0x30: {  	s3 =	sld [smem:$0x3FA0]  }
0x31: {  	[smem:$0x3FA9] =	sst s10  }
0x32: {  	s10 =	sld [smem:$0x3FA7];
	_ =	sdelay $0x3  }
0x33: {  	p0 =	seq.s32 s10, $0x1;
	s10 =	sld [smem:$0x3FA9];
	_ =	sdelay $0x3  }
0x34: {  	[smem:$0x3FA9] =	sst s10  }
0x35: {  	s10 =	sld [smem:$0x3FA8];
	_ =	sdelay $0x3  }
0x36: {  	p1 =	seq.s32 s10, $0x1;
	s10 =	sld [smem:$0x3FA9];
	_ =	sdelay $0x3  }
0x37: {  	[smem:$0x3FA9] =	sst s10  }
0x38: {  	s10 =	sld [smem:$0x3FAA]  }
0x39: {  	_ = 	snop;
	(pc) =	sbr.ind lr, $3  }
0x3a: {  	_ = 	snop  }
0x3b: {  	_ = 	snop  }
0x3c: {  	p2 =	seq.s32 s10, $0x1;
	s10 =	sld [smem:$0x3FA9]  }
0x3d: {  	_ =	shalt  }
0x3e: {  	_ =	shalt  }
0x3f: {  	_ =	shalt  }
0x40: {  	_ =	shalt  }
0x41: {  	_ =	shalt  }
0x42: {  	_ =	shalt  }
0x43: {  	_ =	shalt  }
0x44: {  	_ =	shalt  }
0x45: {  	_ =	shalt  }
0x46: {  	_ =	shalt  }
0x47: {  	_ =	shalt  }
0x48: {  	_ =	shalt  }
0x49: {  	_ =	shalt  }
0x4a: {  	_ =	shalt  }
0x4b: {  	_ =	shalt  }
0x4c: {  	_ =	shalt  }
0x4d: {  	_ =	shalt  }
0x4e: {  	_ =	shalt  }
0x4f: {  	_ =	shalt  }
0x50: {  	_ =	shalt  }
0x51: {  	_ =	shalt  }
0x52: {  	_ =	shalt  }
0x53: {  	_ =	shalt  }
0x54: {  	_ =	shalt  }
0x55: {  	_ =	shalt  }
0x56: {  	_ =	shalt  }
0x57: {  	_ =	shalt  }
0x58: {  	_ =	shalt  }
0x59: {  	_ =	shalt  }
0x5a: {  	_ =	shalt  }
0x5b: {  	_ =	shalt  }
0x5c: {  	_ =	shalt  }
0x5d: {  	_ =	shalt  }
0x5e: {  	_ =	shalt  }
0x5f: {  	_ =	shalt  }
0x60: {  	_ =	shalt  }
0x61: {  	_ =	shalt  }
0x62: {  	_ =	shalt  }
0x63: {  	_ =	shalt  }
0x64: {  	_ =	shalt  }
0x65: {  	_ =	shalt  }
0x66: {  	_ =	shalt  }
0x67: {  	_ =	shalt  }
0x68: {  	_ =	shalt  }
0x69: {  	_ =	shalt  }
0x6a: {  	_ =	shalt  }
0x6b: {  	_ =	shalt  }
0x6c: {  	_ =	shalt  }
0x6d: {  	_ =	shalt  }
0x6e: {  	_ =	shalt  }
0x6f: {  	_ =	shalt  }
0x70: {  	_ =	shalt  }
0x71: {  	_ =	shalt  }
0x72: {  	_ =	shalt  }
0x73: {  	_ =	shalt  }
0x74: {  	_ =	shalt  }
0x75: {  	_ =	shalt  }
0x76: {  	_ =	shalt  }
0x77: {  	_ =	shalt  }
0x78: {  	_ =	shalt  }
0x79: {  	_ =	shalt  }
0x7a: {  	_ =	shalt  }
0x7b: {  	_ =	shalt  }
0x7c: {  	_ =	shalt  }
0x7d: {  	_ =	shalt  }
0x7e: {  	_ =	shalt  }
0x7f: {  	_ =	shalt  }
0x80: {  	_ =	shalt  }
0x81: {  	_ =	shalt  }
0x82: {  	_ =	shalt  }
0x83: {  	_ =	shalt  }
0x84: {  	_ =	shalt  }
0x85: {  	_ =	shalt  }
0x86: {  	_ =	shalt  }
0x87: {  	_ =	shalt  }
.Lfunc_end0:
.L_simem_size_0:
called_computation_lowered:
.L_overlay_start_0:
0x88: {  	s2 =	sld [smem:$0x3FD9]  }
0x89: {  	s3 =	sld [smem:$0x3FFE];
	_ =	sdelay $0x1  }
0x8a: {  	s1 =	srdreg.scid  }
0x8b: {  	s0 =	sand.u32 $0x1, s1  }
0x8c: {  	s14 =	sshll.u32 s0, $0xA;
	s2 =	sadd.s32 s3, s2  }
0x8d: {  	s2 =	sadd.s32 s2, s14  }
0x8e: {  	[smem:$0x3FB5] =	sst s2  }
0x8f: {  	_ = 	snop  }
0x90: {  	s2 =	sld [smem:$0x3FD0];
	_ =	sdelay $0x2  }
0x91: {  	s15 =	simm.s32 $0xA;
	s4 =	simm.s32 $0x10  }
0x92: {  	[smem:s4], [sflag:s15] =	dma.local [hbm:s2], $0x1  }
0x93: {  	_ =	swait.eq [sflag:s15], $0x1  }
0x94: {  	[sflag:s15] =	ssyncset.done $0x0  }
0x95: {  	s16 =	sld [smem:$0x11];
	[sflag:s15] =	ssyncadd.s32 $0xFFFFFFFF  }
0x96: {  	s17 =	sld [smem:$0x12];
	(tm) =	ssettm $0x1  }
0x97: {  	s18 =	sld [smem:$0x3FFB];
	_ =	sdelay $0x3  }
0x98: {  	_ =	strace s18  }
0x99: {  	s4 =	sld [smem:$0x3FFC];
	_ =	sdelay $0x3  }
0x9a: {  	_ =	strace s4  }
0x9b: {  	s4 =	sld [smem:$0x3FFD];
	_ =	sdelay $0x3  }
0x9c: {  	_ =	strace s4  }
0x9d: {  	_ =	strace $0x8FFFFFFF  }
0x9e: {  	s19 =	sld [smem:$0x3FDB];
	_ =	sdelay $0x1  }
0x9f: {  	s5 =	simm.s32 $_scs_section_size  }
0xa0: {  	s6 =	simm.s32 $_size__tile_overlayer_lowered;
	s7 =	simm.s32 $_tile_overlayer_lowered  }
0xa1: {  	s22 =	simm.s32 $0x1BFF;
	s21 =	sshll.u32 s7, $0x1;
	s4 =	sadd.s32 s5, s19  }
0xa2: {  	s8 =	simm.s32 $0x0;
	s20 =	sshll.u32 s6, $0x1;
	s6 =	sadd.s32 s21, s4  }
0xa3: {  	[timem:s8], [sflag:s22] =	dma.local [hbm:s6], s20  }
0xa4: {  	_ =	swait.ge [sflag:s22], s20  }
0xa5: {  	s5 =	ssub.s32 $0x0, s20;
	[sflag:s22] =	ssyncset.done $0x0  }
0xa6: {  	[sflag:s22] =	ssyncadd.s32 s5;
	_ =	sdelay $0x1  }
0xa7: {  	s23 =	simm.s32 $0x1B8B  }
0xa8: {  	_ =	swait.ge [sflag:s23], $0x1  }
0xa9: {  	[sflag:s23] =	ssyncset.done $0x0  }
0xaa: {  	s25 =	simm.s32 $0x1B8E;
	s24 =	sld [smem:$0x3FFE];
	[sflag:s23] =	ssyncadd.s32 $0xFFFFFFFF  }
0xab: {  	s26 =	simm.s32 $execute0_lowered;
	[smem:$0x3FD2] =	sst s25  }
0xac: {  	s6 =	sshll.u32 s26, $0x1;
	_ =	strace $0x80000046;
	[dreg:$0x1] =	wrdreg $0xFFFFFFFF  }
0xad: {  	s28 =	simm.s32 $_size_execute0_lowered;
	s4 =	sadd.s32 s4, s6;
	[dreg:$0x0] =	wrdreg $0x0  }
0xae: {  	s6 =	sshll.u32 s28, $0x1;
	[dreg:$0x2] =	wrdreg s4  }
0xaf: {  	[dreg:$0x3] =	wrdreg s6  }
0xb0: {  	[dreg:$0x4] =	wrdreg $0xC0  }
0xb1: {  	_ =	task [dreg:s8], $0x5FFFF  }
0xb2: {  	[dreg:$0x1] =	wrdreg $0xFFFFFFFF  }
0xb3: {  	[dreg:$0x0] =	wrdreg $0x60  }
0xb4: {  	[dreg:$0x2] =	wrdreg s16  }
0xb5: {  	[dreg:$0x3] =	wrdreg s17  }
0xb6: {  	[dreg:$0x4] =	wrdreg s24  }
0xb7: {  	[dreg:$0x5] =	wrdreg $0x62800  }
0xb8: {  	[dreg:$0x6] =	wrdreg $0x8A800  }
0xb9: {  	[dreg:$0x7] =	wrdreg $0x9  }
0xba: {  	_ =	task.clear_ibuf [dreg:s8], $0x8FFFF;
	_ =	strace $0x90000046  }
0xbb: {  	s29 =	simm.s32 $0x9;
	_ =	strace $0x80000048  }
0xbc: {  	_ =	swait.ge [sflag:s29], $0x1  }
0xbd: {  	[sflag:s29] =	ssyncadd.s32 $0xFFFFFFFF  }
0xbe: {  	_ =	strace $0x90000048  }
0xbf: {  	_ =	sfence  }
0xc0: {  	s30 =	sld [smem:$0x0];
	_ =	sdelay $0x2  }
0xc1: {  	s31 =	sshll.u32 s1, $0xD;
	s1 =	sshrl.u32 s1, $0x2  }
0xc2: {  	s3 =	sand.u32 $0x4000, s31;
	s1 =	sadd.s32 s1, s30  }
0xc3: {  	s0 =	sor.u32 s3, s0;
	s1 =	sshll.u32 s1, $0x11  }
0xc4: {  	s0 =	sor.u32 s1, s0  }
0xc5: {  	s0 =	sadd.s32 $0x8F2B, s0  }
0xc6: {  	[sflag:s0] =	ssyncadd.remote.s32 $0x1  }
0xc7: {  	_ =	sfence.sel $0xFFFF  }
0xc8: {  	[dreg:$0x0] =	wrdreg $0xFFFFFFFF;
	(pc) =	sbr.abs _section_cstart, $3  }
0xc9: {  	[dreg:$0x1] =	wrdreg $0xFFFFFFFF  }
0xca: {  	_ =	task.clear_ibuf [dreg:s8], $0x2FFFF;
	_ =	strace $0x9FFFFFFF  }
0xcb: {  	(tm) =	ssettm $0x7FFFFFFF  }
tec
execute0_lowered:
.L_overlay_start_1:
0x0: {  	(tag) =	ssettag $0x1  }
0x1: {  	s1 =	rddreg [dreg:$0x0]  }
0x2: {  	s2 =	rddreg [dreg:$0x1]  }
0x3: {  	s0 =	rddreg [dreg:$0x2]  }
0x4: {  	s3 =	rddreg [dreg:$0x3]  }
0x5: {  	s4 =	rddreg [dreg:$0x4];
	s6 =	simm.s32 $0x0;
	s5 =	srdreg.scid  }
0x6: {  	s15 =	simm.s32 $0xC00;
	s16 =	simm.s32 $0x1;
	s17 =	simm.s32 $0x1800  }
0x7: {  	s18 =	simm.s32 $0x3000;
	s19 =	simm.s32 $0x80;
	s20 =	simm.s32 $0x400  }
0x8: {  	s21 =	simm.s32 $0x14000;
	s22 =	simm.s32 $0x5800;
	s23 =	simm.s32 $0x6000  }
0x9: {  	s24 =	simm.s32 $0x2400;
	s7 =	sand.u32 $0x1, s5;
	s5 =	stileid.u32  }
0xa: {  	s25 =	simm.s32 $0x0;
	[smem:$0x7FF] =	sst s6;
	s9 =	sshrl.u32 s5, $0x3  }
0xb: {  	s8 =	sadd.s32 $0x3800, s0;
	_ =	strace $0x80000047;
	s12 =	smul.u32 $0x50000, s9  }
0xc: {  	s10 =	ssub.s32 $0x2, s7;
	s31 =	smul.u32 $0xA00, s5;
	s13 =	sshll.u32 s5, $0x7  }
0xd: {  	s11 =	sshrl.u32 s10, $0x1;
	s9 =	sadd.s32 $0x1B800, s0;
	s12 =	sshrl.u32 s12, $0x2  }
0xe: {  	s13 =	sand.u32 $0x380, s13;
	s30 =	ssub.s32 s10, s11;
	s12 =	sadd.s32 s12, s3  }
0xf: {  	s10 =	smul.u32 $0xC000, s5;
	s14 =	sshrl.u32 s31, $0x2;
	s11 =	sadd.s32 s13, s12  }
0x10: {  	v0 =	vimm.f32 $0.0e+00;
	s12 =	smul.u32 $0x280, s5;
	s13 =	sadd.s32 s14, s4;
	s14 =	smax.u32 s30, $0x1  }
.LBB2_1:
0x11: {  	s0 =	simm.s32 $0x40;
	s26 =	simm.s32 $0x0  }
.LBB2_2:
0x12: {  	p0 =	sne.s32 s0, $0x9FC0;
	[tilespmem:s26+$0x3000] =	vst v0;
	s26 =	smov.u32 s0;
	s0 =	sadd.s32 $0x40, s0  }
.Ltmp0:
0x13: {  	(pc) =	sbr.rel @p0 .LBB2_2-.Ltmp0, $2  }
0x14: {  	_ =	sdelay $0x2  }
0x15: {  	s26 =	sshra.s32 s26, $0x2  }
0x16: {  	[tilespmem:s26+$0x3000] =	vst v0;
	s0 =	simm.s32 $0x0;
	s26 =	simm.s32 $0x0  }
.LBB2_4:
0x17: {  	s28 =	smul.u32 $0xC00, s26;
	_ =	sdelay $0x1  }
0x18: {  	s28 =	sadd.s32 s10, s28  }
0x19: {  	s28 =	sshrl.u32 s28, $0x3  }
0x1a: {  	s29 =	sadd.s32 s2, s28  }
0x1b: {  	[tilespmem:s15], [sflag:$0x1] =	stream.linear.gather [hbm4b:s29+s0], $0xA00, $0x38;
	[tilespmem:$0x8D00] =	vst v63  }
0x1c: {  	_ =	swait.ge [sflag:s16], $0xA00  }
0x1d: {  	[sflag:s16] =	ssyncset.done $0x0  }
0x1e: {  	s28 =	sadd.s32 s8, s28;
	[sflag:s16] =	ssyncadd.s32 $0xFFFFF600  }
0x1f: {  	[tilespmem:s17], [sflag:$0x1] =	stream.linear.gather [hbm4b:s28+s0], $0xA00, $0x38;
	[tilespmem:$0x8D00] =	vst v63  }
0x20: {  	_ =	swait.ge [sflag:s16], $0xA00  }
0x21: {  	[sflag:s16] =	ssyncset.done $0x0  }
0x22: {  	s28 =	simm.s32 $0x0;
	[sflag:s16] =	ssyncadd.s32 $0xFFFFF600  }
.LBB2_5:
0x23: {  	s29 =	sshra.s32 s28, $0x2  }
0x24: {  	v1 =	vld [tilespmem:s29+$0xC00];
	_ =	sdelay $0x2  }
0x25: {  	v2 =	vld [tilespmem:s29+$0x1800];
	_ =	sdelay $0x4  }
0x26: {  	[tilespmem:v1+s18+$0x0] =	vst.idx.add.f32.msk $0xffff, v2  }
0x27: {  	v1 =	vld [tilespmem:s29+$0xC10];
	_ =	sdelay $0x2  }
0x28: {  	v2 =	vld [tilespmem:s29+$0x1810];
	_ =	sdelay $0x4  }
0x29: {  	[tilespmem:v1+s18+$0x0] =	vst.idx.add.f32.msk $0xffff, v2  }
0x2a: {  	v1 =	vld [tilespmem:s29+$0xC20];
	_ =	sdelay $0x2  }
0x2b: {  	v2 =	vld [tilespmem:s29+$0x1820];
	_ =	sdelay $0x4  }
0x2c: {  	[tilespmem:v1+s18+$0x0] =	vst.idx.add.f32.msk $0xffff, v2  }
0x2d: {  	v1 =	vld [tilespmem:s29+$0xC30];
	_ =	sdelay $0x2  }
0x2e: {  	p0 =	sne.s32 s28, $0x2600;
	v2 =	vld [tilespmem:s29+$0x1830]  }
.Ltmp1:
0x2f: {  	_ = 	snop;
	(pc) =	sbr.rel @p0 .LBB2_5-.Ltmp1, $2  }
0x30: {  	_ =	sdelay $0x2  }
0x31: {  	s28 =	sadd.s32 $0x200, s28;
	[tilespmem:v1+s18+$0x0] =	vst.idx.add.f32.msk $0xffff, v2  }
0x32: {  	s26 =	sadd.s32 $0x1, s26  }
0x33: {  	p0 =	sne.s32 s26, $0x10  }
.Ltmp2:
0x34: {  	_ = 	snop;
	(pc) =	sbr.rel @p0 .LBB2_4-.Ltmp2, $1  }
0x35: {  	_ =	sdelay $0x3  }
0x36: {  	[spmem:s11] =	stream.strided.scatter [tilespmem:s18], [sflag:$0x1], $0x2800, s20, s19, $0x38;
	[tilespmem:$0x8D00] =	vst v63  }
0x37: {  	_ =	swait.ge [sflag:s16], $0x2800  }
0x38: {  	[sflag:s16] =	ssyncset.done $0x0  }
0x39: {  	[sflag:s16] =	ssyncadd.s32 $0xFFFFD800  }
0x3a: {  	s26 =	simm.s32 $0x0;
	s28 =	simm.s32 $0x6000;
	[bflag:$0x0] =	sbarrier.arrive $0xFFFF  }
.LBB2_8:
0x3b: {  	s0 =	sshll.u32 s26, $0x7  }
0x3c: {  	s0 =	sadd.s32 s12, s0  }
0x3d: {  	s0 =	sshll.u32 s0, $0x3  }
0x3e: {  	s0 =	sand.u32 $0x3FFFFFF8, s0  }
0x3f: {  	s0 =	sadd.s32 s0, s3  }
0x40: {  	[tilespmem:s22], [sflag:$0x1] =	stream.strided.gather [spmem:s0], $0x800, s21, s20, $0x38;
	[tilespmem:$0x8D00] =	vst v63  }
0x41: {  	_ =	swait.ge [sflag:s16], $0x800  }
0x42: {  	[sflag:s16] =	ssyncset.done $0x0  }
0x43: {  	s29 =	simm.s32 $0x0;
	[sflag:s16] =	ssyncadd.s32 $0xFFFFF800  }
0x44: {  	v1 =	vmov s28;
	s30 =	simm.s32 $0x40;
	v2 =	vld [tilespmem:s29+$0x5880]  }
.LBB2_9:
0x45: {  	p0 =	sne.s32 s30, $0x1C0;
	v3 =	vld [tilespmem:s29+$0x5800];
	_ =	sdelay $0x1  }
0x46: {  	v4 =	vld [tilespmem:s29+$0x5900];
	_ =	sdelay $0x1  }
0x47: {  	v5 =	vld [tilespmem:s29+$0x5980]  }
0x48: {  	v2 =	vadd.f32 v2, v3  }
0x49: {  	v3 =	vld [tilespmem:s29+$0x5A00]  }
0x4a: {  	v2 =	vadd.f32 v4, v2  }
0x4b: {  	v4 =	vld [tilespmem:s29+$0x5A80]  }
0x4c: {  	v2 =	vadd.f32 v5, v2  }
0x4d: {  	v5 =	vld [tilespmem:s29+$0x5B00]  }
0x4e: {  	v2 =	vadd.f32 v3, v2  }
0x4f: {  	v3 =	vld [tilespmem:s29+$0x5B80]  }
0x50: {  	v2 =	vadd.f32 v4, v2  }
0x51: {  	v4 =	vld [tilespmem:s29+$0x5C00]  }
0x52: {  	v2 =	vadd.f32 v5, v2  }
0x53: {  	v5 =	vld [tilespmem:s29+$0x5C80]  }
0x54: {  	v2 =	vadd.f32 v3, v2  }
0x55: {  	v3 =	vld [tilespmem:s29+$0x5D00]  }
0x56: {  	v2 =	vadd.f32 v4, v2  }
0x57: {  	v4 =	vld [tilespmem:s29+$0x5D80]  }
0x58: {  	v2 =	vadd.f32 v5, v2  }
0x59: {  	v5 =	vld [tilespmem:s29+$0x5E00]  }
0x5a: {  	v2 =	vadd.f32 v3, v2  }
0x5b: {  	v3 =	vld [tilespmem:s29+$0x5E80]  }
0x5c: {  	v2 =	vadd.f32 v4, v2  }
0x5d: {  	v4 =	vld [tilespmem:s29+$0x5F00]  }
0x5e: {  	v2 =	vadd.f32 v5, v2  }
0x5f: {  	v5 =	vld [tilespmem:s29+$0x5F80]  }
0x60: {  	v2 =	vadd.f32 v3, v2;
	_ =	sdelay $0x1  }
0x61: {  	v2 =	vadd.f32 v4, v2;
	_ =	sdelay $0x1  }
0x62: {  	v2 =	vadd.f32 v5, v2;
	_ =	sdelay $0x1  }
0x63: {  	v3 =	vshra.s32 v2, $0x1;
	v4 =	vmul.f32 $5.000000000e-01, v2  }
0x64: {  	v3 =	vsub.s32 $0x5F3759DF, v3  }
0x65: {  	v5 =	vmul.f32 v3, v4;
	_ =	sdelay $0x1  }
0x66: {  	v5 =	vmul.f32 v3, v5;
	_ =	sdelay $0x1  }
0x67: {  	v5 =	vsub.f32 $1.500000000e+00, v5;
	_ =	sdelay $0x1  }
0x68: {  	v3 =	vmul.f32 v3, v5;
	_ =	sdelay $0x1  }
0x69: {  	v5 =	vmul.f32 v3, v4;
	_ =	sdelay $0x1  }
0x6a: {  	v5 =	vmul.f32 v5, v3;
	_ =	sdelay $0x1  }
0x6b: {  	v5 =	vsub.f32 $1.500000000e+00, v5;
	_ =	sdelay $0x1  }
0x6c: {  	v3 =	vmul.f32 v5, v3;
	_ =	sdelay $0x1  }
0x6d: {  	v5 =	vmul.f32 v3, v4;
	_ =	sdelay $0x1  }
0x6e: {  	v5 =	vmul.f32 v5, v3;
	_ =	sdelay $0x1  }
0x6f: {  	v5 =	vsub.f32 $1.500000000e+00, v5;
	_ =	sdelay $0x1  }
0x70: {  	v3 =	vmul.f32 v5, v3;
	_ =	sdelay $0x1  }
0x71: {  	v4 =	vmul.f32 v3, v4;
	_ =	sdelay $0x1  }
0x72: {  	v4 =	vmul.f32 v4, v3;
	_ =	sdelay $0x1  }
0x73: {  	v4 =	vsub.f32 $1.500000000e+00, v4;
	_ =	sdelay $0x1  }
.Ltmp3:
0x74: {  	v3 =	vmul.f32 v4, v3;
	(pc) =	sbr.rel @p0 .LBB2_9-.Ltmp3, $4  }
0x75: {  	vm0 =	vgt.f32 v2, $0.0e+00  }
0x76: {  	v2 =	vnsel vm0, $0x0, v3  }
0x77: {  	[tilespmem:v1+s29+$0x0 ss:$0x1] =	vst.idx.msk $0xffff, v2;
	s29 =	sshra.s32 s30, $0x2  }
0x78: {  	s30 =	sadd.s32 $0x40, s30;
	v2 =	vld [tilespmem:s29+$0x5880]  }
0x79: {  	v3 =	vld [tilespmem:s29+$0x5800];
	_ =	sdelay $0x1  }
0x7a: {  	v4 =	vld [tilespmem:s29+$0x5900];
	_ =	sdelay $0x1  }
0x7b: {  	v5 =	vld [tilespmem:s29+$0x5980]  }
0x7c: {  	v2 =	vadd.f32 v2, v3  }
0x7d: {  	v3 =	vld [tilespmem:s29+$0x5A00]  }
0x7e: {  	v2 =	vadd.f32 v4, v2  }
0x7f: {  	v54 =	vld [tilespmem:s29+$0x5A80]  }
0x80: {  	v2 =	vadd.f32 v5, v2  }
0x81: {  	v55 =	vld [tilespmem:s29+$0x5B00]  }
0x82: {  	v2 =	vadd.f32 v3, v2  }
0x83: {  	v3 =	vld [tilespmem:s29+$0x5B80]  }
0x84: {  	v2 =	vadd.f32 v54, v2  }
0x85: {  	v56 =	vld [tilespmem:s29+$0x5C00]  }
0x86: {  	v2 =	vadd.f32 v55, v2  }
0x87: {  	v57 =	vld [tilespmem:s29+$0x5C80]  }
0x88: {  	v2 =	vadd.f32 v3, v2  }
0x89: {  	v3 =	vld [tilespmem:s29+$0x5D00]  }
0x8a: {  	v2 =	vadd.f32 v56, v2  }
0x8b: {  	v58 =	vld [tilespmem:s29+$0x5D80]  }
0x8c: {  	v2 =	vadd.f32 v57, v2  }
0x8d: {  	v59 =	vld [tilespmem:s29+$0x5E00]  }
0x8e: {  	v2 =	vadd.f32 v3, v2  }
0x8f: {  	v3 =	vld [tilespmem:s29+$0x5E80]  }
0x90: {  	v2 =	vadd.f32 v58, v2  }
0x91: {  	v60 =	vld [tilespmem:s29+$0x5F00]  }
0x92: {  	v2 =	vadd.f32 v59, v2  }
0x93: {  	v61 =	vld [tilespmem:s29+$0x5F80]  }
0x94: {  	v2 =	vadd.f32 v3, v2;
	_ =	sdelay $0x1  }
0x95: {  	v2 =	vadd.f32 v60, v2;
	_ =	sdelay $0x1  }
0x96: {  	v2 =	vadd.f32 v61, v2;
	_ =	sdelay $0x1  }
0x97: {  	v3 =	vshra.s32 v2, $0x1;
	v62 =	vmul.f32 $5.000000000e-01, v2  }
0x98: {  	v3 =	vsub.s32 $0x5F3759DF, v3  }
0x99: {  	v63 =	vmul.f32 v3, v62;
	_ =	sdelay $0x1  }
0x9a: {  	v5 =	vmul.f32 v3, v63;
	_ =	sdelay $0x1  }
0x9b: {  	v5 =	vsub.f32 $1.500000000e+00, v5;
	_ =	sdelay $0x1  }
0x9c: {  	v3 =	vmul.f32 v3, v5;
	_ =	sdelay $0x1  }
0x9d: {  	v5 =	vmul.f32 v3, v62;
	_ =	sdelay $0x1  }
0x9e: {  	v5 =	vmul.f32 v5, v3;
	_ =	sdelay $0x1  }
0x9f: {  	v5 =	vsub.f32 $1.500000000e+00, v5;
	_ =	sdelay $0x1  }
0xa0: {  	v3 =	vmul.f32 v5, v3;
	_ =	sdelay $0x1  }
0xa1: {  	v5 =	vmul.f32 v3, v62;
	_ =	sdelay $0x1  }
0xa2: {  	v5 =	vmul.f32 v5, v3;
	_ =	sdelay $0x1  }
0xa3: {  	v5 =	vsub.f32 $1.500000000e+00, v5;
	_ =	sdelay $0x1  }
0xa4: {  	v3 =	vmul.f32 v5, v3;
	_ =	sdelay $0x1  }
0xa5: {  	v4 =	vmul.f32 v3, v62;
	_ =	sdelay $0x1  }
0xa6: {  	v4 =	vmul.f32 v4, v3  }
0xa7: {  	s26 =	sadd.s32 $0x1, s26  }
0xa8: {  	p0 =	sne.s32 s26, $0x5;
	v4 =	vsub.f32 $1.500000000e+00, v4  }
.Ltmp4:
0xa9: {  	_ = 	snop;
	(pc) =	sbr.rel @p0 .LBB2_8-.Ltmp4, $4  }
0xaa: {  	v3 =	vmul.f32 v4, v3  }
0xab: {  	vm0 =	vgt.f32 v2, $0.0e+00  }
0xac: {  	v2 =	vnsel vm0, $0x0, v3  }
0xad: {  	s28 =	sadd.s32 $0x80, s28;
	[tilespmem:v1+s29+$0x0 ss:$0x1] =	vst.idx.msk $0xffff, v2  }
0xae: {  	[spmem:s13] =	stream.linear.scatter [tilespmem:s23], [sflag:$0x1], $0x280, $0x38;
	[tilespmem:$0x8D00] =	vst v63  }
0xaf: {  	_ =	swait.ge [sflag:s16], $0x280  }
0xb0: {  	[sflag:s16] =	ssyncset.done $0x0  }
0xb1: {  	[sflag:s16] =	ssyncadd.s32 $0xFFFFFD80  }
0xb2: {  	[bflag:$0x0] =	sbarrier.arrive $0xFFFF  }
0xb3: {  	[tilespmem:s18], [sflag:$0x1] =	stream.linear.gather [spmem:s4], $0x2800, $0x38;
	[tilespmem:$0x8D00] =	vst v63  }
0xb4: {  	_ =	swait.ge [sflag:s16], $0x2800  }
0xb5: {  	[sflag:s16] =	ssyncset.done $0x0  }
0xb6: {  	s26 =	simm.s32 $0x0;
	s28 =	simm.s32 $0x0;
	[sflag:s16] =	ssyncadd.s32 $0xFFFFD800  }
.LBB2_12:
0xb7: {  	s0 =	sshll.u32 s28, $0x1  }
0xb8: {  	s0 =	sor.u32 s7, s0  }
0xb9: {  	s0 =	smul.u32 $0xC00, s0;
	_ =	sdelay $0x1  }
0xba: {  	s0 =	sadd.s32 s10, s0  }
0xbb: {  	s29 =	sshrl.u32 s0, $0x3  }
0xbc: {  	s0 =	sadd.s32 s1, s29  }
0xbd: {  	[tilespmem:s26], [sflag:$0x1] =	stream.linear.gather [hbm4b:s0+s26], $0xA00, $0x38;
	[tilespmem:$0x8D00] =	vst v63  }
0xbe: {  	_ =	swait.ge [sflag:s16], $0xA00  }
0xbf: {  	[sflag:s16] =	ssyncset.done $0x0  }
0xc0: {  	s0 =	sadd.s32 s2, s29;
	[sflag:s16] =	ssyncadd.s32 $0xFFFFF600  }
0xc1: {  	[tilespmem:s15], [sflag:$0x1] =	stream.linear.gather [hbm4b:s0+s26], $0xA00, $0x38;
	[tilespmem:$0x8D00] =	vst v63  }
0xc2: {  	_ =	swait.ge [sflag:s16], $0xA00  }
0xc3: {  	[sflag:s16] =	ssyncset.done $0x0  }
0xc4: {  	s0 =	sadd.s32 s8, s29;
	[sflag:s16] =	ssyncadd.s32 $0xFFFFF600  }
0xc5: {  	[tilespmem:s17], [sflag:$0x1] =	stream.linear.gather [hbm4b:s0+s26], $0xA00, $0x38;
	[tilespmem:$0x8D00] =	vst v63  }
0xc6: {  	_ =	swait.ge [sflag:s16], $0xA00  }
0xc7: {  	[sflag:s16] =	ssyncset.done $0x0  }
0xc8: {  	s30 =	simm.s32 $0x0;
	[sflag:s16] =	ssyncadd.s32 $0xFFFFF600  }
0xc9: {  	v1 =	vld [tilespmem:s30+$0x0];
	_ =	sdelay $0x1  }
0xca: {  	v2 =	vld [tilespmem:s30+$0xC00];
	_ =	sdelay $0x3  }
0xcb: {  	v3 =	vld [tilespmem:s30+$0x1800];
	_ =	sdelay $0x1  }
0xcc: {  	v1 =	vld.idx.msk [tilespmem:v1+s18+$0x0], $0xffff;
	_ =	sdelay $0x1  }
0xcd: {  	v2 =	vld.idx.msk [tilespmem:v2+s18+$0x0], $0xffff  }
0xce: {  	v4 =	vld [tilespmem:s30+$0x10];
	v3 =	vsub.f32 $0.0e+00, v3;
	_ =	sdelay $0x1  }
0xcf: {  	v1 =	vmul.f32 v1, v3;
	v3 =	vld [tilespmem:s30+$0xC10];
	_ =	sdelay $0x1  }
0xd0: {  	v1 =	vmul.f32 v2, v1;
	_ =	sdelay $0x1  }
0xd1: {  	[tilespmem:s30+$0x2400] =	vst v1;
	v1 =	vld [tilespmem:s30+$0x1810];
	_ =	sdelay $0x1  }
0xd2: {  	v2 =	vld.idx.msk [tilespmem:v4+s18+$0x0], $0xffff;
	_ =	sdelay $0x1  }
0xd3: {  	v3 =	vld.idx.msk [tilespmem:v3+s18+$0x0], $0xffff  }
0xd4: {  	v4 =	vld [tilespmem:s30+$0x20];
	v1 =	vsub.f32 $0.0e+00, v1;
	_ =	sdelay $0x1  }
0xd5: {  	v1 =	vmul.f32 v2, v1;
	v2 =	vld [tilespmem:s30+$0xC20];
	_ =	sdelay $0x1  }
0xd6: {  	v1 =	vmul.f32 v3, v1;
	_ =	sdelay $0x1  }
0xd7: {  	[tilespmem:s30+$0x2410] =	vst v1;
	v1 =	vld [tilespmem:s30+$0x1820];
	_ =	sdelay $0x1  }
0xd8: {  	v3 =	vld.idx.msk [tilespmem:v4+s18+$0x0], $0xffff  }
0xd9: {  	v4 =	vld [tilespmem:s30+$0x30]  }
0xda: {  	v2 =	vld.idx.msk [tilespmem:v2+s18+$0x0], $0xffff  }
0xdb: {  	v5 =	vld [tilespmem:s30+$0xC30];
	v1 =	vsub.f32 $0.0e+00, v1;
	_ =	sdelay $0x1  }
0xdc: {  	v1 =	vmul.f32 v3, v1;
	_ =	sdelay $0x1  }
0xdd: {  	v1 =	vmul.f32 v2, v1  }
0xde: {  	v3 =	vld [tilespmem:s30+$0x1830]  }
0xdf: {  	[tilespmem:s30+$0x2420] =	vst v1  }
0xe0: {  	v2 =	vld.idx.msk [tilespmem:v4+s18+$0x0], $0xffff  }
0xe1: {  	s31 =	simm.s32 $0x400;
	s0 =	simm.s32 $0x80;
	v1 =	vld.idx.msk [tilespmem:v5+s18+$0x0], $0xffff  }
.LBB2_13:
0xe2: {  	p0 =	sne.s32 s31, $0x2600;
	v4 =	vld [tilespmem:s0+$0x0]  }
0xe3: {  	v5 =	vld [tilespmem:s0+$0xC00];
	v3 =	vsub.f32 $0.0e+00, v3;
	_ =	sdelay $0x1  }
0xe4: {  	v2 =	vmul.f32 v2, v3;
	_ =	sdelay $0x1  }
0xe5: {  	v1 =	vmul.f32 v1, v2;
	_ =	sdelay $0x1  }
0xe6: {  	v2 =	vld [tilespmem:s0+$0x1800];
	[tilespmem:s30+$0x2430] =	vst v1;
	s30 =	smov.u32 s0  }
0xe7: {  	v1 =	vld.idx.msk [tilespmem:v4+s18+$0x0], $0xffff  }
0xe8: {  	v3 =	vld.idx.msk [tilespmem:v5+s18+$0x0], $0xffff;
	_ =	sdelay $0x1  }
0xe9: {  	v4 =	vld [tilespmem:s30+$0x10]  }
0xea: {  	v2 =	vsub.f32 $0.0e+00, v2  }
0xeb: {  	v5 =	vld [tilespmem:s30+$0xC10]  }
0xec: {  	v1 =	vmul.f32 v1, v2;
	_ =	sdelay $0x1  }
0xed: {  	v1 =	vmul.f32 v3, v1;
	_ =	sdelay $0x1  }
0xee: {  	[tilespmem:s30+$0x2400] =	vst v1;
	v1 =	vld [tilespmem:s30+$0x1810]  }
0xef: {  	v2 =	vld.idx.msk [tilespmem:v4+s18+$0x0], $0xffff;
	_ =	sdelay $0x1  }
0xf0: {  	v3 =	vld.idx.msk [tilespmem:v5+s18+$0x0], $0xffff  }
0xf1: {  	v4 =	vld [tilespmem:s30+$0x20]  }
0xf2: {  	v1 =	vsub.f32 $0.0e+00, v1  }
0xf3: {  	v5 =	vld [tilespmem:s30+$0xC20]  }
0xf4: {  	v1 =	vmul.f32 v2, v1;
	_ =	sdelay $0x1  }
0xf5: {  	v1 =	vmul.f32 v3, v1;
	_ =	sdelay $0x1  }
0xf6: {  	[tilespmem:s30+$0x2410] =	vst v1;
	v1 =	vld [tilespmem:s30+$0x1820]  }
0xf7: {  	v2 =	vld.idx.msk [tilespmem:v4+s18+$0x0], $0xffff;
	_ =	sdelay $0x1  }
0xf8: {  	v3 =	vld.idx.msk [tilespmem:v5+s18+$0x0], $0xffff  }
0xf9: {  	v4 =	vld [tilespmem:s30+$0x30]  }
0xfa: {  	v1 =	vsub.f32 $0.0e+00, v1;
	v5 =	vld [tilespmem:s30+$0xC30];
	_ =	sdelay $0x1  }
0xfb: {  	v1 =	vmul.f32 v2, v1;
	_ =	sdelay $0x1  }
0xfc: {  	v1 =	vmul.f32 v3, v1  }
.Ltmp5:
0xfd: {  	(pc) =	sbr.rel @p0 .LBB2_13-.Ltmp5, $4  }
0xfe: {  	[tilespmem:s30+$0x2420] =	vst v1;
	v3 =	vld [tilespmem:s30+$0x1830]  }
0xff: {  	v2 =	vld.idx.msk [tilespmem:v4+s18+$0x0], $0xffff  }
0x100: {  	v1 =	vld.idx.msk [tilespmem:v5+s18+$0x0], $0xffff  }
0x101: {  	s0 =	sshra.s32 s31, $0x2;
	s31 =	sadd.s32 $0x200, s31  }
0x102: {  	v4 =	vld [tilespmem:s0+$0x0]  }
0x103: {  	v3 =	vsub.f32 $0.0e+00, v3  }
0x104: {  	v5 =	vld [tilespmem:s0+$0xC00]  }
0x105: {  	v2 =	vmul.f32 v2, v3;
	_ =	sdelay $0x1  }
0x106: {  	v1 =	vmul.f32 v1, v2  }
0x107: {  	v2 =	vld [tilespmem:s0+$0x1800]  }
0x108: {  	[tilespmem:s30+$0x2430] =	vst v1  }
0x109: {  	v1 =	vld.idx.msk [tilespmem:v4+s18+$0x0], $0xffff;
	_ =	sdelay $0x1  }
0x10a: {  	v3 =	vld.idx.msk [tilespmem:v5+s18+$0x0], $0xffff  }
0x10b: {  	v61 =	vld [tilespmem:s0+$0x10];
	v2 =	vsub.f32 $0.0e+00, v2;
	_ =	sdelay $0x1  }
0x10c: {  	v1 =	vmul.f32 v1, v2;
	v2 =	vld [tilespmem:s0+$0xC10];
	_ =	sdelay $0x1  }
0x10d: {  	v1 =	vmul.f32 v3, v1;
	_ =	sdelay $0x1  }
0x10e: {  	[tilespmem:s0+$0x2400] =	vst v1;
	v1 =	vld [tilespmem:s0+$0x1810];
	_ =	sdelay $0x1  }
0x10f: {  	v3 =	vld.idx.msk [tilespmem:v61+s18+$0x0], $0xffff;
	_ =	sdelay $0x1  }
0x110: {  	v2 =	vld.idx.msk [tilespmem:v2+s18+$0x0], $0xffff  }
0x111: {  	v62 =	vld [tilespmem:s0+$0x20];
	v1 =	vsub.f32 $0.0e+00, v1;
	_ =	sdelay $0x1  }
0x112: {  	v1 =	vmul.f32 v3, v1;
	v3 =	vld [tilespmem:s0+$0xC20];
	_ =	sdelay $0x1  }
0x113: {  	v1 =	vmul.f32 v2, v1;
	_ =	sdelay $0x1  }
0x114: {  	[tilespmem:s0+$0x2410] =	vst v1;
	v1 =	vld [tilespmem:s0+$0x1820];
	_ =	sdelay $0x1  }
0x115: {  	v2 =	vld.idx.msk [tilespmem:v62+s18+$0x0], $0xffff;
	_ =	sdelay $0x1  }
0x116: {  	v3 =	vld.idx.msk [tilespmem:v3+s18+$0x0], $0xffff  }
0x117: {  	v63 =	vld [tilespmem:s0+$0x30];
	v1 =	vsub.f32 $0.0e+00, v1;
	_ =	sdelay $0x1  }
0x118: {  	v1 =	vmul.f32 v2, v1;
	v2 =	vld [tilespmem:s0+$0xC30];
	_ =	sdelay $0x1  }
0x119: {  	v1 =	vmul.f32 v3, v1;
	_ =	sdelay $0x1  }
0x11a: {  	[tilespmem:s0+$0x2420] =	vst v1;
	v1 =	vld [tilespmem:s0+$0x1830];
	_ =	sdelay $0x1  }
0x11b: {  	v3 =	vld.idx.msk [tilespmem:v63+s18+$0x0], $0xffff;
	_ =	sdelay $0x1  }
0x11c: {  	v2 =	vld.idx.msk [tilespmem:v2+s18+$0x0], $0xffff  }
0x11d: {  	v1 =	vsub.f32 $0.0e+00, v1;
	_ =	sdelay $0x1  }
0x11e: {  	v1 =	vmul.f32 v3, v1;
	_ =	sdelay $0x1  }
0x11f: {  	s28 =	sadd.s32 $0x1, s28;
	v1 =	vmul.f32 v2, v1  }
0x120: {  	p0 =	sne.s32 s28, $0x8  }
.Ltmp6:
0x121: {  	s31 =	sadd.s32 s9, s29;
	[tilespmem:s0+$0x2430] =	vst v1;
	(pc) =	sbr.rel @p0 .LBB2_12-.Ltmp6, $4  }
0x122: {  	[hbm4b:s31+s6] =	stream.linear.scatter [tilespmem:s24], [sflag:$0x1], $0xA00, $0x38;
	[tilespmem:$0x8D00] =	vst v63  }
0x123: {  	_ =	swait.ge [sflag:s16], $0xA00  }
0x124: {  	[sflag:s16] =	ssyncset.done $0x0  }
0x125: {  	[sflag:s16] =	ssyncadd.s32 $0xFFFFF600  }
0x126: {  	s25 =	sadd.s32 $0x1, s25  }
0x127: {  	p0 =	sne.s32 s25, s14  }
.Ltmp7:
0x128: {  	_ = 	snop;
	(pc) =	sbr.rel @p0 .LBB2_1-.Ltmp7, $1  }
0x129: {  	_ =	sdelay $0x3  }
0x12a: {  	_ =	sfence.sel $0x180000  }
0x12b: {  	[bflag:$0x0] =	sbarrier.arrive $0xFFFF  }
0x12c: {  	_ =	strace $0x90000047  }
0x12d: {  	[bflag:$0x2] =	sbarrier.arrive $0xFFFF  }
0x12e: {  	p0 =	sne.s32 s5, $0x0;
	s0 =	rddreg [dreg:$0x5]  }
0x12f: {  	s0 =	sadd.s32 @!p0 $0x100000, s0  }
0x130: {  	[sflag:s0] =	ssyncadd.tile.s32 @!p0 $0x1;
	_ =	shalt  }
.Lfunc_end2:
_tile_overlayer_lowered:
.L_overlay_start_2:
0x131: {  	(tag) =	ssettag $0x2  }
0x132: {  	s0 =	rddreg [dreg:$0x0];
	s2 =	stileid.u32  }
0x133: {  	s1 =	rddreg [dreg:$0x1];
	p0 =	sne.s32 s2, $0x0  }
0x134: {  	s3 =	rddreg [dreg:$0x2];
	[bflag:$0x3] =	sbarrier.arrive $0xFFFF;
	s2 =	simm.s32 @!p0 $0x1C01  }
0x135: {  	[timem:s3], [sflag:s2] =	dma.local @!p0 [hbm:s0], s1  }
0x136: {  	s0 =	simm.s32 @!p0 $0x1  }
0x137: {  	_ =	swait.ge @!p0 [sflag:s0], s1  }
0x138: {  	s1 =	ssub.s32 @!p0 $0x0, s1;
	[sflag:s0] =	ssyncset.done @!p0 $0x0  }
0x139: {  	[sflag:s0] =	ssyncadd.s32 @!p0 s1  }
0x13a: {  	[bflag:$0x3] =	sbarrier.arrive $0xFFFF  }
0x13b: {  	_ =	shalt  }

// kernel: kernel.8.cloned.1.call-start
scs
__scs_entry_jumppad:
0x0: {  	(pc) =	sbr.rel $0x88, $3  }
0x1: {  	(tag) =	ssettag $0x0;
	lr =	simm.s32 $0x1  }
0x2: {  	[smem:$0x3F8E] =	sst lr;
	_ =	strace $0xD0000000  }
0x3: {  	_ = 	snop  }
0x4: {  	_ = 	snop  }
0x5: {  	_ = 	snop  }
0x6: {  	_ = 	snop  }
0x7: {  	_ = 	snop  }
__scs_overlays_trampoline_lowered:
0x8: {  	[smem:$0x3F9D] =	sst s0  }
0x9: {  	[smem:$0x3F9E] =	sst s1  }
0xa: {  	[smem:$0x3F9F] =	sst s2  }
0xb: {  	[smem:$0x3FA0] =	sst s3  }
0xc: {  	[smem:$0x3FA1] =	sst s4  }
0xd: {  	[smem:$0x3FA2] =	sst s5  }
0xe: {  	[smem:$0x3FA3] =	sst s6  }
0xf: {  	[smem:$0x3FA4] =	sst s7  }
0x10: {  	[smem:$0x3FA5] =	sst s8  }
0x11: {  	[smem:$0x3FA6] =	sst s9;
	s0 =	simm.s32 @!p0 $0x0  }
0x12: {  	s1 =	sld [smem:$0x3F8C];
	s0 =	simm.s32 @p0 $0x1  }
0x13: {  	[smem:$0x3FA7] =	sst s0;
	s0 =	simm.s32 @!p1 $0x0  }
0x14: {  	s2 =	sld [smem:$0x3F8B];
	s0 =	simm.s32 @p1 $0x1  }
0x15: {  	[smem:$0x3FA8] =	sst s0;
	s0 =	simm.s32 @!p2 $0x0  }
0x16: {  	s3 =	sld [smem:$0x3FDB];
	s0 =	simm.s32 @p2 $0x1  }
0x17: {  	s4 =	simm.s32 $0x1BF5;
	[smem:$0x3FAA] =	sst s0  }
0x18: {  	s0 =	sld [smem:$0x3F8D];
	_ =	swait.ge [sflag:s4], $0x0  }
0x19: {  	s7 =	sld [smem:$0x3F8E]  }
0x1a: {  	s8 =	sadd.s32 $0xFFFFE003, lr  }
0x1b: {  	s9 =	sadd.s32 $0xFFFFFEF7, lr;
	s5 =	simm.s32 $0xFFFFFFFF;
	p2 =	slt.u32 s8, $0xFFFFF086  }
0x1c: {  	p1 =	slt.u32 s9, $0xF7A;
	s5 =	simm.s32 @!p2 $0x0  }
0x1d: {  	s5 =	simm.s32 @p1 $0x1;
	p0 =	seq.s32 s7, s2  }
0x1e: {  	s7 =	smul.u32 @!p0 $0xF7A, s2;
	p2 =	seq.s32 @!p0 s5, $0x0  }
0x1f: {  	s9 =	smul.u32 $0xF7A, s1;
	s8 =	simm.s32 @!p0 $0x1BF5;
	p2 =	por !p2, p0  }
0x20: {  	[sflag:s8] =	ssyncset.s32 @!p0 $0xFFFFF086;
	s6 =	sadd.s32 @!p0 s3, s7;
	s7 =	simm.s32 @!p0 $0x108  }
0x21: {  	s3 =	sadd.s32 s3, s9;
	s6 =	sadd.s32 @!p0 $0x88, s6;
	s7 =	simm.s32 @p2 $0x1082  }
0x22: {  	[simem:s7], [sflag:s8] =	dma.local @!p0 [hbm:s6], $0xF7A  }
0x23: {  	s9 =	sor.u32 $0xD0000000, s2;
	s6 =	simm.s32 $0x108;
	_ =	swait.ge @!p0 [sflag:s8], $0x0  }
0x24: {  	s3 =	sadd.s32 $0x88, s3;
	s6 =	simm.s32 @!p1 $0x1082;
	[sflag:s4] =	ssyncset.s32 $0xFFFFF086  }
0x25: {  	[simem:s6], [sflag:s4] =	dma.local [hbm:s3], $0xF7A  }
0x26: {  	[smem:$0x3F8E] =	sst s1;
	(tag) =	ssettag s2;
	_ =	strace s9  }
0x27: {  	s1 =	sld [smem:$0x3F9E]  }
0x28: {  	s2 =	sld [smem:$0x3F9F]  }
0x29: {  	s4 =	sld [smem:$0x3FA1]  }
0x2a: {  	p0 =	seq.s32 s5, $0x0;
	s5 =	sld [smem:$0x3FA2]  }
0x2b: {  	s6 =	sld [smem:$0x3FA3]  }
0x2c: {  	s7 =	sld [smem:$0x3FA4]  }
0x2d: {  	s3 =	simm.s32 $0x108;
	s8 =	sld [smem:$0x3FA5]  }
0x2e: {  	s3 =	simm.s32 @!p0 $0x1082;
	s9 =	sld [smem:$0x3FA6]  }
0x2f: {  	lr =	sadd.s32 s0, s3;
	s0 =	sld [smem:$0x3F9D]  }
0x30: {  	s3 =	sld [smem:$0x3FA0]  }
0x31: {  	[smem:$0x3FA9] =	sst s10  }
0x32: {  	s10 =	sld [smem:$0x3FA7];
	_ =	sdelay $0x3  }
0x33: {  	p0 =	seq.s32 s10, $0x1;
	s10 =	sld [smem:$0x3FA9];
	_ =	sdelay $0x3  }
0x34: {  	[smem:$0x3FA9] =	sst s10  }
0x35: {  	s10 =	sld [smem:$0x3FA8];
	_ =	sdelay $0x3  }
0x36: {  	p1 =	seq.s32 s10, $0x1;
	s10 =	sld [smem:$0x3FA9];
	_ =	sdelay $0x3  }
0x37: {  	[smem:$0x3FA9] =	sst s10  }
0x38: {  	s10 =	sld [smem:$0x3FAA]  }
0x39: {  	_ = 	snop;
	(pc) =	sbr.ind lr, $3  }
0x3a: {  	_ = 	snop  }
0x3b: {  	_ = 	snop  }
0x3c: {  	p2 =	seq.s32 s10, $0x1;
	s10 =	sld [smem:$0x3FA9]  }
0x3d: {  	_ =	shalt  }
0x3e: {  	_ =	shalt  }
0x3f: {  	_ =	shalt  }
0x40: {  	_ =	shalt  }
0x41: {  	_ =	shalt  }
0x42: {  	_ =	shalt  }
0x43: {  	_ =	shalt  }
0x44: {  	_ =	shalt  }
0x45: {  	_ =	shalt  }
0x46: {  	_ =	shalt  }
0x47: {  	_ =	shalt  }
0x48: {  	_ =	shalt  }
0x49: {  	_ =	shalt  }
0x4a: {  	_ =	shalt  }
0x4b: {  	_ =	shalt  }
0x4c: {  	_ =	shalt  }
0x4d: {  	_ =	shalt  }
0x4e: {  	_ =	shalt  }
0x4f: {  	_ =	shalt  }
0x50: {  	_ =	shalt  }
0x51: {  	_ =	shalt  }
0x52: {  	_ =	shalt  }
0x53: {  	_ =	shalt  }
0x54: {  	_ =	shalt  }
0x55: {  	_ =	shalt  }
0x56: {  	_ =	shalt  }
0x57: {  	_ =	shalt  }
0x58: {  	_ =	shalt  }
0x59: {  	_ =	shalt  }
0x5a: {  	_ =	shalt  }
0x5b: {  	_ =	shalt  }
0x5c: {  	_ =	shalt  }
0x5d: {  	_ =	shalt  }
0x5e: {  	_ =	shalt  }
0x5f: {  	_ =	shalt  }
0x60: {  	_ =	shalt  }
0x61: {  	_ =	shalt  }
0x62: {  	_ =	shalt  }
0x63: {  	_ =	shalt  }
0x64: {  	_ =	shalt  }
0x65: {  	_ =	shalt  }
0x66: {  	_ =	shalt  }
0x67: {  	_ =	shalt  }
0x68: {  	_ =	shalt  }
0x69: {  	_ =	shalt  }
0x6a: {  	_ =	shalt  }
0x6b: {  	_ =	shalt  }
0x6c: {  	_ =	shalt  }
0x6d: {  	_ =	shalt  }
0x6e: {  	_ =	shalt  }
0x6f: {  	_ =	shalt  }
0x70: {  	_ =	shalt  }
0x71: {  	_ =	shalt  }
0x72: {  	_ =	shalt  }
0x73: {  	_ =	shalt  }
0x74: {  	_ =	shalt  }
0x75: {  	_ =	shalt  }
0x76: {  	_ =	shalt  }
0x77: {  	_ =	shalt  }
0x78: {  	_ =	shalt  }
0x79: {  	_ =	shalt  }
0x7a: {  	_ =	shalt  }
0x7b: {  	_ =	shalt  }
0x7c: {  	_ =	shalt  }
0x7d: {  	_ =	shalt  }
0x7e: {  	_ =	shalt  }
0x7f: {  	_ =	shalt  }
0x80: {  	_ =	shalt  }
0x81: {  	_ =	shalt  }
0x82: {  	_ =	shalt  }
0x83: {  	_ =	shalt  }
0x84: {  	_ =	shalt  }
0x85: {  	_ =	shalt  }
0x86: {  	_ =	shalt  }
0x87: {  	_ =	shalt  }
.Lfunc_end0:
.L_simem_size_0:
called_computation.1_lowered:
.L_overlay_start_0:
0x88: {  	s2 =	sld [smem:$0x3FD9]  }
0x89: {  	s3 =	sld [smem:$0x3FFE];
	_ =	sdelay $0x1  }
0x8a: {  	s1 =	srdreg.scid  }
0x8b: {  	s0 =	sand.u32 $0x1, s1  }
0x8c: {  	s14 =	sshll.u32 s0, $0xA;
	s2 =	sadd.s32 s3, s2  }
0x8d: {  	s2 =	sadd.s32 s2, s14  }
0x8e: {  	[smem:$0x3FB5] =	sst s2  }
0x8f: {  	_ = 	snop  }
0x90: {  	s2 =	sld [smem:$0x3FD0];
	_ =	sdelay $0x2  }
0x91: {  	s15 =	simm.s32 $0xA;
	s4 =	simm.s32 $0x10  }
0x92: {  	[smem:s4], [sflag:s15] =	dma.local [hbm:s2], $0x1  }
0x93: {  	_ =	swait.eq [sflag:s15], $0x1  }
0x94: {  	[sflag:s15] =	ssyncset.done $0x0  }
0x95: {  	[sflag:s15] =	ssyncadd.s32 $0xFFFFFFFF  }
0x96: {  	s16 =	sld [smem:$0x12];
	(tm) =	ssettm $0x1  }
0x97: {  	s17 =	sld [smem:$0x3FFB];
	_ =	sdelay $0x3  }
0x98: {  	_ =	strace s17  }
0x99: {  	s3 =	sld [smem:$0x3FFC];
	_ =	sdelay $0x3  }
0x9a: {  	_ =	strace s3  }
0x9b: {  	s3 =	sld [smem:$0x3FFD];
	_ =	sdelay $0x3  }
0x9c: {  	_ =	strace s3  }
0x9d: {  	_ =	strace $0x8FFFFFFF  }
0x9e: {  	s18 =	sld [smem:$0x3FDB];
	_ =	sdelay $0x1  }
0x9f: {  	s19 =	simm.s32 $_scs_section_size  }
0xa0: {  	s5 =	simm.s32 $_size__tile_overlayer_lowered;
	s6 =	simm.s32 $_tile_overlayer_lowered  }
0xa1: {  	s22 =	simm.s32 $0x1BFF;
	s21 =	sshll.u32 s6, $0x1;
	s3 =	sadd.s32 s19, s18  }
0xa2: {  	s7 =	simm.s32 $0x0;
	s20 =	sshll.u32 s5, $0x1;
	s5 =	sadd.s32 s21, s3  }
0xa3: {  	[timem:s7], [sflag:s22] =	dma.local [hbm:s5], s20  }
0xa4: {  	_ =	swait.ge [sflag:s22], s20  }
0xa5: {  	s4 =	ssub.s32 $0x0, s20;
	[sflag:s22] =	ssyncset.done $0x0  }
0xa6: {  	[sflag:s22] =	ssyncadd.s32 s4;
	_ =	sdelay $0x1  }
0xa7: {  	s23 =	simm.s32 $0x1B8B  }
0xa8: {  	_ =	swait.ge [sflag:s23], $0x1  }
0xa9: {  	[sflag:s23] =	ssyncset.done $0x0  }
0xaa: {  	s25 =	simm.s32 $0x1B8E;
	s24 =	sld [smem:$0x3FFE];
	[sflag:s23] =	ssyncadd.s32 $0xFFFFFFFF  }
0xab: {  	s26 =	simm.s32 $execute0_lowered;
	[smem:$0x3FD2] =	sst s25  }
0xac: {  	s5 =	sshll.u32 s26, $0x1;
	_ =	strace $0x80000049;
	[dreg:$0x1] =	wrdreg $0xFFFFFFFF  }
0xad: {  	s28 =	simm.s32 $_size_execute0_lowered;
	s3 =	sadd.s32 s3, s5;
	[dreg:$0x0] =	wrdreg $0x0  }
0xae: {  	s5 =	sshll.u32 s28, $0x1;
	[dreg:$0x2] =	wrdreg s3  }
0xaf: {  	[dreg:$0x3] =	wrdreg s5  }
0xb0: {  	[dreg:$0x4] =	wrdreg $0xC0  }
0xb1: {  	_ =	task [dreg:s7], $0x5FFFF  }
0xb2: {  	[dreg:$0x1] =	wrdreg $0xFFFFFFFF  }
0xb3: {  	[dreg:$0x0] =	wrdreg $0x60  }
0xb4: {  	[dreg:$0x2] =	wrdreg s24  }
0xb5: {  	[dreg:$0x3] =	wrdreg s16  }
0xb6: {  	[dreg:$0x4] =	wrdreg $0xC4000  }
0xb7: {  	[dreg:$0x5] =	wrdreg $0x9  }
0xb8: {  	_ =	task.clear_ibuf [dreg:s7], $0x6FFFF;
	_ =	strace $0x90000049  }
0xb9: {  	s29 =	simm.s32 $0x9;
	_ =	strace $0x8000004B  }
0xba: {  	_ =	swait.ge [sflag:s29], $0x1  }
0xbb: {  	[sflag:s29] =	ssyncadd.s32 $0xFFFFFFFF  }
0xbc: {  	_ =	strace $0x9000004B  }
0xbd: {  	_ =	sfence  }
0xbe: {  	s30 =	sld [smem:$0x0];
	_ =	sdelay $0x2  }
0xbf: {  	s31 =	sshll.u32 s1, $0xD;
	s1 =	sshrl.u32 s1, $0x2  }
0xc0: {  	s3 =	sand.u32 $0x4000, s31;
	s1 =	sadd.s32 s1, s30  }
0xc1: {  	s0 =	sor.u32 s3, s0;
	s1 =	sshll.u32 s1, $0x11  }
0xc2: {  	s0 =	sor.u32 s1, s0  }
0xc3: {  	s0 =	sadd.s32 $0x8F2B, s0  }
0xc4: {  	[sflag:s0] =	ssyncadd.remote.s32 $0x1  }
0xc5: {  	_ =	sfence.sel $0xFFFF  }
0xc6: {  	[dreg:$0x0] =	wrdreg $0xFFFFFFFF;
	(pc) =	sbr.abs _section_cstart, $3  }
0xc7: {  	[dreg:$0x1] =	wrdreg $0xFFFFFFFF  }
0xc8: {  	_ =	task.clear_ibuf [dreg:s7], $0x2FFFF;
	_ =	strace $0x9FFFFFFF  }
0xc9: {  	(tm) =	ssettm $0x7FFFFFFF  }
tec
execute0_lowered:
.L_overlay_start_1:
0x0: {  	(tag) =	ssettag $0x1  }
0x1: {  	s0 =	rddreg [dreg:$0x0]  }
0x2: {  	s1 =	srdreg.scid;
	s6 =	rddreg [dreg:$0x1]  }
0x3: {  	s14 =	stileid.u32;
	s2 =	rddreg [dreg:$0x2];
	s3 =	simm.s32 $0x0  }
0x4: {  	s12 =	simm.s32 $0xC80;
	s13 =	simm.s32 $0x200;
	s22 =	simm.s32 $0xD00  }
0x5: {  	s28 =	simm.s32 $0x2;
	s29 =	simm.s32 $0xA400;
	s30 =	simm.s32 $0x3  }
0x6: {  	s1 =	sand.u32 $0x1, s1;
	s5 =	smul.u32 $0xC000, s14;
	[smem:$0x7FF] =	sst s3  }
0x7: {  	s7 =	smul.u32 $0x1800, s14;
	_ =	strace $0x8000004A;
	[dreg:$0xb] =	wrdreg s12  }
0x8: {  	s23 =	smul.u32 $0x50000, s14;
	s21 =	sadd.s32 $0x12C000, s2;
	[dreg:$0xc] =	wrdreg s13  }
0x9: {  	p0 =	seq.s32 s14, $0xF;
	s4 =	smul.u32 $0xC0000, s1;
	[dreg:$0xd] =	wrdreg s22  }
0xa: {  	s10 =	ssub.s32 $0x2, s1;
	s22 =	simm.s32 $0x380;
	[smem:$0x7F2] =	sst s21  }
0xb: {  	s12 =	smul.u32 $0x14000, s14;
	s14 =	simm.s32 $0x500;
	[dreg:$0x12] =	wrdreg s22  }
0xc: {  	s1 =	smul.u32 $0x13A000, s1;
	s6 =	sadd.s32 s7, s6;
	[dreg:$0x18] =	wrdreg s14  }
0xd: {  	s9 =	sadd.s32 s7, s0;
	s7 =	simm.s32 $0x1800;
	[dreg:$0x6] =	wrdreg s6  }
0xe: {  	s13 =	sadd.s32 $0x136000, s2;
	s22 =	simm.s32 $0x1180;
	[dreg:$0x7] =	wrdreg s7  }
0xf: {  	s11 =	sshrl.u32 s10, $0x1;
	s26 =	sadd.s32 $0x1B800, s9;
	[dreg:$0x1f] =	wrdreg s22  }
0x10: {  	s4 =	sadd.s32 s4, s5;
	s9 =	simm.s32 $0x100;
	[dreg:$0x5] =	wrdreg s26  }
0x11: {  	s10 =	ssub.s32 s10, s11;
	s11 =	simm.s32 $0x180;
	[dreg:$0x9] =	wrdreg s9  }
0x12: {  	s5 =	sshrl.u32 s23, $0x2;
	s23 =	simm.s32 $0x280;
	[dreg:$0xa] =	wrdreg s11  }
0x13: {  	s7 =	sadd.s32 $0x12E000, s2;
	s5 =	sadd.s32 s5, s2;
	[dreg:$0xe] =	wrdreg s23  }
0x14: {  	s12 =	sadd.s32 s12, s1;
	s26 =	simm.s32 $0xE00;
	[smem:$0x7EE] =	sst s5  }
0x15: {  	s6 =	sadd.s32 $0x138000, s2;
	s23 =	simm.s32 $0xE80;
	[dreg:$0x11] =	wrdreg s26  }
0x16: {  	s4 =	sshrl.u32 s4, $0x3;
	s10 =	smax.u32 s10, $0x1;
	[dreg:$0x13] =	wrdreg s23  }
0x17: {  	s9 =	sadd.s32 $0x132000, s2;
	s24 =	sadd.s32 $0x2000, s5;
	[smem:$0x7F1] =	sst s10  }
0x18: {  	s11 =	sadd.s32 $0x134000, s2;
	s25 =	sadd.s32 $0x4000, s5;
	[smem:$0x7EC] =	sst s24  }
0x19: {  	s12 =	sshrl.u32 s12, $0x3;
	s26 =	simm.s32 $0x480;
	[smem:$0x7ED] =	sst s25  }
0x1a: {  	s8 =	sadd.s32 s4, s0;
	s23 =	simm.s32 $0x700;
	[dreg:$0x16] =	wrdreg s26  }
0x1b: {  	s4 =	sadd.s32 $0x63800, s0;
	s8 =	sadd.s32 $0x33800, s8;
	[smem:$0x7FA] =	sst s23  }
0x1c: {  	s0 =	sadd.s32 $0xB1A00, s0;
	s24 =	simm.s32 $0xD80;
	[dreg:$0x4] =	wrdreg s8  }
0x1d: {  	s15 =	sadd.s32 $0x6000, s5;
	s25 =	simm.s32 $0x300;
	[dreg:$0xf] =	wrdreg s24  }
0x1e: {  	s16 =	sadd.s32 $0x8000, s5;
	s12 =	sadd.s32 s0, s12;
	[dreg:$0x10] =	wrdreg s25  }
0x1f: {  	s17 =	sadd.s32 $0xA000, s5;
	s15 =	smov.u32 @p0 s21;
	[smem:$0x7EF] =	sst s12  }
0x20: {  	s18 =	sadd.s32 $0xC000, s5;
	s16 =	smov.u32 @p0 s7;
	[smem:$0x7F3] =	sst s15  }
0x21: {  	s19 =	sadd.s32 $0xE000, s5;
	s18 =	smov.u32 @p0 s9;
	[smem:$0x7F4] =	sst s16  }
0x22: {  	s20 =	sadd.s32 $0x10000, s5;
	s19 =	smov.u32 @p0 s11;
	[smem:$0x7F6] =	sst s18  }
0x23: {  	s5 =	sadd.s32 $0x12000, s5;
	s20 =	smov.u32 @p0 s13;
	[smem:$0x7F7] =	sst s19  }
0x24: {  	s31 =	simm.s32 $0x4;
	s5 =	smov.u32 @p0 s6;
	[smem:$0x7F8] =	sst s20  }
0x25: {  	s1 =	sshrl.u32 s1, $0x3;
	s21 =	simm.s32 $0x680;
	[smem:$0x7F9] =	sst s5  }
0x26: {  	s22 =	simm.s32 $0x40;
	s26 =	simm.s32 $0x1280;
	[dreg:$0x1e] =	wrdreg s21  }
0x27: {  	s10 =	simm.s32 $0x1580;
	s8 =	simm.s32 $0x80;
	[smem:$0x7FD] =	sst s26  }
0x28: {  	s0 =	sadd.s32 s0, s1;
	s24 =	simm.s32 $0x400;
	[dreg:$0x8] =	wrdreg s8  }
0x29: {  	s23 =	simm.s32 $0x4400;
	s0 =	sadd.s32 $0x25800, s0;
	[dreg:$0x14] =	wrdreg s24  }
0x2a: {  	s1 =	simm.s32 $0x5;
	s25 =	simm.s32 $0xF00;
	[smem:$0x7F0] =	sst s0  }
0x2b: {  	s6 =	simm.s32 $0x1300;
	s12 =	simm.s32 $0xF80;
	[dreg:$0x15] =	wrdreg s25  }
0x2c: {  	s7 =	simm.s32 $0x880;
	s15 =	simm.s32 $0x1000;
	[dreg:$0x17] =	wrdreg s12  }
0x2d: {  	s9 =	simm.s32 $0x1500;
	s16 =	simm.s32 $0x580;
	[dreg:$0x19] =	wrdreg s15  }
0x2e: {  	s18 =	simm.s32 $0x600;
	s19 =	simm.s32 $0x1100;
	[dreg:$0x1a] =	wrdreg s16  }
0x2f: {  	s20 =	simm.s32 $0x6;
	s21 =	simm.s32 $0xC00;
	[dreg:$0x1c] =	wrdreg s18  }
0x30: {  	s26 =	simm.s32 $0x8400;
	s8 =	sadd.s32 $0x130000, s2;
	[dreg:$0x1d] =	wrdreg s19  }
0x31: {  	s19 =	simm.s32 $0x2400;
	s24 =	simm.s32 $0x1200;
	s25 =	simm.s32 $0x780  }
0x32: {  	s0 =	simm.s32 $0x800;
	s16 =	simm.s32 $0x1380;
	s15 =	simm.s32 $0x900  }
0x33: {  	s18 =	simm.s32 $0x980;
	s12 =	simm.s32 $0x0;
	[smem:$0x7FB] =	sst s24  }
0x34: {  	s17 =	smov.u32 @p0 s8;
	[smem:$0x7FC] =	sst s25;
	s24 =	simm.s32 $0x6400  }
0x35: {  	s25 =	simm.s32 $0x1;
	[smem:$0x7F5] =	sst s17;
	s17 =	simm.s32 $0x1080  }
0x36: {  	v0 =	vimm.f32 $0.0e+00;
	s8 =	simm.s32 $0x1480;
	[dreg:$0x1b] =	wrdreg s17;
	s17 =	simm.s32 $0x1400  }
.LBB2_1:
0x37: {  	[smem:$0x7EB] =	sst s12;
	s12 =	simm.s32 $0x0;
	s13 =	simm.s32 $0x200  }
.LBB2_2:
0x38: {  	p1 =	sne.s32 s13, $0x7E00;
	[tilespmem:s12+$0x2470] =	vst v0  }
0x39: {  	[tilespmem:s12+$0x2400] =	vst v0  }
0x3a: {  	[tilespmem:s12+$0x2410] =	vst v0  }
.Ltmp0:
0x3b: {  	[tilespmem:s12+$0x2420] =	vst v0;
	(pc) =	sbr.rel @p1 .LBB2_2-.Ltmp0, $4  }
0x3c: {  	[tilespmem:s12+$0x2430] =	vst v0  }
0x3d: {  	[tilespmem:s12+$0x2440] =	vst v0  }
0x3e: {  	[tilespmem:s12+$0x2450] =	vst v0  }
0x3f: {  	[tilespmem:s12+$0x2460] =	vst v0;
	s12 =	sshra.s32 s13, $0x2;
	s13 =	sadd.s32 $0x200, s13  }
0x40: {  	[tilespmem:s12+$0x2470] =	vst v0  }
0x41: {  	[tilespmem:s12+$0x2400] =	vst v0  }
0x42: {  	[tilespmem:s12+$0x2410] =	vst v0  }
0x43: {  	[tilespmem:s12+$0x2420] =	vst v0  }
0x44: {  	[tilespmem:s12+$0x2430] =	vst v0  }
0x45: {  	[tilespmem:s12+$0x2440] =	vst v0;
	s5 =	sld [smem:$0x7EE]  }
0x46: {  	[tilespmem:s12+$0x2450] =	vst v0  }
0x47: {  	[tilespmem:s12+$0x2460] =	vst v0;
	s12 =	simm.s32 @!p0 $0x2400;
	s13 =	simm.s32 @!p0 $0x6  }
0x48: {  	[spmem:s5] =	stream.linear.scatter @!p0 [tilespmem:s12], [sflag:$0x6], $0x2000, $0x38;
	[tilespmem:$0x1FE00] =	vst v63  }
0x49: {  	_ =	swait.ge @!p0 [sflag:s13], $0x2000  }
0x4a: {  	s5 =	sld [smem:$0x7EC]  }
0x4b: {  	[sflag:s13] =	ssyncset.done @!p0 $0x0  }
0x4c: {  	[sflag:s13] =	ssyncadd.s32 @!p0 $0xFFFFE000  }
0x4d: {  	[spmem:s5] =	stream.linear.scatter @!p0 [tilespmem:s12], [sflag:$0x6], $0x2000, $0x38;
	[tilespmem:$0x1FE00] =	vst v63  }
0x4e: {  	_ =	swait.ge @!p0 [sflag:s13], $0x2000  }
0x4f: {  	s5 =	sld [smem:$0x7ED]  }
0x50: {  	[sflag:s13] =	ssyncset.done @!p0 $0x0  }
0x51: {  	[sflag:s13] =	ssyncadd.s32 @!p0 $0xFFFFE000  }
0x52: {  	[spmem:s5] =	stream.linear.scatter @!p0 [tilespmem:s12], [sflag:$0x6], $0x2000, $0x38;
	[tilespmem:$0x1FE00] =	vst v63  }
0x53: {  	_ =	swait.ge @!p0 [sflag:s13], $0x2000  }
0x54: {  	s14 =	sld [smem:$0x7F3]  }
0x55: {  	[sflag:s13] =	ssyncset.done @!p0 $0x0  }
0x56: {  	[sflag:s13] =	ssyncadd.s32 @!p0 $0xFFFFE000  }
0x57: {  	[spmem:s14] =	stream.linear.scatter [tilespmem:s19], [sflag:$0x6], $0x2000, $0x38;
	[tilespmem:$0x1FE00] =	vst v63  }
0x58: {  	_ =	swait.ge [sflag:s20], $0x2000  }
0x59: {  	s11 =	sld [smem:$0x7F4]  }
0x5a: {  	[sflag:s20] =	ssyncset.done $0x0  }
0x5b: {  	[sflag:s20] =	ssyncadd.s32 $0xFFFFE000  }
0x5c: {  	[spmem:s11] =	stream.linear.scatter [tilespmem:s19], [sflag:$0x6], $0x2000, $0x38;
	[tilespmem:$0x1FE00] =	vst v63  }
0x5d: {  	_ =	swait.ge [sflag:s20], $0x2000  }
0x5e: {  	s12 =	sld [smem:$0x7F5]  }
0x5f: {  	[sflag:s20] =	ssyncset.done $0x0  }
0x60: {  	[sflag:s20] =	ssyncadd.s32 $0xFFFFE000  }
0x61: {  	[spmem:s12] =	stream.linear.scatter [tilespmem:s19], [sflag:$0x6], $0x2000, $0x38;
	[tilespmem:$0x1FE00] =	vst v63  }
0x62: {  	_ =	swait.ge [sflag:s20], $0x2000  }
0x63: {  	s13 =	sld [smem:$0x7F6]  }
0x64: {  	[sflag:s20] =	ssyncset.done $0x0  }
0x65: {  	[sflag:s20] =	ssyncadd.s32 $0xFFFFE000  }
0x66: {  	[spmem:s13] =	stream.linear.scatter [tilespmem:s19], [sflag:$0x6], $0x2000, $0x38;
	[tilespmem:$0x1FE00] =	vst v63  }
0x67: {  	_ =	swait.ge [sflag:s20], $0x2000  }
0x68: {  	s14 =	sld [smem:$0x7F7]  }
0x69: {  	[sflag:s20] =	ssyncset.done $0x0  }
0x6a: {  	[sflag:s20] =	ssyncadd.s32 $0xFFFFE000  }
0x6b: {  	[spmem:s14] =	stream.linear.scatter [tilespmem:s19], [sflag:$0x6], $0x2000, $0x38;
	[tilespmem:$0x1FE00] =	vst v63  }
0x6c: {  	_ =	swait.ge [sflag:s20], $0x2000  }
0x6d: {  	s11 =	sld [smem:$0x7F8]  }
0x6e: {  	[sflag:s20] =	ssyncset.done $0x0  }
0x6f: {  	[sflag:s20] =	ssyncadd.s32 $0xFFFFE000  }
0x70: {  	[spmem:s11] =	stream.linear.scatter [tilespmem:s19], [sflag:$0x6], $0x2000, $0x38;
	[tilespmem:$0x1FE00] =	vst v63  }
0x71: {  	_ =	swait.ge [sflag:s20], $0x2000  }
0x72: {  	s12 =	sld [smem:$0x7F9]  }
0x73: {  	[sflag:s20] =	ssyncset.done $0x0  }
0x74: {  	[sflag:s20] =	ssyncadd.s32 $0xFFFFE000  }
0x75: {  	[spmem:s12] =	stream.linear.scatter [tilespmem:s19], [sflag:$0x6], $0x2000, $0x38;
	[tilespmem:$0x1FE00] =	vst v63  }
0x76: {  	_ =	swait.ge [sflag:s20], $0x2000  }
0x77: {  	[sflag:s20] =	ssyncset.done $0x0  }
0x78: {  	[sflag:s20] =	ssyncadd.s32 $0xFFFFE000  }
0x79: {  	[bflag:$0x0] =	sbarrier.arrive $0xFFFF  }
0x7a: {  	s13 =	rddreg [dreg:$0x4]  }
0x7b: {  	s12 =	sadd.s32 $0x0, s13  }
0x7c: {  	[tilespmem:s3], [sflag:$0x6] =	stream.linear.gather [hbm4b:s12+s3], $0xA00, $0x38;
	[tilespmem:$0x1FE00] =	vst v63  }
0x7d: {  	_ =	swait.ge [sflag:s20], $0xA00  }
0x7e: {  	s14 =	rddreg [dreg:$0x6];
	[sflag:s20] =	ssyncset.done $0x0  }
0x7f: {  	[sflag:s20] =	ssyncadd.s32 $0xFFFFF600;
	s12 =	sadd.s32 $0x0, s14  }
0x80: {  	[tilespmem:s21], [sflag:$0x6] =	stream.linear.gather [hbm4b:s12+s3], $0xA00, $0x38;
	[tilespmem:$0x1FE00] =	vst v63  }
0x81: {  	_ =	swait.ge [sflag:s20], $0xA00  }
0x82: {  	s5 =	rddreg [dreg:$0x5];
	[sflag:s20] =	ssyncset.done $0x0  }
0x83: {  	s11 =	rddreg [dreg:$0x7];
	[sflag:s20] =	ssyncadd.s32 $0xFFFFF600;
	s12 =	sadd.s32 $0x0, s5  }
0x84: {  	[tilespmem:s11], [sflag:$0x6] =	stream.linear.gather [hbm4b:s12+s3], $0xA00, $0x38;
	[tilespmem:$0x1FE00] =	vst v63  }
0x85: {  	_ =	swait.ge [sflag:s20], $0xA00  }
0x86: {  	[sflag:s20] =	ssyncset.done $0x0  }
0x87: {  	[sflag:s20] =	ssyncadd.s32 $0xFFFFF600  }
0x88: {  	[tilespmem:s19], [sflag:$0x1] =	stream.indirect.gather [hbm4b:s4+s22], $0x80, s3, s22, $0xb8;
	[tilespmem:$0x1FE00] =	vst v63  }
0x89: {  	s14 =	rddreg [dreg:$0x8]  }
0x8a: {  	[tilespmem:s23], [sflag:$0x2] =	stream.indirect.gather [hbm4b:s4+s22], $0x80, s14, s22, $0xb8;
	[tilespmem:$0x1FE00] =	vst v63  }
0x8b: {  	s5 =	rddreg [dreg:$0x9]  }
0x8c: {  	[tilespmem:s24], [sflag:$0x3] =	stream.indirect.gather [hbm4b:s4+s22], $0x80, s5, s22, $0xb8;
	[tilespmem:$0x1FE00] =	vst v63  }
0x8d: {  	_ =	swait.ge [sflag:s25], $0x2000  }
0x8e: {  	[sflag:s25] =	ssyncset.done $0x0  }
0x8f: {  	[sflag:s25] =	ssyncadd.s32 $0xFFFFE000  }
0x90: {  	[spmem:s2] =	stream.indirect.scatter.add.f32 [tilespmem:s26], [sflag:$0x4], $0x80, s21, s22, $0xb8;
	[tilespmem:$0x1FE00] =	vst v63  }
0x91: {  	s11 =	rddreg [dreg:$0xa]  }
0x92: {  	[tilespmem:s19], [sflag:$0x1] =	stream.indirect.gather [hbm4b:s4+s22], $0x80, s11, s22, $0xb8;
	[tilespmem:$0x1FE00] =	vst v63  }
0x93: {  	_ =	swait.ge [sflag:s28], $0x2000  }
0x94: {  	[sflag:s28] =	ssyncset.done $0x0  }
0x95: {  	s13 =	rddreg [dreg:$0xb];
	[sflag:s28] =	ssyncadd.s32 $0xFFFFE000  }
0x96: {  	[spmem:s2] =	stream.indirect.scatter.add.f32 [tilespmem:s29], [sflag:$0x5], $0x80, s13, s22, $0xb8;
	[tilespmem:$0x1FE00] =	vst v63  }
0x97: {  	s14 =	rddreg [dreg:$0xc]  }
0x98: {  	[tilespmem:s23], [sflag:$0x2] =	stream.indirect.gather [hbm4b:s4+s22], $0x80, s14, s22, $0xb8;
	[tilespmem:$0x1FE00] =	vst v63  }
0x99: {  	_ =	swait.ge [sflag:s30], $0x2000  }
0x9a: {  	[sflag:s30] =	ssyncset.done $0x0  }
0x9b: {  	[sflag:s30] =	ssyncadd.s32 $0xFFFFE000  }
0x9c: {  	_ =	swait.ge [sflag:s31], $0x2000  }
0x9d: {  	[sflag:s31] =	ssyncset.done $0x0  }
0x9e: {  	s5 =	rddreg [dreg:$0xd];
	[sflag:s31] =	ssyncadd.s32 $0xFFFFE000  }
0x9f: {  	[spmem:s2] =	stream.indirect.scatter.add.f32 [tilespmem:s26], [sflag:$0x4], $0x80, s5, s22, $0xb8;
	[tilespmem:$0x1FE00] =	vst v63  }
0xa0: {  	s11 =	rddreg [dreg:$0xe]  }
0xa1: {  	[tilespmem:s24], [sflag:$0x3] =	stream.indirect.gather [hbm4b:s4+s22], $0x80, s11, s22, $0xb8;
	[tilespmem:$0x1FE00] =	vst v63  }
0xa2: {  	_ =	swait.ge [sflag:s25], $0x2000  }
0xa3: {  	[sflag:s25] =	ssyncset.done $0x0  }
0xa4: {  	[sflag:s25] =	ssyncadd.s32 $0xFFFFE000  }
0xa5: {  	_ =	swait.ge [sflag:s1], $0x2000  }
0xa6: {  	[sflag:s1] =	ssyncset.done $0x0  }
0xa7: {  	s13 =	rddreg [dreg:$0xf];
	[sflag:s1] =	ssyncadd.s32 $0xFFFFE000  }
0xa8: {  	[spmem:s2] =	stream.indirect.scatter.add.f32 [tilespmem:s29], [sflag:$0x5], $0x80, s13, s22, $0xb8;
	[tilespmem:$0x1FE00] =	vst v63  }
0xa9: {  	s14 =	rddreg [dreg:$0x10]  }
0xaa: {  	[tilespmem:s19], [sflag:$0x1] =	stream.indirect.gather [hbm4b:s4+s22], $0x80, s14, s22, $0xb8;
	[tilespmem:$0x1FE00] =	vst v63  }
0xab: {  	_ =	swait.ge [sflag:s28], $0x2000  }
0xac: {  	[sflag:s28] =	ssyncset.done $0x0  }
0xad: {  	[sflag:s28] =	ssyncadd.s32 $0xFFFFE000  }
0xae: {  	_ =	swait.ge [sflag:s31], $0x2000  }
0xaf: {  	[sflag:s31] =	ssyncset.done $0x0  }
0xb0: {  	s5 =	rddreg [dreg:$0x11];
	[sflag:s31] =	ssyncadd.s32 $0xFFFFE000  }
0xb1: {  	[spmem:s2] =	stream.indirect.scatter.add.f32 [tilespmem:s26], [sflag:$0x4], $0x80, s5, s22, $0xb8;
	[tilespmem:$0x1FE00] =	vst v63  }
0xb2: {  	s11 =	rddreg [dreg:$0x12]  }
0xb3: {  	[tilespmem:s23], [sflag:$0x2] =	stream.indirect.gather [hbm4b:s4+s22], $0x80, s11, s22, $0xb8;
	[tilespmem:$0x1FE00] =	vst v63  }
0xb4: {  	_ =	swait.ge [sflag:s30], $0x2000  }
0xb5: {  	[sflag:s30] =	ssyncset.done $0x0  }
0xb6: {  	[sflag:s30] =	ssyncadd.s32 $0xFFFFE000  }
0xb7: {  	_ =	swait.ge [sflag:s1], $0x2000  }
0xb8: {  	[sflag:s1] =	ssyncset.done $0x0  }
0xb9: {  	s13 =	rddreg [dreg:$0x13];
	[sflag:s1] =	ssyncadd.s32 $0xFFFFE000  }
0xba: {  	[spmem:s2] =	stream.indirect.scatter.add.f32 [tilespmem:s29], [sflag:$0x5], $0x80, s13, s22, $0xb8;
	[tilespmem:$0x1FE00] =	vst v63  }
0xbb: {  	s14 =	rddreg [dreg:$0x14]  }
0xbc: {  	[tilespmem:s24], [sflag:$0x3] =	stream.indirect.gather [hbm4b:s4+s22], $0x80, s14, s22, $0xb8;
	[tilespmem:$0x1FE00] =	vst v63  }
0xbd: {  	_ =	swait.ge [sflag:s25], $0x2000  }
0xbe: {  	[sflag:s25] =	ssyncset.done $0x0  }
0xbf: {  	[sflag:s25] =	ssyncadd.s32 $0xFFFFE000  }
0xc0: {  	_ =	swait.ge [sflag:s31], $0x2000  }
0xc1: {  	[sflag:s31] =	ssyncset.done $0x0  }
0xc2: {  	s5 =	rddreg [dreg:$0x15];
	[sflag:s31] =	ssyncadd.s32 $0xFFFFE000  }
0xc3: {  	[spmem:s2] =	stream.indirect.scatter.add.f32 [tilespmem:s26], [sflag:$0x4], $0x80, s5, s22, $0xb8;
	[tilespmem:$0x1FE00] =	vst v63  }
0xc4: {  	s11 =	rddreg [dreg:$0x16]  }
0xc5: {  	[tilespmem:s19], [sflag:$0x1] =	stream.indirect.gather [hbm4b:s4+s22], $0x80, s11, s22, $0xb8;
	[tilespmem:$0x1FE00] =	vst v63  }
0xc6: {  	_ =	swait.ge [sflag:s28], $0x2000  }
0xc7: {  	[sflag:s28] =	ssyncset.done $0x0  }
0xc8: {  	[sflag:s28] =	ssyncadd.s32 $0xFFFFE000  }
0xc9: {  	_ =	swait.ge [sflag:s1], $0x2000  }
0xca: {  	[sflag:s1] =	ssyncset.done $0x0  }
0xcb: {  	s13 =	rddreg [dreg:$0x17];
	[sflag:s1] =	ssyncadd.s32 $0xFFFFE000  }
0xcc: {  	[spmem:s2] =	stream.indirect.scatter.add.f32 [tilespmem:s29], [sflag:$0x5], $0x80, s13, s22, $0xb8;
	[tilespmem:$0x1FE00] =	vst v63  }
0xcd: {  	s14 =	rddreg [dreg:$0x18]  }
0xce: {  	[tilespmem:s23], [sflag:$0x2] =	stream.indirect.gather [hbm4b:s4+s22], $0x80, s14, s22, $0xb8;
	[tilespmem:$0x1FE00] =	vst v63  }
0xcf: {  	_ =	swait.ge [sflag:s30], $0x2000  }
0xd0: {  	[sflag:s30] =	ssyncset.done $0x0  }
0xd1: {  	[sflag:s30] =	ssyncadd.s32 $0xFFFFE000  }
0xd2: {  	_ =	swait.ge [sflag:s31], $0x2000  }
0xd3: {  	[sflag:s31] =	ssyncset.done $0x0  }
0xd4: {  	s5 =	rddreg [dreg:$0x19];
	[sflag:s31] =	ssyncadd.s32 $0xFFFFE000  }
0xd5: {  	[spmem:s2] =	stream.indirect.scatter.add.f32 [tilespmem:s26], [sflag:$0x4], $0x80, s5, s22, $0xb8;
	[tilespmem:$0x1FE00] =	vst v63  }
0xd6: {  	s11 =	rddreg [dreg:$0x1a]  }
0xd7: {  	[tilespmem:s24], [sflag:$0x3] =	stream.indirect.gather [hbm4b:s4+s22], $0x80, s11, s22, $0xb8;
	[tilespmem:$0x1FE00] =	vst v63  }
0xd8: {  	_ =	swait.ge [sflag:s25], $0x2000  }
0xd9: {  	[sflag:s25] =	ssyncset.done $0x0  }
0xda: {  	[sflag:s25] =	ssyncadd.s32 $0xFFFFE000  }
0xdb: {  	_ =	swait.ge [sflag:s1], $0x2000  }
0xdc: {  	[sflag:s1] =	ssyncset.done $0x0  }
0xdd: {  	s13 =	rddreg [dreg:$0x1b];
	[sflag:s1] =	ssyncadd.s32 $0xFFFFE000  }
0xde: {  	[spmem:s2] =	stream.indirect.scatter.add.f32 [tilespmem:s29], [sflag:$0x5], $0x80, s13, s22, $0xb8;
	[tilespmem:$0x1FE00] =	vst v63  }
0xdf: {  	s14 =	rddreg [dreg:$0x1c]  }
0xe0: {  	[tilespmem:s19], [sflag:$0x1] =	stream.indirect.gather [hbm4b:s4+s22], $0x80, s14, s22, $0xb8;
	[tilespmem:$0x1FE00] =	vst v63  }
0xe1: {  	_ =	swait.ge [sflag:s28], $0x2000  }
0xe2: {  	[sflag:s28] =	ssyncset.done $0x0  }
0xe3: {  	[sflag:s28] =	ssyncadd.s32 $0xFFFFE000  }
0xe4: {  	_ =	swait.ge [sflag:s31], $0x2000  }
0xe5: {  	[sflag:s31] =	ssyncset.done $0x0  }
0xe6: {  	s5 =	rddreg [dreg:$0x1d];
	[sflag:s31] =	ssyncadd.s32 $0xFFFFE000  }
0xe7: {  	[spmem:s2] =	stream.indirect.scatter.add.f32 [tilespmem:s26], [sflag:$0x4], $0x80, s5, s22, $0xb8;
	[tilespmem:$0x1FE00] =	vst v63  }
0xe8: {  	s11 =	rddreg [dreg:$0x1e]  }
0xe9: {  	[tilespmem:s23], [sflag:$0x2] =	stream.indirect.gather [hbm4b:s4+s22], $0x80, s11, s22, $0xb8;
	[tilespmem:$0x1FE00] =	vst v63  }
0xea: {  	_ =	swait.ge [sflag:s30], $0x2000  }
0xeb: {  	[sflag:s30] =	ssyncset.done $0x0  }
0xec: {  	[sflag:s30] =	ssyncadd.s32 $0xFFFFE000  }
0xed: {  	_ =	swait.ge [sflag:s1], $0x2000  }
0xee: {  	s13 =	rddreg [dreg:$0x1f];
	[sflag:s1] =	ssyncset.done $0x0  }
0xef: {  	s14 =	sld [smem:$0x7FA];
	[sflag:s1] =	ssyncadd.s32 $0xFFFFE000  }
0xf0: {  	[spmem:s2] =	stream.indirect.scatter.add.f32 [tilespmem:s29], [sflag:$0x5], $0x80, s13, s22, $0xb8;
	[tilespmem:$0x1FE00] =	vst v63  }
0xf1: {  	_ = 	snop  }
0xf2: {  	[tilespmem:s24], [sflag:$0x3] =	stream.indirect.gather [hbm4b:s4+s22], $0x80, s14, s22, $0xb8;
	[tilespmem:$0x1FE00] =	vst v63  }
0xf3: {  	_ =	swait.ge [sflag:s25], $0x2000  }
0xf4: {  	[sflag:s25] =	ssyncset.done $0x0  }
0xf5: {  	[sflag:s25] =	ssyncadd.s32 $0xFFFFE000  }
0xf6: {  	_ =	swait.ge [sflag:s31], $0x2000  }
0xf7: {  	s5 =	sld [smem:$0x7FB]  }
0xf8: {  	[sflag:s31] =	ssyncset.done $0x0  }
0xf9: {  	s11 =	sld [smem:$0x7FC];
	[sflag:s31] =	ssyncadd.s32 $0xFFFFE000  }
0xfa: {  	[spmem:s2] =	stream.indirect.scatter.add.f32 [tilespmem:s26], [sflag:$0x4], $0x80, s5, s22, $0xb8;
	[tilespmem:$0x1FE00] =	vst v63  }
0xfb: {  	_ = 	snop  }
0xfc: {  	[tilespmem:s19], [sflag:$0x1] =	stream.indirect.gather [hbm4b:s4+s22], $0x80, s11, s22, $0xb8;
	[tilespmem:$0x1FE00] =	vst v63  }
0xfd: {  	_ =	swait.ge [sflag:s28], $0x2000  }
0xfe: {  	[sflag:s28] =	ssyncset.done $0x0  }
0xff: {  	[sflag:s28] =	ssyncadd.s32 $0xFFFFE000  }
0x100: {  	_ =	swait.ge [sflag:s1], $0x2000  }
0x101: {  	s14 =	sld [smem:$0x7FD]  }
0x102: {  	[sflag:s1] =	ssyncset.done $0x0  }
0x103: {  	[sflag:s1] =	ssyncadd.s32 $0xFFFFE000  }
0x104: {  	[spmem:s2] =	stream.indirect.scatter.add.f32 [tilespmem:s29], [sflag:$0x5], $0x80, s14, s22, $0xb8;
	[tilespmem:$0x1FE00] =	vst v63  }
0x105: {  	_ = 	snop  }
0x106: {  	[tilespmem:s23], [sflag:$0x2] =	stream.indirect.gather [hbm4b:s4+s22], $0x80, s0, s22, $0xb8;
	[tilespmem:$0x1FE00] =	vst v63  }
0x107: {  	_ =	swait.ge [sflag:s30], $0x2000  }
0x108: {  	[sflag:s30] =	ssyncset.done $0x0  }
0x109: {  	[sflag:s30] =	ssyncadd.s32 $0xFFFFE000  }
0x10a: {  	_ =	swait.ge [sflag:s31], $0x2000  }
0x10b: {  	[sflag:s31] =	ssyncset.done $0x0  }
0x10c: {  	[sflag:s31] =	ssyncadd.s32 $0xFFFFE000  }
0x10d: {  	[spmem:s2] =	stream.indirect.scatter.add.f32 [tilespmem:s26], [sflag:$0x4], $0x80, s6, s22, $0xb8;
	[tilespmem:$0x1FE00] =	vst v63  }
0x10e: {  	_ = 	snop  }
0x10f: {  	[tilespmem:s24], [sflag:$0x3] =	stream.indirect.gather [hbm4b:s4+s22], $0x80, s7, s22, $0xb8;
	[tilespmem:$0x1FE00] =	vst v63  }
0x110: {  	_ =	swait.ge [sflag:s25], $0x2000  }
0x111: {  	[sflag:s25] =	ssyncset.done $0x0  }
0x112: {  	[sflag:s25] =	ssyncadd.s32 $0xFFFFE000  }
0x113: {  	_ =	swait.ge [sflag:s1], $0x2000  }
0x114: {  	[sflag:s1] =	ssyncset.done $0x0  }
0x115: {  	[sflag:s1] =	ssyncadd.s32 $0xFFFFE000  }
0x116: {  	[spmem:s2] =	stream.indirect.scatter.add.f32 [tilespmem:s29], [sflag:$0x5], $0x80, s16, s22, $0xb8;
	[tilespmem:$0x1FE00] =	vst v63  }
0x117: {  	_ = 	snop  }
0x118: {  	[tilespmem:s19], [sflag:$0x1] =	stream.indirect.gather [hbm4b:s4+s22], $0x80, s15, s22, $0xb8;
	[tilespmem:$0x1FE00] =	vst v63  }
0x119: {  	_ =	swait.ge [sflag:s28], $0x2000  }
0x11a: {  	[sflag:s28] =	ssyncset.done $0x0  }
0x11b: {  	[sflag:s28] =	ssyncadd.s32 $0xFFFFE000  }
0x11c: {  	_ =	swait.ge [sflag:s31], $0x2000  }
0x11d: {  	[sflag:s31] =	ssyncset.done $0x0  }
0x11e: {  	[sflag:s31] =	ssyncadd.s32 $0xFFFFE000  }
0x11f: {  	[spmem:s2] =	stream.indirect.scatter.add.f32 [tilespmem:s26], [sflag:$0x4], $0x80, s17, s22, $0xb8;
	[tilespmem:$0x1FE00] =	vst v63  }
0x120: {  	_ = 	snop  }
0x121: {  	[tilespmem:s23], [sflag:$0x2] =	stream.indirect.gather [hbm4b:s4+s22], $0x80, s18, s22, $0xb8;
	[tilespmem:$0x1FE00] =	vst v63  }
0x122: {  	_ =	swait.ge [sflag:s30], $0x2000  }
0x123: {  	[sflag:s30] =	ssyncset.done $0x0  }
0x124: {  	[sflag:s30] =	ssyncadd.s32 $0xFFFFE000  }
0x125: {  	_ =	swait.ge [sflag:s1], $0x2000  }
0x126: {  	[sflag:s1] =	ssyncset.done $0x0  }
0x127: {  	[sflag:s1] =	ssyncadd.s32 $0xFFFFE000  }
0x128: {  	[spmem:s2] =	stream.indirect.scatter.add.f32 [tilespmem:s29], [sflag:$0x5], $0x80, s8, s22, $0xb8;
	[tilespmem:$0x1FE00] =	vst v63  }
0x129: {  	_ =	swait.ge [sflag:s25], $0x2000  }
0x12a: {  	[sflag:s25] =	ssyncset.done $0x0  }
0x12b: {  	[sflag:s25] =	ssyncadd.s32 $0xFFFFE000  }
0x12c: {  	_ =	swait.ge [sflag:s31], $0x2000  }
0x12d: {  	[sflag:s31] =	ssyncset.done $0x0  }
0x12e: {  	[sflag:s31] =	ssyncadd.s32 $0xFFFFE000  }
0x12f: {  	[spmem:s2] =	stream.indirect.scatter.add.f32 [tilespmem:s26], [sflag:$0x4], $0x80, s9, s22, $0xb8;
	[tilespmem:$0x1FE00] =	vst v63  }
0x130: {  	_ =	swait.ge [sflag:s28], $0x2000  }
0x131: {  	[sflag:s28] =	ssyncset.done $0x0  }
0x132: {  	[sflag:s28] =	ssyncadd.s32 $0xFFFFE000  }
0x133: {  	_ =	swait.ge [sflag:s1], $0x2000  }
0x134: {  	[sflag:s1] =	ssyncset.done $0x0  }
0x135: {  	[sflag:s1] =	ssyncadd.s32 $0xFFFFE000  }
0x136: {  	[spmem:s2] =	stream.indirect.scatter.add.f32 [tilespmem:s29], [sflag:$0x5], $0x80, s10, s22, $0xb8;
	[tilespmem:$0x1FE00] =	vst v63  }
0x137: {  	_ =	swait.ge [sflag:s31], $0x2000  }
0x138: {  	[sflag:s31] =	ssyncset.done $0x0  }
0x139: {  	[sflag:s31] =	ssyncadd.s32 $0xFFFFE000  }
0x13a: {  	s12 =	simm.s32 $0x180;
	_ =	swait.ge [sflag:s1], $0x2000  }
0x13b: {  	s13 =	simm.s32 $0x300;
	s14 =	rddreg [dreg:$0x4];
	[sflag:s1] =	ssyncset.done $0x0  }
.LBB2_4:
0x13c: {  	[sflag:s1] =	ssyncadd.s32 $0xFFFFE000;
	s14 =	sadd.s32 s12, s14  }
0x13d: {  	[tilespmem:s3], [sflag:$0x6] =	stream.linear.gather [hbm4b:s14+s3], $0xA00, $0x38;
	[tilespmem:$0x1FE00] =	vst v63  }
0x13e: {  	_ =	swait.ge [sflag:s20], $0xA00  }
0x13f: {  	s11 =	rddreg [dreg:$0x6];
	[sflag:s20] =	ssyncset.done $0x0  }
0x140: {  	[sflag:s20] =	ssyncadd.s32 $0xFFFFF600;
	s14 =	sadd.s32 s12, s11  }
0x141: {  	[tilespmem:s21], [sflag:$0x6] =	stream.linear.gather [hbm4b:s14+s3], $0xA00, $0x38;
	[tilespmem:$0x1FE00] =	vst v63  }
0x142: {  	_ =	swait.ge [sflag:s20], $0xA00  }
0x143: {  	s14 =	rddreg [dreg:$0x5];
	[sflag:s20] =	ssyncset.done $0x0  }
0x144: {  	s11 =	rddreg [dreg:$0x7];
	[sflag:s20] =	ssyncadd.s32 $0xFFFFF600;
	s14 =	sadd.s32 s12, s14  }
0x145: {  	[tilespmem:s11], [sflag:$0x6] =	stream.linear.gather [hbm4b:s14+s3], $0xA00, $0x38;
	[tilespmem:$0x1FE00] =	vst v63  }
0x146: {  	_ =	swait.ge [sflag:s20], $0xA00  }
0x147: {  	[sflag:s20] =	ssyncset.done $0x0  }
0x148: {  	[sflag:s20] =	ssyncadd.s32 $0xFFFFF600  }
0x149: {  	[tilespmem:s19], [sflag:$0x1] =	stream.indirect.gather [hbm4b:s4+s22], $0x80, s3, s22, $0xb8;
	[tilespmem:$0x1FE00] =	vst v63  }
0x14a: {  	s11 =	rddreg [dreg:$0x8]  }
0x14b: {  	[tilespmem:s23], [sflag:$0x2] =	stream.indirect.gather [hbm4b:s4+s22], $0x80, s11, s22, $0xb8;
	[tilespmem:$0x1FE00] =	vst v63  }
0x14c: {  	s14 =	rddreg [dreg:$0x9]  }
0x14d: {  	[tilespmem:s24], [sflag:$0x3] =	stream.indirect.gather [hbm4b:s4+s22], $0x80, s14, s22, $0xb8;
	[tilespmem:$0x1FE00] =	vst v63  }
0x14e: {  	_ =	swait.ge [sflag:s25], $0x2000  }
0x14f: {  	[sflag:s25] =	ssyncset.done $0x0  }
0x150: {  	[sflag:s25] =	ssyncadd.s32 $0xFFFFE000  }
0x151: {  	[spmem:s2] =	stream.indirect.scatter.add.f32 [tilespmem:s26], [sflag:$0x4], $0x80, s21, s22, $0xb8;
	[tilespmem:$0x1FE00] =	vst v63  }
0x152: {  	s14 =	rddreg [dreg:$0xa]  }
0x153: {  	[tilespmem:s19], [sflag:$0x1] =	stream.indirect.gather [hbm4b:s4+s22], $0x80, s14, s22, $0xb8;
	[tilespmem:$0x1FE00] =	vst v63  }
0x154: {  	_ =	swait.ge [sflag:s28], $0x2000  }
0x155: {  	[sflag:s28] =	ssyncset.done $0x0  }
0x156: {  	s11 =	rddreg [dreg:$0xb];
	[sflag:s28] =	ssyncadd.s32 $0xFFFFE000  }
0x157: {  	[spmem:s2] =	stream.indirect.scatter.add.f32 [tilespmem:s29], [sflag:$0x5], $0x80, s11, s22, $0xb8;
	[tilespmem:$0x1FE00] =	vst v63  }
0x158: {  	s14 =	rddreg [dreg:$0xc]  }
0x159: {  	[tilespmem:s23], [sflag:$0x2] =	stream.indirect.gather [hbm4b:s4+s22], $0x80, s14, s22, $0xb8;
	[tilespmem:$0x1FE00] =	vst v63  }
0x15a: {  	_ =	swait.ge [sflag:s30], $0x2000  }
0x15b: {  	[sflag:s30] =	ssyncset.done $0x0  }
0x15c: {  	[sflag:s30] =	ssyncadd.s32 $0xFFFFE000  }
0x15d: {  	_ =	swait.ge [sflag:s31], $0x2000  }
0x15e: {  	[sflag:s31] =	ssyncset.done $0x0  }
0x15f: {  	s11 =	rddreg [dreg:$0xd];
	[sflag:s31] =	ssyncadd.s32 $0xFFFFE000  }
0x160: {  	[spmem:s2] =	stream.indirect.scatter.add.f32 [tilespmem:s26], [sflag:$0x4], $0x80, s11, s22, $0xb8;
	[tilespmem:$0x1FE00] =	vst v63  }
0x161: {  	s14 =	rddreg [dreg:$0xe]  }
0x162: {  	[tilespmem:s24], [sflag:$0x3] =	stream.indirect.gather [hbm4b:s4+s22], $0x80, s14, s22, $0xb8;
	[tilespmem:$0x1FE00] =	vst v63  }
0x163: {  	_ =	swait.ge [sflag:s25], $0x2000  }
0x164: {  	[sflag:s25] =	ssyncset.done $0x0  }
0x165: {  	[sflag:s25] =	ssyncadd.s32 $0xFFFFE000  }
0x166: {  	_ =	swait.ge [sflag:s1], $0x2000  }
0x167: {  	[sflag:s1] =	ssyncset.done $0x0  }
0x168: {  	s11 =	rddreg [dreg:$0xf];
	[sflag:s1] =	ssyncadd.s32 $0xFFFFE000  }
0x169: {  	[spmem:s2] =	stream.indirect.scatter.add.f32 [tilespmem:s29], [sflag:$0x5], $0x80, s11, s22, $0xb8;
	[tilespmem:$0x1FE00] =	vst v63  }
0x16a: {  	s14 =	rddreg [dreg:$0x10]  }
0x16b: {  	[tilespmem:s19], [sflag:$0x1] =	stream.indirect.gather [hbm4b:s4+s22], $0x80, s14, s22, $0xb8;
	[tilespmem:$0x1FE00] =	vst v63  }
0x16c: {  	_ =	swait.ge [sflag:s28], $0x2000  }
0x16d: {  	[sflag:s28] =	ssyncset.done $0x0  }
0x16e: {  	[sflag:s28] =	ssyncadd.s32 $0xFFFFE000  }
0x16f: {  	_ =	swait.ge [sflag:s31], $0x2000  }
0x170: {  	[sflag:s31] =	ssyncset.done $0x0  }
0x171: {  	s11 =	rddreg [dreg:$0x11];
	[sflag:s31] =	ssyncadd.s32 $0xFFFFE000  }
0x172: {  	[spmem:s2] =	stream.indirect.scatter.add.f32 [tilespmem:s26], [sflag:$0x4], $0x80, s11, s22, $0xb8;
	[tilespmem:$0x1FE00] =	vst v63  }
0x173: {  	s14 =	rddreg [dreg:$0x12]  }
0x174: {  	[tilespmem:s23], [sflag:$0x2] =	stream.indirect.gather [hbm4b:s4+s22], $0x80, s14, s22, $0xb8;
	[tilespmem:$0x1FE00] =	vst v63  }
0x175: {  	_ =	swait.ge [sflag:s30], $0x2000  }
0x176: {  	[sflag:s30] =	ssyncset.done $0x0  }
0x177: {  	[sflag:s30] =	ssyncadd.s32 $0xFFFFE000  }
0x178: {  	_ =	swait.ge [sflag:s1], $0x2000  }
0x179: {  	[sflag:s1] =	ssyncset.done $0x0  }
0x17a: {  	s11 =	rddreg [dreg:$0x13];
	[sflag:s1] =	ssyncadd.s32 $0xFFFFE000  }
0x17b: {  	[spmem:s2] =	stream.indirect.scatter.add.f32 [tilespmem:s29], [sflag:$0x5], $0x80, s11, s22, $0xb8;
	[tilespmem:$0x1FE00] =	vst v63  }
0x17c: {  	s14 =	rddreg [dreg:$0x14]  }
0x17d: {  	[tilespmem:s24], [sflag:$0x3] =	stream.indirect.gather [hbm4b:s4+s22], $0x80, s14, s22, $0xb8;
	[tilespmem:$0x1FE00] =	vst v63  }
0x17e: {  	_ =	swait.ge [sflag:s25], $0x2000  }
0x17f: {  	[sflag:s25] =	ssyncset.done $0x0  }
0x180: {  	[sflag:s25] =	ssyncadd.s32 $0xFFFFE000  }
0x181: {  	_ =	swait.ge [sflag:s31], $0x2000  }
0x182: {  	[sflag:s31] =	ssyncset.done $0x0  }
0x183: {  	s11 =	rddreg [dreg:$0x15];
	[sflag:s31] =	ssyncadd.s32 $0xFFFFE000  }
0x184: {  	[spmem:s2] =	stream.indirect.scatter.add.f32 [tilespmem:s26], [sflag:$0x4], $0x80, s11, s22, $0xb8;
	[tilespmem:$0x1FE00] =	vst v63  }
0x185: {  	s14 =	rddreg [dreg:$0x16]  }
0x186: {  	[tilespmem:s19], [sflag:$0x1] =	stream.indirect.gather [hbm4b:s4+s22], $0x80, s14, s22, $0xb8;
	[tilespmem:$0x1FE00] =	vst v63  }
0x187: {  	_ =	swait.ge [sflag:s28], $0x2000  }
0x188: {  	[sflag:s28] =	ssyncset.done $0x0  }
0x189: {  	[sflag:s28] =	ssyncadd.s32 $0xFFFFE000  }
0x18a: {  	_ =	swait.ge [sflag:s1], $0x2000  }
0x18b: {  	[sflag:s1] =	ssyncset.done $0x0  }
0x18c: {  	s11 =	rddreg [dreg:$0x17];
	[sflag:s1] =	ssyncadd.s32 $0xFFFFE000  }
0x18d: {  	[spmem:s2] =	stream.indirect.scatter.add.f32 [tilespmem:s29], [sflag:$0x5], $0x80, s11, s22, $0xb8;
	[tilespmem:$0x1FE00] =	vst v63  }
0x18e: {  	s14 =	rddreg [dreg:$0x18]  }
0x18f: {  	[tilespmem:s23], [sflag:$0x2] =	stream.indirect.gather [hbm4b:s4+s22], $0x80, s14, s22, $0xb8;
	[tilespmem:$0x1FE00] =	vst v63  }
0x190: {  	_ =	swait.ge [sflag:s30], $0x2000  }
0x191: {  	[sflag:s30] =	ssyncset.done $0x0  }
0x192: {  	[sflag:s30] =	ssyncadd.s32 $0xFFFFE000  }
0x193: {  	_ =	swait.ge [sflag:s31], $0x2000  }
0x194: {  	[sflag:s31] =	ssyncset.done $0x0  }
0x195: {  	s11 =	rddreg [dreg:$0x19];
	[sflag:s31] =	ssyncadd.s32 $0xFFFFE000  }
0x196: {  	[spmem:s2] =	stream.indirect.scatter.add.f32 [tilespmem:s26], [sflag:$0x4], $0x80, s11, s22, $0xb8;
	[tilespmem:$0x1FE00] =	vst v63  }
0x197: {  	s14 =	rddreg [dreg:$0x1a]  }
0x198: {  	[tilespmem:s24], [sflag:$0x3] =	stream.indirect.gather [hbm4b:s4+s22], $0x80, s14, s22, $0xb8;
	[tilespmem:$0x1FE00] =	vst v63  }
0x199: {  	_ =	swait.ge [sflag:s25], $0x2000  }
0x19a: {  	[sflag:s25] =	ssyncset.done $0x0  }
0x19b: {  	[sflag:s25] =	ssyncadd.s32 $0xFFFFE000  }
0x19c: {  	_ =	swait.ge [sflag:s1], $0x2000  }
0x19d: {  	[sflag:s1] =	ssyncset.done $0x0  }
0x19e: {  	s11 =	rddreg [dreg:$0x1b];
	[sflag:s1] =	ssyncadd.s32 $0xFFFFE000  }
0x19f: {  	[spmem:s2] =	stream.indirect.scatter.add.f32 [tilespmem:s29], [sflag:$0x5], $0x80, s11, s22, $0xb8;
	[tilespmem:$0x1FE00] =	vst v63  }
0x1a0: {  	s14 =	rddreg [dreg:$0x1c]  }
0x1a1: {  	[tilespmem:s19], [sflag:$0x1] =	stream.indirect.gather [hbm4b:s4+s22], $0x80, s14, s22, $0xb8;
	[tilespmem:$0x1FE00] =	vst v63  }
0x1a2: {  	_ =	swait.ge [sflag:s28], $0x2000  }
0x1a3: {  	[sflag:s28] =	ssyncset.done $0x0  }
0x1a4: {  	[sflag:s28] =	ssyncadd.s32 $0xFFFFE000  }
0x1a5: {  	_ =	swait.ge [sflag:s31], $0x2000  }
0x1a6: {  	[sflag:s31] =	ssyncset.done $0x0  }
0x1a7: {  	s11 =	rddreg [dreg:$0x1d];
	[sflag:s31] =	ssyncadd.s32 $0xFFFFE000  }
0x1a8: {  	[spmem:s2] =	stream.indirect.scatter.add.f32 [tilespmem:s26], [sflag:$0x4], $0x80, s11, s22, $0xb8;
	[tilespmem:$0x1FE00] =	vst v63  }
0x1a9: {  	s14 =	rddreg [dreg:$0x1e]  }
0x1aa: {  	[tilespmem:s23], [sflag:$0x2] =	stream.indirect.gather [hbm4b:s4+s22], $0x80, s14, s22, $0xb8;
	[tilespmem:$0x1FE00] =	vst v63  }
0x1ab: {  	_ =	swait.ge [sflag:s30], $0x2000  }
0x1ac: {  	[sflag:s30] =	ssyncset.done $0x0  }
0x1ad: {  	[sflag:s30] =	ssyncadd.s32 $0xFFFFE000  }
0x1ae: {  	_ =	swait.ge [sflag:s1], $0x2000  }
0x1af: {  	s11 =	rddreg [dreg:$0x1f];
	[sflag:s1] =	ssyncset.done $0x0  }
0x1b0: {  	s14 =	sld [smem:$0x7FA];
	[sflag:s1] =	ssyncadd.s32 $0xFFFFE000  }
0x1b1: {  	[spmem:s2] =	stream.indirect.scatter.add.f32 [tilespmem:s29], [sflag:$0x5], $0x80, s11, s22, $0xb8;
	[tilespmem:$0x1FE00] =	vst v63  }
0x1b2: {  	_ = 	snop  }
0x1b3: {  	[tilespmem:s24], [sflag:$0x3] =	stream.indirect.gather [hbm4b:s4+s22], $0x80, s14, s22, $0xb8;
	[tilespmem:$0x1FE00] =	vst v63  }
0x1b4: {  	_ =	swait.ge [sflag:s25], $0x2000  }
0x1b5: {  	[sflag:s25] =	ssyncset.done $0x0  }
0x1b6: {  	[sflag:s25] =	ssyncadd.s32 $0xFFFFE000  }
0x1b7: {  	_ =	swait.ge [sflag:s31], $0x2000  }
0x1b8: {  	s11 =	sld [smem:$0x7FB]  }
0x1b9: {  	[sflag:s31] =	ssyncset.done $0x0  }
0x1ba: {  	s14 =	sld [smem:$0x7FC];
	[sflag:s31] =	ssyncadd.s32 $0xFFFFE000  }
0x1bb: {  	[spmem:s2] =	stream.indirect.scatter.add.f32 [tilespmem:s26], [sflag:$0x4], $0x80, s11, s22, $0xb8;
	[tilespmem:$0x1FE00] =	vst v63  }
0x1bc: {  	_ = 	snop  }
0x1bd: {  	[tilespmem:s19], [sflag:$0x1] =	stream.indirect.gather [hbm4b:s4+s22], $0x80, s14, s22, $0xb8;
	[tilespmem:$0x1FE00] =	vst v63  }
0x1be: {  	_ =	swait.ge [sflag:s28], $0x2000  }
0x1bf: {  	[sflag:s28] =	ssyncset.done $0x0  }
0x1c0: {  	[sflag:s28] =	ssyncadd.s32 $0xFFFFE000  }
0x1c1: {  	_ =	swait.ge [sflag:s1], $0x2000  }
0x1c2: {  	s14 =	sld [smem:$0x7FD]  }
0x1c3: {  	[sflag:s1] =	ssyncset.done $0x0  }
0x1c4: {  	[sflag:s1] =	ssyncadd.s32 $0xFFFFE000  }
0x1c5: {  	[spmem:s2] =	stream.indirect.scatter.add.f32 [tilespmem:s29], [sflag:$0x5], $0x80, s14, s22, $0xb8;
	[tilespmem:$0x1FE00] =	vst v63  }
0x1c6: {  	_ = 	snop  }
0x1c7: {  	[tilespmem:s23], [sflag:$0x2] =	stream.indirect.gather [hbm4b:s4+s22], $0x80, s0, s22, $0xb8;
	[tilespmem:$0x1FE00] =	vst v63  }
0x1c8: {  	_ =	swait.ge [sflag:s30], $0x2000  }
0x1c9: {  	[sflag:s30] =	ssyncset.done $0x0  }
0x1ca: {  	[sflag:s30] =	ssyncadd.s32 $0xFFFFE000  }
0x1cb: {  	_ =	swait.ge [sflag:s31], $0x2000  }
0x1cc: {  	[sflag:s31] =	ssyncset.done $0x0  }
0x1cd: {  	[sflag:s31] =	ssyncadd.s32 $0xFFFFE000  }
0x1ce: {  	[spmem:s2] =	stream.indirect.scatter.add.f32 [tilespmem:s26], [sflag:$0x4], $0x80, s6, s22, $0xb8;
	[tilespmem:$0x1FE00] =	vst v63  }
0x1cf: {  	_ = 	snop  }
0x1d0: {  	[tilespmem:s24], [sflag:$0x3] =	stream.indirect.gather [hbm4b:s4+s22], $0x80, s7, s22, $0xb8;
	[tilespmem:$0x1FE00] =	vst v63  }
0x1d1: {  	_ =	swait.ge [sflag:s25], $0x2000  }
0x1d2: {  	[sflag:s25] =	ssyncset.done $0x0  }
0x1d3: {  	[sflag:s25] =	ssyncadd.s32 $0xFFFFE000  }
0x1d4: {  	_ =	swait.ge [sflag:s1], $0x2000  }
0x1d5: {  	[sflag:s1] =	ssyncset.done $0x0  }
0x1d6: {  	[sflag:s1] =	ssyncadd.s32 $0xFFFFE000  }
0x1d7: {  	[spmem:s2] =	stream.indirect.scatter.add.f32 [tilespmem:s29], [sflag:$0x5], $0x80, s16, s22, $0xb8;
	[tilespmem:$0x1FE00] =	vst v63  }
0x1d8: {  	_ = 	snop  }
0x1d9: {  	[tilespmem:s19], [sflag:$0x1] =	stream.indirect.gather [hbm4b:s4+s22], $0x80, s15, s22, $0xb8;
	[tilespmem:$0x1FE00] =	vst v63  }
0x1da: {  	_ =	swait.ge [sflag:s28], $0x2000  }
0x1db: {  	[sflag:s28] =	ssyncset.done $0x0  }
0x1dc: {  	[sflag:s28] =	ssyncadd.s32 $0xFFFFE000  }
0x1dd: {  	_ =	swait.ge [sflag:s31], $0x2000  }
0x1de: {  	[sflag:s31] =	ssyncset.done $0x0  }
0x1df: {  	[sflag:s31] =	ssyncadd.s32 $0xFFFFE000  }
0x1e0: {  	[spmem:s2] =	stream.indirect.scatter.add.f32 [tilespmem:s26], [sflag:$0x4], $0x80, s17, s22, $0xb8;
	[tilespmem:$0x1FE00] =	vst v63  }
0x1e1: {  	_ = 	snop  }
0x1e2: {  	[tilespmem:s23], [sflag:$0x2] =	stream.indirect.gather [hbm4b:s4+s22], $0x80, s18, s22, $0xb8;
	[tilespmem:$0x1FE00] =	vst v63  }
0x1e3: {  	_ =	swait.ge [sflag:s30], $0x2000  }
0x1e4: {  	[sflag:s30] =	ssyncset.done $0x0  }
0x1e5: {  	[sflag:s30] =	ssyncadd.s32 $0xFFFFE000  }
0x1e6: {  	_ =	swait.ge [sflag:s1], $0x2000  }
0x1e7: {  	[sflag:s1] =	ssyncset.done $0x0  }
0x1e8: {  	[sflag:s1] =	ssyncadd.s32 $0xFFFFE000  }
0x1e9: {  	[spmem:s2] =	stream.indirect.scatter.add.f32 [tilespmem:s29], [sflag:$0x5], $0x80, s8, s22, $0xb8;
	[tilespmem:$0x1FE00] =	vst v63  }
0x1ea: {  	_ =	swait.ge [sflag:s25], $0x2000  }
0x1eb: {  	[sflag:s25] =	ssyncset.done $0x0  }
0x1ec: {  	[sflag:s25] =	ssyncadd.s32 $0xFFFFE000  }
0x1ed: {  	_ =	swait.ge [sflag:s31], $0x2000  }
0x1ee: {  	[sflag:s31] =	ssyncset.done $0x0  }
0x1ef: {  	[sflag:s31] =	ssyncadd.s32 $0xFFFFE000  }
0x1f0: {  	[spmem:s2] =	stream.indirect.scatter.add.f32 [tilespmem:s26], [sflag:$0x4], $0x80, s9, s22, $0xb8;
	[tilespmem:$0x1FE00] =	vst v63  }
0x1f1: {  	_ =	swait.ge [sflag:s28], $0x2000  }
0x1f2: {  	[sflag:s28] =	ssyncset.done $0x0  }
0x1f3: {  	[sflag:s28] =	ssyncadd.s32 $0xFFFFE000  }
0x1f4: {  	_ =	swait.ge [sflag:s1], $0x2000  }
0x1f5: {  	[sflag:s1] =	ssyncset.done $0x0  }
0x1f6: {  	p1 =	sne.s32 s13, $0x1680;
	[sflag:s1] =	ssyncadd.s32 $0xFFFFE000  }
0x1f7: {  	[spmem:s2] =	stream.indirect.scatter.add.f32 [tilespmem:s29], [sflag:$0x5], $0x80, s10, s22, $0xb8;
	[tilespmem:$0x1FE00] =	vst v63  }
.Ltmp1:
0x1f8: {  	_ =	swait.ge [sflag:s31], $0x2000;
	(pc) =	sbr.rel @p1 .LBB2_4-.Ltmp1, $4  }
0x1f9: {  	[sflag:s31] =	ssyncset.done $0x0  }
0x1fa: {  	[sflag:s31] =	ssyncadd.s32 $0xFFFFE000  }
0x1fb: {  	s5 =	smov.u32 s13;
	s13 =	sadd.s32 $0x180, s13;
	_ =	swait.ge [sflag:s1], $0x2000  }
0x1fc: {  	s12 =	smov.u32 s5;
	s14 =	rddreg [dreg:$0x4];
	[sflag:s1] =	ssyncset.done $0x0  }
0x1fd: {  	[sflag:s1] =	ssyncadd.s32 $0xFFFFE000;
	s5 =	sadd.s32 s12, s14  }
0x1fe: {  	[tilespmem:s3], [sflag:$0x6] =	stream.linear.gather [hbm4b:s5+s3], $0xA00, $0x38;
	[tilespmem:$0x1FE00] =	vst v63  }
0x1ff: {  	_ =	swait.ge [sflag:s20], $0xA00  }
0x200: {  	s13 =	rddreg [dreg:$0x6];
	[sflag:s20] =	ssyncset.done $0x0  }
0x201: {  	[sflag:s20] =	ssyncadd.s32 $0xFFFFF600;
	s5 =	sadd.s32 s12, s13  }
0x202: {  	[tilespmem:s21], [sflag:$0x6] =	stream.linear.gather [hbm4b:s5+s3], $0xA00, $0x38;
	[tilespmem:$0x1FE00] =	vst v63  }
0x203: {  	_ =	swait.ge [sflag:s20], $0xA00  }
0x204: {  	s14 =	rddreg [dreg:$0x5];
	[sflag:s20] =	ssyncset.done $0x0  }
0x205: {  	s11 =	rddreg [dreg:$0x7];
	s5 =	sadd.s32 s12, s14;
	[sflag:s20] =	ssyncadd.s32 $0xFFFFF600  }
0x206: {  	[tilespmem:s11], [sflag:$0x6] =	stream.linear.gather [hbm4b:s5+s3], $0xA00, $0x38;
	[tilespmem:$0x1FE00] =	vst v63  }
0x207: {  	_ =	swait.ge [sflag:s20], $0xA00  }
0x208: {  	[sflag:s20] =	ssyncset.done $0x0  }
0x209: {  	[sflag:s20] =	ssyncadd.s32 $0xFFFFF600  }
0x20a: {  	[tilespmem:s19], [sflag:$0x1] =	stream.indirect.gather [hbm4b:s4+s22], $0x80, s3, s22, $0xb8;
	[tilespmem:$0x1FE00] =	vst v63  }
0x20b: {  	s12 =	rddreg [dreg:$0x8]  }
0x20c: {  	[tilespmem:s23], [sflag:$0x2] =	stream.indirect.gather [hbm4b:s4+s22], $0x80, s12, s22, $0xb8;
	[tilespmem:$0x1FE00] =	vst v63  }
0x20d: {  	s13 =	rddreg [dreg:$0x9]  }
0x20e: {  	[tilespmem:s24], [sflag:$0x3] =	stream.indirect.gather [hbm4b:s4+s22], $0x80, s13, s22, $0xb8;
	[tilespmem:$0x1FE00] =	vst v63  }
0x20f: {  	_ =	swait.ge [sflag:s25], $0x2000  }
0x210: {  	[sflag:s25] =	ssyncset.done $0x0  }
0x211: {  	[sflag:s25] =	ssyncadd.s32 $0xFFFFE000  }
0x212: {  	[spmem:s2] =	stream.indirect.scatter.add.f32 [tilespmem:s26], [sflag:$0x4], $0x80, s21, s22, $0xb8;
	[tilespmem:$0x1FE00] =	vst v63  }
0x213: {  	s14 =	rddreg [dreg:$0xa]  }
0x214: {  	[tilespmem:s19], [sflag:$0x1] =	stream.indirect.gather [hbm4b:s4+s22], $0x80, s14, s22, $0xb8;
	[tilespmem:$0x1FE00] =	vst v63  }
0x215: {  	_ =	swait.ge [sflag:s28], $0x2000  }
0x216: {  	[sflag:s28] =	ssyncset.done $0x0  }
0x217: {  	s11 =	rddreg [dreg:$0xb];
	[sflag:s28] =	ssyncadd.s32 $0xFFFFE000  }
0x218: {  	[spmem:s2] =	stream.indirect.scatter.add.f32 [tilespmem:s29], [sflag:$0x5], $0x80, s11, s22, $0xb8;
	[tilespmem:$0x1FE00] =	vst v63  }
0x219: {  	s12 =	rddreg [dreg:$0xc]  }
0x21a: {  	[tilespmem:s23], [sflag:$0x2] =	stream.indirect.gather [hbm4b:s4+s22], $0x80, s12, s22, $0xb8;
	[tilespmem:$0x1FE00] =	vst v63  }
0x21b: {  	_ =	swait.ge [sflag:s30], $0x2000  }
0x21c: {  	[sflag:s30] =	ssyncset.done $0x0  }
0x21d: {  	[sflag:s30] =	ssyncadd.s32 $0xFFFFE000  }
0x21e: {  	_ =	swait.ge [sflag:s31], $0x2000  }
0x21f: {  	[sflag:s31] =	ssyncset.done $0x0  }
0x220: {  	s13 =	rddreg [dreg:$0xd];
	[sflag:s31] =	ssyncadd.s32 $0xFFFFE000  }
0x221: {  	[spmem:s2] =	stream.indirect.scatter.add.f32 [tilespmem:s26], [sflag:$0x4], $0x80, s13, s22, $0xb8;
	[tilespmem:$0x1FE00] =	vst v63  }
0x222: {  	s14 =	rddreg [dreg:$0xe]  }
0x223: {  	[tilespmem:s24], [sflag:$0x3] =	stream.indirect.gather [hbm4b:s4+s22], $0x80, s14, s22, $0xb8;
	[tilespmem:$0x1FE00] =	vst v63  }
0x224: {  	_ =	swait.ge [sflag:s25], $0x2000  }
0x225: {  	[sflag:s25] =	ssyncset.done $0x0  }
0x226: {  	[sflag:s25] =	ssyncadd.s32 $0xFFFFE000  }
0x227: {  	_ =	swait.ge [sflag:s1], $0x2000  }
0x228: {  	[sflag:s1] =	ssyncset.done $0x0  }
0x229: {  	s11 =	rddreg [dreg:$0xf];
	[sflag:s1] =	ssyncadd.s32 $0xFFFFE000  }
0x22a: {  	[spmem:s2] =	stream.indirect.scatter.add.f32 [tilespmem:s29], [sflag:$0x5], $0x80, s11, s22, $0xb8;
	[tilespmem:$0x1FE00] =	vst v63  }
0x22b: {  	s12 =	rddreg [dreg:$0x10]  }
0x22c: {  	[tilespmem:s19], [sflag:$0x1] =	stream.indirect.gather [hbm4b:s4+s22], $0x80, s12, s22, $0xb8;
	[tilespmem:$0x1FE00] =	vst v63  }
0x22d: {  	_ =	swait.ge [sflag:s28], $0x2000  }
0x22e: {  	[sflag:s28] =	ssyncset.done $0x0  }
0x22f: {  	[sflag:s28] =	ssyncadd.s32 $0xFFFFE000  }
0x230: {  	_ =	swait.ge [sflag:s31], $0x2000  }
0x231: {  	[sflag:s31] =	ssyncset.done $0x0  }
0x232: {  	s13 =	rddreg [dreg:$0x11];
	[sflag:s31] =	ssyncadd.s32 $0xFFFFE000  }
0x233: {  	[spmem:s2] =	stream.indirect.scatter.add.f32 [tilespmem:s26], [sflag:$0x4], $0x80, s13, s22, $0xb8;
	[tilespmem:$0x1FE00] =	vst v63  }
0x234: {  	s14 =	rddreg [dreg:$0x12]  }
0x235: {  	[tilespmem:s23], [sflag:$0x2] =	stream.indirect.gather [hbm4b:s4+s22], $0x80, s14, s22, $0xb8;
	[tilespmem:$0x1FE00] =	vst v63  }
0x236: {  	_ =	swait.ge [sflag:s30], $0x2000  }
0x237: {  	[sflag:s30] =	ssyncset.done $0x0  }
0x238: {  	[sflag:s30] =	ssyncadd.s32 $0xFFFFE000  }
0x239: {  	_ =	swait.ge [sflag:s1], $0x2000  }
0x23a: {  	[sflag:s1] =	ssyncset.done $0x0  }
0x23b: {  	s11 =	rddreg [dreg:$0x13];
	[sflag:s1] =	ssyncadd.s32 $0xFFFFE000  }
0x23c: {  	[spmem:s2] =	stream.indirect.scatter.add.f32 [tilespmem:s29], [sflag:$0x5], $0x80, s11, s22, $0xb8;
	[tilespmem:$0x1FE00] =	vst v63  }
0x23d: {  	s12 =	rddreg [dreg:$0x14]  }
0x23e: {  	[tilespmem:s24], [sflag:$0x3] =	stream.indirect.gather [hbm4b:s4+s22], $0x80, s12, s22, $0xb8;
	[tilespmem:$0x1FE00] =	vst v63  }
0x23f: {  	_ =	swait.ge [sflag:s25], $0x2000  }
0x240: {  	[sflag:s25] =	ssyncset.done $0x0  }
0x241: {  	[sflag:s25] =	ssyncadd.s32 $0xFFFFE000  }
0x242: {  	_ =	swait.ge [sflag:s31], $0x2000  }
0x243: {  	[sflag:s31] =	ssyncset.done $0x0  }
0x244: {  	s13 =	rddreg [dreg:$0x15];
	[sflag:s31] =	ssyncadd.s32 $0xFFFFE000  }
0x245: {  	[spmem:s2] =	stream.indirect.scatter.add.f32 [tilespmem:s26], [sflag:$0x4], $0x80, s13, s22, $0xb8;
	[tilespmem:$0x1FE00] =	vst v63  }
0x246: {  	s14 =	rddreg [dreg:$0x16]  }
0x247: {  	[tilespmem:s19], [sflag:$0x1] =	stream.indirect.gather [hbm4b:s4+s22], $0x80, s14, s22, $0xb8;
	[tilespmem:$0x1FE00] =	vst v63  }
0x248: {  	_ =	swait.ge [sflag:s28], $0x2000  }
0x249: {  	[sflag:s28] =	ssyncset.done $0x0  }
0x24a: {  	[sflag:s28] =	ssyncadd.s32 $0xFFFFE000  }
0x24b: {  	_ =	swait.ge [sflag:s1], $0x2000  }
0x24c: {  	[sflag:s1] =	ssyncset.done $0x0  }
0x24d: {  	s11 =	rddreg [dreg:$0x17];
	[sflag:s1] =	ssyncadd.s32 $0xFFFFE000  }
0x24e: {  	[spmem:s2] =	stream.indirect.scatter.add.f32 [tilespmem:s29], [sflag:$0x5], $0x80, s11, s22, $0xb8;
	[tilespmem:$0x1FE00] =	vst v63  }
0x24f: {  	s12 =	rddreg [dreg:$0x18]  }
0x250: {  	[tilespmem:s23], [sflag:$0x2] =	stream.indirect.gather [hbm4b:s4+s22], $0x80, s12, s22, $0xb8;
	[tilespmem:$0x1FE00] =	vst v63  }
0x251: {  	_ =	swait.ge [sflag:s30], $0x2000  }
0x252: {  	[sflag:s30] =	ssyncset.done $0x0  }
0x253: {  	[sflag:s30] =	ssyncadd.s32 $0xFFFFE000  }
0x254: {  	_ =	swait.ge [sflag:s31], $0x2000  }
0x255: {  	[sflag:s31] =	ssyncset.done $0x0  }
0x256: {  	s13 =	rddreg [dreg:$0x19];
	[sflag:s31] =	ssyncadd.s32 $0xFFFFE000  }
0x257: {  	[spmem:s2] =	stream.indirect.scatter.add.f32 [tilespmem:s26], [sflag:$0x4], $0x80, s13, s22, $0xb8;
	[tilespmem:$0x1FE00] =	vst v63  }
0x258: {  	s14 =	rddreg [dreg:$0x1a]  }
0x259: {  	[tilespmem:s24], [sflag:$0x3] =	stream.indirect.gather [hbm4b:s4+s22], $0x80, s14, s22, $0xb8;
	[tilespmem:$0x1FE00] =	vst v63  }
0x25a: {  	_ =	swait.ge [sflag:s25], $0x2000  }
0x25b: {  	[sflag:s25] =	ssyncset.done $0x0  }
0x25c: {  	[sflag:s25] =	ssyncadd.s32 $0xFFFFE000  }
0x25d: {  	_ =	swait.ge [sflag:s1], $0x2000  }
0x25e: {  	[sflag:s1] =	ssyncset.done $0x0  }
0x25f: {  	s11 =	rddreg [dreg:$0x1b];
	[sflag:s1] =	ssyncadd.s32 $0xFFFFE000  }
0x260: {  	[spmem:s2] =	stream.indirect.scatter.add.f32 [tilespmem:s29], [sflag:$0x5], $0x80, s11, s22, $0xb8;
	[tilespmem:$0x1FE00] =	vst v63  }
0x261: {  	s12 =	rddreg [dreg:$0x1c]  }
0x262: {  	[tilespmem:s19], [sflag:$0x1] =	stream.indirect.gather [hbm4b:s4+s22], $0x80, s12, s22, $0xb8;
	[tilespmem:$0x1FE00] =	vst v63  }
0x263: {  	_ =	swait.ge [sflag:s28], $0x2000  }
0x264: {  	[sflag:s28] =	ssyncset.done $0x0  }
0x265: {  	[sflag:s28] =	ssyncadd.s32 $0xFFFFE000  }
0x266: {  	_ =	swait.ge [sflag:s31], $0x2000  }
0x267: {  	[sflag:s31] =	ssyncset.done $0x0  }
0x268: {  	s13 =	rddreg [dreg:$0x1d];
	[sflag:s31] =	ssyncadd.s32 $0xFFFFE000  }
0x269: {  	[spmem:s2] =	stream.indirect.scatter.add.f32 [tilespmem:s26], [sflag:$0x4], $0x80, s13, s22, $0xb8;
	[tilespmem:$0x1FE00] =	vst v63  }
0x26a: {  	s14 =	rddreg [dreg:$0x1e]  }
0x26b: {  	[tilespmem:s23], [sflag:$0x2] =	stream.indirect.gather [hbm4b:s4+s22], $0x80, s14, s22, $0xb8;
	[tilespmem:$0x1FE00] =	vst v63  }
0x26c: {  	_ =	swait.ge [sflag:s30], $0x2000  }
0x26d: {  	[sflag:s30] =	ssyncset.done $0x0  }
0x26e: {  	[sflag:s30] =	ssyncadd.s32 $0xFFFFE000  }
0x26f: {  	_ =	swait.ge [sflag:s1], $0x2000  }
0x270: {  	s11 =	rddreg [dreg:$0x1f];
	[sflag:s1] =	ssyncset.done $0x0  }
0x271: {  	s12 =	sld [smem:$0x7FA];
	[sflag:s1] =	ssyncadd.s32 $0xFFFFE000  }
0x272: {  	[spmem:s2] =	stream.indirect.scatter.add.f32 [tilespmem:s29], [sflag:$0x5], $0x80, s11, s22, $0xb8;
	[tilespmem:$0x1FE00] =	vst v63  }
0x273: {  	_ = 	snop  }
0x274: {  	[tilespmem:s24], [sflag:$0x3] =	stream.indirect.gather [hbm4b:s4+s22], $0x80, s12, s22, $0xb8;
	[tilespmem:$0x1FE00] =	vst v63  }
0x275: {  	_ =	swait.ge [sflag:s25], $0x2000  }
0x276: {  	[sflag:s25] =	ssyncset.done $0x0  }
0x277: {  	[sflag:s25] =	ssyncadd.s32 $0xFFFFE000  }
0x278: {  	_ =	swait.ge [sflag:s31], $0x2000  }
0x279: {  	s13 =	sld [smem:$0x7FB]  }
0x27a: {  	[sflag:s31] =	ssyncset.done $0x0  }
0x27b: {  	s14 =	sld [smem:$0x7FC];
	[sflag:s31] =	ssyncadd.s32 $0xFFFFE000  }
0x27c: {  	[spmem:s2] =	stream.indirect.scatter.add.f32 [tilespmem:s26], [sflag:$0x4], $0x80, s13, s22, $0xb8;
	[tilespmem:$0x1FE00] =	vst v63  }
0x27d: {  	_ = 	snop  }
0x27e: {  	[tilespmem:s19], [sflag:$0x1] =	stream.indirect.gather [hbm4b:s4+s22], $0x80, s14, s22, $0xb8;
	[tilespmem:$0x1FE00] =	vst v63  }
0x27f: {  	_ =	swait.ge [sflag:s28], $0x2000  }
0x280: {  	[sflag:s28] =	ssyncset.done $0x0  }
0x281: {  	[sflag:s28] =	ssyncadd.s32 $0xFFFFE000  }
0x282: {  	_ =	swait.ge [sflag:s1], $0x2000  }
0x283: {  	s12 =	sld [smem:$0x7FD]  }
0x284: {  	[sflag:s1] =	ssyncset.done $0x0  }
0x285: {  	[sflag:s1] =	ssyncadd.s32 $0xFFFFE000  }
0x286: {  	[spmem:s2] =	stream.indirect.scatter.add.f32 [tilespmem:s29], [sflag:$0x5], $0x80, s12, s22, $0xb8;
	[tilespmem:$0x1FE00] =	vst v63  }
0x287: {  	_ = 	snop  }
0x288: {  	[tilespmem:s23], [sflag:$0x2] =	stream.indirect.gather [hbm4b:s4+s22], $0x80, s0, s22, $0xb8;
	[tilespmem:$0x1FE00] =	vst v63  }
0x289: {  	_ =	swait.ge [sflag:s30], $0x2000  }
0x28a: {  	[sflag:s30] =	ssyncset.done $0x0  }
0x28b: {  	[sflag:s30] =	ssyncadd.s32 $0xFFFFE000  }
0x28c: {  	_ =	swait.ge [sflag:s31], $0x2000  }
0x28d: {  	[sflag:s31] =	ssyncset.done $0x0  }
0x28e: {  	[sflag:s31] =	ssyncadd.s32 $0xFFFFE000  }
0x28f: {  	[spmem:s2] =	stream.indirect.scatter.add.f32 [tilespmem:s26], [sflag:$0x4], $0x80, s6, s22, $0xb8;
	[tilespmem:$0x1FE00] =	vst v63  }
0x290: {  	_ = 	snop  }
0x291: {  	[tilespmem:s24], [sflag:$0x3] =	stream.indirect.gather [hbm4b:s4+s22], $0x80, s7, s22, $0xb8;
	[tilespmem:$0x1FE00] =	vst v63  }
0x292: {  	_ =	swait.ge [sflag:s25], $0x2000  }
0x293: {  	[sflag:s25] =	ssyncset.done $0x0  }
0x294: {  	[sflag:s25] =	ssyncadd.s32 $0xFFFFE000  }
0x295: {  	_ =	swait.ge [sflag:s1], $0x2000  }
0x296: {  	[sflag:s1] =	ssyncset.done $0x0  }
0x297: {  	[sflag:s1] =	ssyncadd.s32 $0xFFFFE000  }
0x298: {  	[spmem:s2] =	stream.indirect.scatter.add.f32 [tilespmem:s29], [sflag:$0x5], $0x80, s16, s22, $0xb8;
	[tilespmem:$0x1FE00] =	vst v63  }
0x299: {  	_ = 	snop  }
0x29a: {  	[tilespmem:s19], [sflag:$0x1] =	stream.indirect.gather [hbm4b:s4+s22], $0x80, s15, s22, $0xb8;
	[tilespmem:$0x1FE00] =	vst v63  }
0x29b: {  	_ =	swait.ge [sflag:s28], $0x2000  }
0x29c: {  	[sflag:s28] =	ssyncset.done $0x0  }
0x29d: {  	[sflag:s28] =	ssyncadd.s32 $0xFFFFE000  }
0x29e: {  	_ =	swait.ge [sflag:s31], $0x2000  }
0x29f: {  	[sflag:s31] =	ssyncset.done $0x0  }
0x2a0: {  	[sflag:s31] =	ssyncadd.s32 $0xFFFFE000  }
0x2a1: {  	[spmem:s2] =	stream.indirect.scatter.add.f32 [tilespmem:s26], [sflag:$0x4], $0x80, s17, s22, $0xb8;
	[tilespmem:$0x1FE00] =	vst v63  }
0x2a2: {  	_ = 	snop  }
0x2a3: {  	[tilespmem:s23], [sflag:$0x2] =	stream.indirect.gather [hbm4b:s4+s22], $0x80, s18, s22, $0xb8;
	[tilespmem:$0x1FE00] =	vst v63  }
0x2a4: {  	_ =	swait.ge [sflag:s30], $0x2000  }
0x2a5: {  	[sflag:s30] =	ssyncset.done $0x0  }
0x2a6: {  	[sflag:s30] =	ssyncadd.s32 $0xFFFFE000  }
0x2a7: {  	_ =	swait.ge [sflag:s1], $0x2000  }
0x2a8: {  	[sflag:s1] =	ssyncset.done $0x0  }
0x2a9: {  	[sflag:s1] =	ssyncadd.s32 $0xFFFFE000  }
0x2aa: {  	[spmem:s2] =	stream.indirect.scatter.add.f32 [tilespmem:s29], [sflag:$0x5], $0x80, s8, s22, $0xb8;
	[tilespmem:$0x1FE00] =	vst v63  }
0x2ab: {  	_ =	swait.ge [sflag:s25], $0x2000  }
0x2ac: {  	[sflag:s25] =	ssyncset.done $0x0  }
0x2ad: {  	[sflag:s25] =	ssyncadd.s32 $0xFFFFE000  }
0x2ae: {  	_ =	swait.ge [sflag:s31], $0x2000  }
0x2af: {  	[sflag:s31] =	ssyncset.done $0x0  }
0x2b0: {  	[sflag:s31] =	ssyncadd.s32 $0xFFFFE000  }
0x2b1: {  	[spmem:s2] =	stream.indirect.scatter.add.f32 [tilespmem:s26], [sflag:$0x4], $0x80, s9, s22, $0xb8;
	[tilespmem:$0x1FE00] =	vst v63  }
0x2b2: {  	_ =	swait.ge [sflag:s28], $0x2000  }
0x2b3: {  	[sflag:s28] =	ssyncset.done $0x0  }
0x2b4: {  	[sflag:s28] =	ssyncadd.s32 $0xFFFFE000  }
0x2b5: {  	_ =	swait.ge [sflag:s1], $0x2000  }
0x2b6: {  	[sflag:s1] =	ssyncset.done $0x0  }
0x2b7: {  	[sflag:s1] =	ssyncadd.s32 $0xFFFFE000  }
0x2b8: {  	[spmem:s2] =	stream.indirect.scatter.add.f32 [tilespmem:s29], [sflag:$0x5], $0x80, s10, s22, $0xb8;
	[tilespmem:$0x1FE00] =	vst v63  }
0x2b9: {  	_ =	swait.ge [sflag:s31], $0x2000  }
0x2ba: {  	[sflag:s31] =	ssyncset.done $0x0  }
0x2bb: {  	[sflag:s31] =	ssyncadd.s32 $0xFFFFE000  }
0x2bc: {  	_ =	swait.ge [sflag:s1], $0x2000  }
0x2bd: {  	[sflag:s1] =	ssyncset.done $0x0  }
0x2be: {  	[sflag:s1] =	ssyncadd.s32 $0xFFFFE000  }
0x2bf: {  	[bflag:$0x0] =	sbarrier.arrive $0xFFFF  }
0x2c0: {  	s5 =	sld [smem:$0x7F2]  }
0x2c1: {  	s12 =	sld [smem:$0x7F0];
	_ =	sdelay $0x1  }
0x2c2: {  	s11 =	simm.s32 @p0 $0x1FC6;
	s5 =	sshrl.u32 @p0 s5, $0x3  }
0x2c3: {  	[hbm:s12], [sflag:s11] =	dma.local @p0 [spmem:s5], $0x1C00  }
0x2c4: {  	s5 =	simm.s32 @p0 $0x6  }
0x2c5: {  	s11 =	stileid.u32;
	_ =	swait.ge @p0 [sflag:s5], $0x1C00  }
0x2c6: {  	s11 =	sshll.u32 @!p0 s11, $0x6;
	[sflag:s5] =	ssyncset.done @p0 $0x0  }
0x2c7: {  	[sflag:s5] =	ssyncadd.s32 @p0 $0xFFFFE400;
	s5 =	sor.u32 @!p0 $0x1C06, s11;
	s11 =	sld [smem:$0x7EE]  }
0x2c8: {  	s12 =	sld [smem:$0x7EF];
	_ =	sdelay $0x1  }
0x2c9: {  	s11 =	sshrl.u32 @!p0 s11, $0x3  }
0x2ca: {  	[hbm:s12], [sflag:s5] =	dma.local @!p0 [spmem:s11], $0x2800  }
0x2cb: {  	s5 =	simm.s32 @!p0 $0x6  }
0x2cc: {  	_ =	swait.ge @!p0 [sflag:s5], $0x2800  }
0x2cd: {  	s13 =	sld [smem:$0x7EB]  }
0x2ce: {  	s14 =	sld [smem:$0x7F1];
	_ =	sdelay $0x1  }
0x2cf: {  	s12 =	sadd.s32 $0x1, s13  }
0x2d0: {  	p1 =	sne.s32 s12, s14  }
.Ltmp2:
0x2d1: {  	_ = 	snop;
	(pc) =	sbr.rel @p1 .LBB2_1-.Ltmp2, $3  }
0x2d2: {  	_ =	sdelay $0x1  }
0x2d3: {  	[sflag:s5] =	ssyncset.done @!p0 $0x0  }
0x2d4: {  	[sflag:s5] =	ssyncadd.s32 @!p0 $0xFFFFD800  }
0x2d5: {  	_ =	sfence.sel $0x180000  }
0x2d6: {  	[bflag:$0x0] =	sbarrier.arrive $0xFFFF  }
0x2d7: {  	_ =	strace $0x9000004A  }
0x2d8: {  	s0 =	stileid.u32;
	[bflag:$0x2] =	sbarrier.arrive $0xFFFF  }
0x2d9: {  	p0 =	sne.s32 s0, $0x0;
	s0 =	rddreg [dreg:$0x3]  }
0x2da: {  	s0 =	sadd.s32 @!p0 $0x100000, s0  }
0x2db: {  	[sflag:s0] =	ssyncadd.tile.s32 @!p0 $0x1;
	_ =	shalt  }
.Lfunc_end2:
_tile_overlayer_lowered:
.L_overlay_start_2:
0x2dc: {  	(tag) =	ssettag $0x2  }
0x2dd: {  	s0 =	rddreg [dreg:$0x0];
	s2 =	stileid.u32  }
0x2de: {  	s1 =	rddreg [dreg:$0x1];
	p0 =	sne.s32 s2, $0x0  }
0x2df: {  	s3 =	rddreg [dreg:$0x2];
	[bflag:$0x3] =	sbarrier.arrive $0xFFFF;
	s2 =	simm.s32 @!p0 $0x1C06  }
0x2e0: {  	[timem:s3], [sflag:s2] =	dma.local @!p0 [hbm:s0], s1  }
0x2e1: {  	s0 =	simm.s32 @!p0 $0x6  }
0x2e2: {  	_ =	swait.ge @!p0 [sflag:s0], s1  }
0x2e3: {  	s1 =	ssub.s32 @!p0 $0x0, s1;
	[sflag:s0] =	ssyncset.done @!p0 $0x0  }
0x2e4: {  	[sflag:s0] =	ssyncadd.s32 @!p0 s1  }
0x2e5: {  	[bflag:$0x3] =	sbarrier.arrive $0xFFFF  }
0x2e6: {  	_ =	shalt  }

</sc_bundles>
